<compile_context>
chip_gen: v7x
topology: tpu7x:2x2x1
jax: 0.10.2.dev20260603
libtpu: 0.0.44.dev20260713+nightly
codegen_flags: <defaults>
</compile_context>

<pallas_src>
import functools

import jax
import jax.numpy as jnp
from jax import lax
from jax.experimental import pallas as pl
from jax.experimental.pallas import tpu as pltpu
from jax.experimental.pallas import tpu_sc as plsc

N = 10000
E = 320000
NP = 10240
NC = 2
NS = 16
HD = 64
CHUNK = 128
C2 = 160
EP = NS * C2 * CHUNK
SR = NP // NS
NB = 4
BLK = 2048


@functools.cache
def _make_sc_aggregate(with_deg):
    out_type = [jax.ShapeDtypeStruct((NC, NP, HD), jnp.float32)]
    if with_deg:
        out_type.append(jax.ShapeDtypeStruct((NP, 16), jnp.float32))
    scratch = (
        [pltpu.VMEM((C2, CHUNK), jnp.int32),
         pltpu.VMEM((C2, CHUNK), jnp.int32)]
        + [pltpu.VMEM((CHUNK, HD), jnp.float32)] * NB
        + [pltpu.VMEM((CHUNK, 16), jnp.float32),
           pltpu.VMEM_SHARED((NP, HD), jnp.float32)]
        + [pltpu.SemaphoreType.DMA] * (2 * NB)
    )
    if with_deg:
        scratch += (
            [pltpu.VMEM((CHUNK, 16), jnp.float32),
             pltpu.VMEM_SHARED((NP, 16), jnp.float32)]
            + [pltpu.SemaphoreType.DMA] * NB
        )
    mesh = plsc.VectorSubcoreMesh(core_axis_name="c", subcore_axis_name="s",
                                  num_cores=NC, num_subcores=NS)

    @functools.partial(
        pl.kernel,
        out_type=tuple(out_type) if with_deg else out_type[0],
        mesh=mesh,
        scratch_types=scratch,
        compiler_params=pltpu.CompilerParams(use_tc_tiling_on_sc=False),
    )
    def sc_aggregate(table_hbm, edges_hbm, *refs):
        if with_deg:
            agg_out, deg_out = refs[0], refs[1]
            refs = refs[2:]
        else:
            agg_out, deg_out = refs[0], None
            refs = refs[1:]
        src_v, dst_v = refs[0], refs[1]
        rows = refs[2:2 + NB]
        zer16, acc_sh = refs[2 + NB], refs[3 + NB]
        gsem = refs[4 + NB:4 + 2 * NB]
        ssem = refs[4 + 2 * NB:4 + 3 * NB]
        if with_deg:
            ones_v, deg_sh = refs[4 + 3 * NB], refs[5 + 3 * NB]
            dsem = refs[6 + 3 * NB:6 + 4 * NB]
        cid = lax.axis_index("c")
        sid = lax.axis_index("s")
        on_core0 = cid == 0

        idx_cp0 = pltpu.make_async_copy(edges_hbm.at[0, sid], src_v, gsem[0])
        idx_cp1 = pltpu.make_async_copy(edges_hbm.at[1, sid], dst_v, gsem[1])
        idx_cp0.start()
        idx_cp1.start()

        @pl.loop(0, CHUNK)
        def _(r):
            @pl.loop(0, HD // 16)
            def _(k):
                rows[0][r, pl.ds(k * 16, 16)] = jnp.zeros((16,), jnp.float32)

            zer16[r, pl.ds(0, 16)] = jnp.zeros((16,), jnp.float32)
            if with_deg:
                ones_v[r, pl.ds(0, 16)] = jnp.ones((16,), jnp.float32)

        for t in range(SR // CHUNK):
            pltpu.sync_copy(rows[0], acc_sh.at[pl.ds(sid * SR + t * CHUNK, CHUNK)])
        if with_deg:
            @pl.when(on_core0)
            def _():
                for t in range(SR // CHUNK):
                    pltpu.sync_copy(
                        zer16, deg_sh.at[pl.ds(sid * SR + t * CHUNK, CHUNK)])
        idx_cp0.wait()
        idx_cp1.wait()
        plsc.subcore_barrier()

        table = table_hbm.at[cid]

        def g_copy(j, u):
            return pltpu.make_async_copy(table.at[src_v.at[j]], rows[u],
                                         gsem[u])

        class _Sadd:

            def __init__(self, src, dst, sem):
                self.src, self.dst, self.sem = src, dst, sem

            def start(self):
                pltpu.async_copy(self.src, self.dst, self.sem, add=True)

            def wait(self):
                pltpu.make_async_copy(self.src, self.dst, self.sem).wait()

        def s_copy(j, u):
            return _Sadd(rows[u], acc_sh.at[dst_v.at[j]], ssem[u])

        def d_copy(j, u):
            return _Sadd(ones_v, deg_sh.at[dst_v.at[j]], dsem[u])

        for u in range(NB // 2):
            g_copy(u, u).start()

        @pl.loop(0, C2, step=NB)
        def _(j):
            for u in range(NB):
                jj = j + u
                g_copy(jj, u).wait()
                s_copy(jj, u).start()
                if with_deg:
                    @pl.when(on_core0)
                    def _():
                        d_copy(jj, u).start()
                r = (u + NB // 2) % NB
                jr = jj + NB // 2

                @pl.when(jr < C2)
                def _():
                    @pl.when(jr - NB >= 0)
                    def _():
                        s_copy(0, r).wait()
                        if with_deg:
                            @pl.when(on_core0)
                            def _():
                                d_copy(0, r).wait()

                    g_copy(jr, r).start()

        for u in range(NB):
            s_copy(0, u).wait()
            if with_deg:
                @pl.when(on_core0)
                def _():
                    d_copy(0, u).wait()

        plsc.subcore_barrier()
        pltpu.sync_copy(acc_sh.at[pl.ds(sid * SR, SR)],
                        agg_out.at[cid, pl.ds(sid * SR, SR)])
        if with_deg:
            @pl.when(on_core0)
            def _():
                pltpu.sync_copy(deg_sh.at[pl.ds(sid * SR, SR)],
                                deg_out.at[pl.ds(sid * SR, SR)])

    return sc_aggregate


def _bdot(a, w_ref):
    return jnp.dot(a.astype(jnp.bfloat16), w_ref[...].astype(jnp.bfloat16),
                   preferred_element_type=jnp.float32)


def _mean_msgs(agg_ref, deg_ref):
    agg = jnp.concatenate([agg_ref[0], agg_ref[1]], axis=-1)
    rdeg = 1.0 / jnp.maximum(deg_ref[:, 0], 1.0)
    return agg * rdeg[:, None]


def _tc1_body(x_ref, agg_ref, deg_ref, ws_ref, wn_ref, b_ref, h1_ref):
    x = jnp.concatenate([x_ref[0], x_ref[1]], axis=-1)
    m = _mean_msgs(agg_ref, deg_ref)
    h = _bdot(x, ws_ref) + _bdot(m, wn_ref) + b_ref[...]
    h1 = jnp.maximum(h, 0.0)
    h1_ref[0] = h1[:, :HD]
    h1_ref[1] = h1[:, HD:]


def _tc2_body(h1_ref, agg_ref, deg_ref, ws_ref, wn_ref, b_ref, wl_ref,
              bl_ref, out_ref):
    h1 = jnp.concatenate([h1_ref[0], h1_ref[1]], axis=-1)
    m = _mean_msgs(agg_ref, deg_ref)
    h2 = jnp.maximum(_bdot(h1, ws_ref) + _bdot(m, wn_ref) + b_ref[...], 0.0)
    out_ref[...] = _bdot(h1 + h2, wl_ref) + bl_ref[...]


_half_spec = pl.BlockSpec((NC, BLK, HD), lambda i: (0, i, 0))
_deg_spec = pl.BlockSpec((BLK, 16), lambda i: (i, 0))
_w_spec = pl.BlockSpec((128, 128), lambda i: (0, 0))
_b_spec = pl.BlockSpec((1, 128), lambda i: (0, 0))
BLK2 = 2000
_row_spec2 = pl.BlockSpec((BLK2, 128), lambda i: (i, 0))
_half_spec2 = pl.BlockSpec((NC, BLK2, HD), lambda i: (0, i, 0))
_deg_spec2 = pl.BlockSpec((BLK2, 16), lambda i: (i, 0))


def _tc_layer1(x2, aggp, degp, Ws, Wn, b):
    return pl.pallas_call(
        _tc1_body,
        grid=(NP // BLK,),
        in_specs=[_half_spec, _half_spec, _deg_spec, _w_spec, _w_spec,
                  _b_spec],
        out_specs=_half_spec,
        out_shape=jax.ShapeDtypeStruct((NC, NP, HD), jnp.float32),
    )(x2, aggp, degp, Ws, Wn, b.reshape(1, 128))


def _tc_layer2(h1_2, aggp, degp, Ws, Wn, b, Wl, bl):
    return pl.pallas_call(
        _tc2_body,
        grid=(N // BLK2,),
        in_specs=[_half_spec2, _half_spec2, _deg_spec2, _w_spec, _w_spec,
                  _b_spec, _w_spec, _b_spec],
        out_specs=_row_spec2,
        out_shape=jax.ShapeDtypeStruct((N, 128), jnp.float32),
    )(h1_2, aggp, degp, Ws, Wn, b.reshape(1, 128), Wl, bl.reshape(1, 128))


def kernel(x, edge_index, W1_self, W1_neigh, b1, W2_self, W2_neigh, b2,
           W_lin, b_lin):
    edges = jnp.pad(edge_index, ((0, 0), (0, EP - E)),
                    constant_values=N).reshape(2, NS, C2, CHUNK)
    x_p = jnp.pad(x, ((0, NP - N), (0, 0)))
    x2 = jnp.stack([x_p[:, :HD], x_p[:, HD:]])

    aggp1, degp = _make_sc_aggregate(True)(x2, edges)
    h1_2 = _tc_layer1(x2, aggp1, degp, W1_self, W1_neigh, b1)
    aggp2 = _make_sc_aggregate(False)(h1_2, edges)
    return _tc_layer2(h1_2, aggp2, degp, W2_self, W2_neigh, b2, W_lin, b_lin)

# --- scband reference (transcript-rebuilt; emitter-appended) ---
"""Pipeline reference for scband-block-24120536334756 (READ-ONLY COPY).

The authoritative reference and input builder live on the scoring server;
editing this copy changes nothing except your own understanding.
"""

import jax, jax.numpy as jnp
import numpy as np

N = 10000
E = 320000
D = 128
H = 128
O = 128


def _glorot(key, shape):
    fan_in, fan_out = shape[0], shape[1]
    limit = float(np.sqrt(6.0 / (fan_in + fan_out)))
    return jax.random.uniform(key, shape, jnp.float32, -limit, limit)


def setup_inputs(seed: int = 0) -> dict:
    key = jax.random.key(seed)
    ks = jax.random.split(key, 9)
    x = jax.random.normal(ks[0], (N, D), jnp.float32)
    edge_index = jax.random.randint(ks[1], (2, E), 0, N, dtype=jnp.int32)
    W1_self = _glorot(ks[2], (D, H))
    W1_neigh = _glorot(ks[3], (D, H))
    b1 = jnp.zeros((H,), jnp.float32)
    W2_self = _glorot(ks[4], (H, H))
    W2_neigh = _glorot(ks[5], (H, H))
    b2 = jnp.zeros((H,), jnp.float32)
    W_lin = _glorot(ks[6], (H, O))
    b_lin = jnp.zeros((O,), jnp.float32)
    return {
        "x": x,
        "edge_index": edge_index,
        "W1_self": W1_self,
        "W1_neigh": W1_neigh,
        "b1": b1,
        "W2_self": W2_self,
        "W2_neigh": W2_neigh,
        "b2": b2,
        "W_lin": W_lin,
        "b_lin": b_lin,
    }


def reference(x, edge_index, W1_self, W1_neigh, b1, W2_self, W2_neigh, b2, W_lin, b_lin):
    src = edge_index[0]
    dst = edge_index[1]

    def conv(h, Ws, Wn, b):
        # SAGE-style conv: mean-aggregate neighbor features, combine with self, ReLU
        msgs = jnp.take(h, src, axis=0)
        agg = jax.ops.segment_sum(msgs, dst, num_segments=N)
        deg = jax.ops.segment_sum(jnp.ones((E,), h.dtype), dst, num_segments=N)
        agg = agg / jnp.maximum(deg, 1.0)[:, None]
        return jax.nn.relu(h @ Ws + agg @ Wn + b)

    h1 = conv(x, W1_self, W1_neigh, b1)
    h2 = conv(h1, W2_self, W2_neigh, b2)
    # mode == 'sum': stack layer outputs and sum
    hs = h1 + h2
    return hs @ W_lin + b_lin

if __name__ == "__main__":
    import jax
    _d = setup_inputs()
    print(jax.jit(kernel)(*tuple(_d.values())))

</pallas_src>

<mosaic_0001>
#map = affine_map<(d0, d1) -> (0, 0, 0)>
#map1 = affine_map<(d0, d1) -> (0, 0, 0, 0)>
module attributes {stable_mosaic.version = 14 : i64} {
  func.func @sc_aggregate(%arg0: i32, %arg1: i32, %arg2: memref<2x10240x64xf32, #tpu.memory_space<hbm>>, %arg3: memref<2x16x160x128xi32, #tpu.memory_space<hbm>>, %arg4: memref<2x10240x64xf32, #tpu.memory_space<hbm>>, %arg5: memref<160x128xi32, #tpu.memory_space<vmem>>, %arg6: memref<160x128xi32, #tpu.memory_space<vmem>>, %arg7: memref<128x64xf32, #tpu.memory_space<vmem>>, %arg8: memref<128x64xf32, #tpu.memory_space<vmem>>, %arg9: memref<128x64xf32, #tpu.memory_space<vmem>>, %arg10: memref<128x64xf32, #tpu.memory_space<vmem>>, %arg11: memref<128x16xf32, #tpu.memory_space<vmem>>, %arg12: memref<10240x64xf32, #tpu.memory_space<vmem_shared>>, %arg13: memref<!tpu.dma_semaphore, #tpu.memory_space<semaphore_mem>>, %arg14: memref<!tpu.dma_semaphore, #tpu.memory_space<semaphore_mem>>, %arg15: memref<!tpu.dma_semaphore, #tpu.memory_space<semaphore_mem>>, %arg16: memref<!tpu.dma_semaphore, #tpu.memory_space<semaphore_mem>>, %arg17: memref<!tpu.dma_semaphore, #tpu.memory_space<semaphore_mem>>, %arg18: memref<!tpu.dma_semaphore, #tpu.memory_space<semaphore_mem>>, %arg19: memref<!tpu.dma_semaphore, #tpu.memory_space<semaphore_mem>>, %arg20: memref<!tpu.dma_semaphore, #tpu.memory_space<semaphore_mem>>) attributes {dimension_semantics = [#tpu.dimension_semantics<core_parallel>, #tpu.dimension_semantics<subcore_parallel>], iteration_bounds = array<i64: 2, 16>, scalar_prefetch = 0 : i64, scratch_operands = 16 : i64, tpu.core_type = #tpu.core_type<sc_vector_subcore>, window_params = [{transform_indices = #map}, {transform_indices = #map1}, {transform_indices = #map}]} {
    %eq3A = arith.constant 0 : i32
    %eq3A_0 = arith.cmpi eq, %arg0, %eq3A : i32
    %dma_start3A = arith.constant 0 : i32
    %dma_start3A_1 = arith.constant 0 : i32
    %dma_start3A_2 = arith.constant 0 : i32
    %dma_start3A_3 = tpu.memref_slice %arg3[%dma_start3A, %arg1, %dma_start3A_1, %dma_start3A_2] : memref<2x16x160x128xi32, #tpu.memory_space<hbm>> -> memref<1x1x160x128xi32, #tpu.memory_space<hbm>>
    %dma_start3A_4 = tpu.memref_squeeze %dma_start3A_3 : memref<1x1x160x128xi32, #tpu.memory_space<hbm>> -> memref<160x128xi32, #tpu.memory_space<hbm>>
    %dma_start3A_5 = arith.constant 0 : i32
    %dma_start3A_6 = arith.constant 0 : i32
    %dma_start3A_7 = tpu.memref_slice %arg3[%dma_start3A, %arg1, %dma_start3A_5, %dma_start3A_6] : memref<2x16x160x128xi32, #tpu.memory_space<hbm>> -> memref<1x1x160x128xi32, #tpu.memory_space<hbm>>
    %dma_start3A_8 = tpu.memref_squeeze %dma_start3A_7 : memref<1x1x160x128xi32, #tpu.memory_space<hbm>> -> memref<160x128xi32, #tpu.memory_space<hbm>>
    tpu.enqueue_dma source(%dma_start3A_8 : memref<160x128xi32, #tpu.memory_space<hbm>>) target(%arg5 : memref<160x128xi32, #tpu.memory_space<vmem>>) target_semaphore(%arg13 : memref<!tpu.dma_semaphore, #tpu.memory_space<semaphore_mem>>)
    %dma_start3A_9 = arith.constant 1 : i32
    %dma_start3A_10 = arith.constant 0 : i32
    %dma_start3A_11 = arith.constant 0 : i32
    %dma_start3A_12 = tpu.memref_slice %arg3[%dma_start3A_9, %arg1, %dma_start3A_10, %dma_start3A_11] : memref<2x16x160x128xi32, #tpu.memory_space<hbm>> -> memref<1x1x160x128xi32, #tpu.memory_space<hbm>>
    %dma_start3A_13 = tpu.memref_squeeze %dma_start3A_12 : memref<1x1x160x128xi32, #tpu.memory_space<hbm>> -> memref<160x128xi32, #tpu.memory_space<hbm>>
    %dma_start3A_14 = arith.constant 0 : i32
    %dma_start3A_15 = arith.constant 0 : i32
    %dma_start3A_16 = tpu.memref_slice %arg3[%dma_start3A_9, %arg1, %dma_start3A_14, %dma_start3A_15] : memref<2x16x160x128xi32, #tpu.memory_space<hbm>> -> memref<1x1x160x128xi32, #tpu.memory_space<hbm>>
    %dma_start3A_17 = tpu.memref_squeeze %dma_start3A_16 : memref<1x1x160x128xi32, #tpu.memory_space<hbm>> -> memref<160x128xi32, #tpu.memory_space<hbm>>
    tpu.enqueue_dma source(%dma_start3A_17 : memref<160x128xi32, #tpu.memory_space<hbm>>) target(%arg6 : memref<160x128xi32, #tpu.memory_space<vmem>>) target_semaphore(%arg14 : memref<!tpu.dma_semaphore, #tpu.memory_space<semaphore_mem>>)
    %scan3A = arith.constant 0 : i32
    %scan3A_18 = arith.constant 128 : i32
    %scan3A_19 = arith.addi %scan3A, %scan3A_18 : i32
    %scan3A_20 = arith.constant 1 : i32
    scf.for %scan3A_117 = %scan3A to %scan3A_19 step %scan3A_20  : i32 {
      %mul3A_118 = arith.constant 1 : i32
      %mul3A_119 = arith.muli %scan3A_117, %mul3A_118 : i32
      %add3A_120 = arith.constant 0 : i32
      %add3A_121 = arith.addi %add3A_120, %mul3A_119 : i32
      %scan3A_122 = arith.constant 0 : i32
      %scan3A_123 = arith.constant 4 : i32
      %scan3A_124 = arith.addi %scan3A_122, %scan3A_123 : i32
      %scan3A_125 = arith.constant 1 : i32
      scf.for %scan3A_132 = %scan3A_122 to %scan3A_124 step %scan3A_125  : i32 {
        %mul3A_133 = arith.constant 1 : i32
        %mul3A_134 = arith.muli %scan3A_132, %mul3A_133 : i32
        %add3A_135 = arith.constant 0 : i32
        %add3A_136 = arith.addi %add3A_135, %mul3A_134 : i32
        %broadcast_in_dim3A_137 = arith.constant 0.000000e+00 : f32
        %broadcast_in_dim3A_138 = vector.broadcast %broadcast_in_dim3A_137 : f32 to vector<16xf32>
        %mul3A_139 = arith.constant 16 : i32
        %mul3A_140 = arith.muli %add3A_136, %mul3A_139 : i32
        %swap3A_141 = arith.index_cast %add3A_121 : i32 to index
        %swap3A_142 = arith.index_cast %mul3A_140 : i32 to index
        %swap3A_143 = tpu.vector_load %arg7[%swap3A_141, %swap3A_142] {strides = array<i32>} : memref<128x64xf32, #tpu.memory_space<vmem>>, vector<1x16xf32>,
        %swap3A_144 = vector.shape_cast %swap3A_143 : vector<1x16xf32> to vector<16xf32>
        %swap3A_145 = vector.shape_cast %broadcast_in_dim3A_138 : vector<16xf32> to vector<1x16xf32>
        tpu.vector_store %arg7[%swap3A_141, %swap3A_142], %swap3A_145 {strides = array<i32>} : memref<128x64xf32, #tpu.memory_space<vmem>>, vector<1x16xf32>,
      }
      %scan3A_126 = arith.constant 4 : i32
      %broadcast_in_dim3A = arith.constant 0.000000e+00 : f32
      %broadcast_in_dim3A_127 = vector.broadcast %broadcast_in_dim3A : f32 to vector<16xf32>
      %swap3A = arith.index_cast %add3A_121 : i32 to index
      %swap3A_128 = arith.constant 0 : index
      %swap3A_129 = tpu.vector_load %arg11[%swap3A, %swap3A_128] {strides = array<i32>} : memref<128x16xf32, #tpu.memory_space<vmem>>, vector<1x16xf32>,
      %swap3A_130 = vector.shape_cast %swap3A_129 : vector<1x16xf32> to vector<16xf32>
      %swap3A_131 = vector.shape_cast %broadcast_in_dim3A_127 : vector<16xf32> to vector<1x16xf32>
      tpu.vector_store %arg11[%swap3A, %swap3A_128], %swap3A_131 {strides = array<i32>} : memref<128x16xf32, #tpu.memory_space<vmem>>, vector<1x16xf32>,
    }
    %scan3A_21 = arith.constant 128 : i32
    %mul3A = arith.constant 640 : i32
    %mul3A_22 = arith.muli %arg1, %mul3A : i32
    %add3A = arith.constant 0 : i32
    %add3A_23 = arith.addi %mul3A_22, %add3A : i32
    "tpu.region"() ({
      %run_scoped3A = tpu.sem_alloc : memref<!tpu.dma_semaphore, #tpu.memory_space<semaphore_mem>>
      %dma_start3A_117 = arith.constant 0 : i32
      %dma_start3A_118 = tpu.memref_slice %arg12[%add3A_23, %dma_start3A_117] : memref<10240x64xf32, #tpu.memory_space<vmem_shared>> -> memref<128x64xf32, #tpu.memory_space<vmem_shared>>
      %dma_start3A_119 = arith.constant 0 : i32
      %dma_start3A_120 = tpu.memref_slice %arg12[%add3A_23, %dma_start3A_119] : memref<10240x64xf32, #tpu.memory_space<vmem_shared>> -> memref<128x64xf32, #tpu.memory_space<vmem_shared>>
      tpu.enqueue_dma source(%arg7 : memref<128x64xf32, #tpu.memory_space<vmem>>) target(%dma_start3A_120 : memref<128x64xf32, #tpu.memory_space<vmem_shared>>) target_semaphore(%run_scoped3A : memref<!tpu.dma_semaphore, #tpu.memory_space<semaphore_mem>>)
      %dma_wait3A_121 = arith.constant 0 : i32
      %dma_wait3A_122 = tpu.memref_slice %arg12[%add3A_23, %dma_wait3A_121] : memref<10240x64xf32, #tpu.memory_space<vmem_shared>> -> memref<128x64xf32, #tpu.memory_space<vmem_shared>>
      %dma_wait3A_123 = arith.constant 0 : i32
      %dma_wait3A_124 = tpu.memref_slice %arg12[%add3A_23, %dma_wait3A_123] : memref<10240x64xf32, #tpu.memory_space<vmem_shared>> -> memref<128x64xf32, #tpu.memory_space<vmem_shared>>
      tpu.wait_dma2 semaphore(%run_scoped3A : memref<!tpu.dma_semaphore, #tpu.memory_space<semaphore_mem>>) src(%arg7 : memref<128x64xf32, #tpu.memory_space<vmem>>) dst(%dma_wait3A_124 : memref<128x64xf32, #tpu.memory_space<vmem_shared>>)
      tpu.yield
    }) : () -> ()
    %mul3A_24 = arith.constant 640 : i32
    %mul3A_25 = arith.muli %arg1, %mul3A_24 : i32
    %add3A_26 = arith.constant 128 : i32
    %add3A_27 = arith.addi %mul3A_25, %add3A_26 : i32
    "tpu.region"() ({
      %run_scoped3A = tpu.sem_alloc : memref<!tpu.dma_semaphore, #tpu.memory_space<semaphore_mem>>
      %dma_start3A_117 = arith.constant 0 : i32
      %dma_start3A_118 = tpu.memref_slice %arg12[%add3A_27, %dma_start3A_117] : memref<10240x64xf32, #tpu.memory_space<vmem_shared>> -> memref<128x64xf32, #tpu.memory_space<vmem_shared>>
      %dma_start3A_119 = arith.constant 0 : i32
      %dma_start3A_120 = tpu.memref_slice %arg12[%add3A_27, %dma_start3A_119] : memref<10240x64xf32, #tpu.memory_space<vmem_shared>> -> memref<128x64xf32, #tpu.memory_space<vmem_shared>>
      tpu.enqueue_dma source(%arg7 : memref<128x64xf32, #tpu.memory_space<vmem>>) target(%dma_start3A_120 : memref<128x64xf32, #tpu.memory_space<vmem_shared>>) target_semaphore(%run_scoped3A : memref<!tpu.dma_semaphore, #tpu.memory_space<semaphore_mem>>)
      %dma_wait3A_121 = arith.constant 0 : i32
      %dma_wait3A_122 = tpu.memref_slice %arg12[%add3A_27, %dma_wait3A_121] : memref<10240x64xf32, #tpu.memory_space<vmem_shared>> -> memref<128x64xf32, #tpu.memory_space<vmem_shared>>
      %dma_wait3A_123 = arith.constant 0 : i32
      %dma_wait3A_124 = tpu.memref_slice %arg12[%add3A_27, %dma_wait3A_123] : memref<10240x64xf32, #tpu.memory_space<vmem_shared>> -> memref<128x64xf32, #tpu.memory_space<vmem_shared>>
      tpu.wait_dma2 semaphore(%run_scoped3A : memref<!tpu.dma_semaphore, #tpu.memory_space<semaphore_mem>>) src(%arg7 : memref<128x64xf32, #tpu.memory_space<vmem>>) dst(%dma_wait3A_124 : memref<128x64xf32, #tpu.memory_space<vmem_shared>>)
      tpu.yield
    }) : () -> ()
    %mul3A_28 = arith.constant 640 : i32
    %mul3A_29 = arith.muli %arg1, %mul3A_28 : i32
    %add3A_30 = arith.constant 256 : i32
    %add3A_31 = arith.addi %mul3A_29, %add3A_30 : i32
    "tpu.region"() ({
      %run_scoped3A = tpu.sem_alloc : memref<!tpu.dma_semaphore, #tpu.memory_space<semaphore_mem>>
      %dma_start3A_117 = arith.constant 0 : i32
      %dma_start3A_118 = tpu.memref_slice %arg12[%add3A_31, %dma_start3A_117] : memref<10240x64xf32, #tpu.memory_space<vmem_shared>> -> memref<128x64xf32, #tpu.memory_space<vmem_shared>>
      %dma_start3A_119 = arith.constant 0 : i32
      %dma_start3A_120 = tpu.memref_slice %arg12[%add3A_31, %dma_start3A_119] : memref<10240x64xf32, #tpu.memory_space<vmem_shared>> -> memref<128x64xf32, #tpu.memory_space<vmem_shared>>
      tpu.enqueue_dma source(%arg7 : memref<128x64xf32, #tpu.memory_space<vmem>>) target(%dma_start3A_120 : memref<128x64xf32, #tpu.memory_space<vmem_shared>>) target_semaphore(%run_scoped3A : memref<!tpu.dma_semaphore, #tpu.memory_space<semaphore_mem>>)
      %dma_wait3A_121 = arith.constant 0 : i32
      %dma_wait3A_122 = tpu.memref_slice %arg12[%add3A_31, %dma_wait3A_121] : memref<10240x64xf32, #tpu.memory_space<vmem_shared>> -> memref<128x64xf32, #tpu.memory_space<vmem_shared>>
      %dma_wait3A_123 = arith.constant 0 : i32
      %dma_wait3A_124 = tpu.memref_slice %arg12[%add3A_31, %dma_wait3A_123] : memref<10240x64xf32, #tpu.memory_space<vmem_shared>> -> memref<128x64xf32, #tpu.memory_space<vmem_shared>>
      tpu.wait_dma2 semaphore(%run_scoped3A : memref<!tpu.dma_semaphore, #tpu.memory_space<semaphore_mem>>) src(%arg7 : memref<128x64xf32, #tpu.memory_space<vmem>>) dst(%dma_wait3A_124 : memref<128x64xf32, #tpu.memory_space<vmem_shared>>)
      tpu.yield
    }) : () -> ()
    %mul3A_32 = arith.constant 640 : i32
    %mul3A_33 = arith.muli %arg1, %mul3A_32 : i32
    %add3A_34 = arith.constant 384 : i32
    %add3A_35 = arith.addi %mul3A_33, %add3A_34 : i32
    "tpu.region"() ({
      %run_scoped3A = tpu.sem_alloc : memref<!tpu.dma_semaphore, #tpu.memory_space<semaphore_mem>>
      %dma_start3A_117 = arith.constant 0 : i32
      %dma_start3A_118 = tpu.memref_slice %arg12[%add3A_35, %dma_start3A_117] : memref<10240x64xf32, #tpu.memory_space<vmem_shared>> -> memref<128x64xf32, #tpu.memory_space<vmem_shared>>
      %dma_start3A_119 = arith.constant 0 : i32
      %dma_start3A_120 = tpu.memref_slice %arg12[%add3A_35, %dma_start3A_119] : memref<10240x64xf32, #tpu.memory_space<vmem_shared>> -> memref<128x64xf32, #tpu.memory_space<vmem_shared>>
      tpu.enqueue_dma source(%arg7 : memref<128x64xf32, #tpu.memory_space<vmem>>) target(%dma_start3A_120 : memref<128x64xf32, #tpu.memory_space<vmem_shared>>) target_semaphore(%run_scoped3A : memref<!tpu.dma_semaphore, #tpu.memory_space<semaphore_mem>>)
      %dma_wait3A_121 = arith.constant 0 : i32
      %dma_wait3A_122 = tpu.memref_slice %arg12[%add3A_35, %dma_wait3A_121] : memref<10240x64xf32, #tpu.memory_space<vmem_shared>> -> memref<128x64xf32, #tpu.memory_space<vmem_shared>>
      %dma_wait3A_123 = arith.constant 0 : i32
      %dma_wait3A_124 = tpu.memref_slice %arg12[%add3A_35, %dma_wait3A_123] : memref<10240x64xf32, #tpu.memory_space<vmem_shared>> -> memref<128x64xf32, #tpu.memory_space<vmem_shared>>
      tpu.wait_dma2 semaphore(%run_scoped3A : memref<!tpu.dma_semaphore, #tpu.memory_space<semaphore_mem>>) src(%arg7 : memref<128x64xf32, #tpu.memory_space<vmem>>) dst(%dma_wait3A_124 : memref<128x64xf32, #tpu.memory_space<vmem_shared>>)
      tpu.yield
    }) : () -> ()
    %mul3A_36 = arith.constant 640 : i32
    %mul3A_37 = arith.muli %arg1, %mul3A_36 : i32
    %add3A_38 = arith.constant 512 : i32
    %add3A_39 = arith.addi %mul3A_37, %add3A_38 : i32
    "tpu.region"() ({
      %run_scoped3A = tpu.sem_alloc : memref<!tpu.dma_semaphore, #tpu.memory_space<semaphore_mem>>
      %dma_start3A_117 = arith.constant 0 : i32
      %dma_start3A_118 = tpu.memref_slice %arg12[%add3A_39, %dma_start3A_117] : memref<10240x64xf32, #tpu.memory_space<vmem_shared>> -> memref<128x64xf32, #tpu.memory_space<vmem_shared>>
      %dma_start3A_119 = arith.constant 0 : i32
      %dma_start3A_120 = tpu.memref_slice %arg12[%add3A_39, %dma_start3A_119] : memref<10240x64xf32, #tpu.memory_space<vmem_shared>> -> memref<128x64xf32, #tpu.memory_space<vmem_shared>>
      tpu.enqueue_dma source(%arg7 : memref<128x64xf32, #tpu.memory_space<vmem>>) target(%dma_start3A_120 : memref<128x64xf32, #tpu.memory_space<vmem_shared>>) target_semaphore(%run_scoped3A : memref<!tpu.dma_semaphore, #tpu.memory_space<semaphore_mem>>)
      %dma_wait3A_121 = arith.constant 0 : i32
      %dma_wait3A_122 = tpu.memref_slice %arg12[%add3A_39, %dma_wait3A_121] : memref<10240x64xf32, #tpu.memory_space<vmem_shared>> -> memref<128x64xf32, #tpu.memory_space<vmem_shared>>
      %dma_wait3A_123 = arith.constant 0 : i32
      %dma_wait3A_124 = tpu.memref_slice %arg12[%add3A_39, %dma_wait3A_123] : memref<10240x64xf32, #tpu.memory_space<vmem_shared>> -> memref<128x64xf32, #tpu.memory_space<vmem_shared>>
      tpu.wait_dma2 semaphore(%run_scoped3A : memref<!tpu.dma_semaphore, #tpu.memory_space<semaphore_mem>>) src(%arg7 : memref<128x64xf32, #tpu.memory_space<vmem>>) dst(%dma_wait3A_124 : memref<128x64xf32, #tpu.memory_space<vmem_shared>>)
      tpu.yield
    }) : () -> ()
    %dma_wait3A = arith.constant 0 : i32
    %dma_wait3A_40 = arith.constant 0 : i32
    %dma_wait3A_41 = arith.constant 0 : i32
    %dma_wait3A_42 = tpu.memref_slice %arg3[%dma_wait3A, %arg1, %dma_wait3A_40, %dma_wait3A_41] : memref<2x16x160x128xi32, #tpu.memory_space<hbm>> -> memref<1x1x160x128xi32, #tpu.memory_space<hbm>>
    %dma_wait3A_43 = tpu.memref_squeeze %dma_wait3A_42 : memref<1x1x160x128xi32, #tpu.memory_space<hbm>> -> memref<160x128xi32, #tpu.memory_space<hbm>>
    %dma_wait3A_44 = arith.constant 0 : i32
    %dma_wait3A_45 = arith.constant 0 : i32
    %dma_wait3A_46 = tpu.memref_slice %arg3[%dma_wait3A, %arg1, %dma_wait3A_44, %dma_wait3A_45] : memref<2x16x160x128xi32, #tpu.memory_space<hbm>> -> memref<1x1x160x128xi32, #tpu.memory_space<hbm>>
    %dma_wait3A_47 = tpu.memref_squeeze %dma_wait3A_46 : memref<1x1x160x128xi32, #tpu.memory_space<hbm>> -> memref<160x128xi32, #tpu.memory_space<hbm>>
    tpu.wait_dma2 semaphore(%arg13 : memref<!tpu.dma_semaphore, #tpu.memory_space<semaphore_mem>>) src(%dma_wait3A_47 : memref<160x128xi32, #tpu.memory_space<hbm>>) dst(%arg5 : memref<160x128xi32, #tpu.memory_space<vmem>>)
    %dma_wait3A_48 = arith.constant 1 : i32
    %dma_wait3A_49 = arith.constant 0 : i32
    %dma_wait3A_50 = arith.constant 0 : i32
    %dma_wait3A_51 = tpu.memref_slice %arg3[%dma_wait3A_48, %arg1, %dma_wait3A_49, %dma_wait3A_50] : memref<2x16x160x128xi32, #tpu.memory_space<hbm>> -> memref<1x1x160x128xi32, #tpu.memory_space<hbm>>
    %dma_wait3A_52 = tpu.memref_squeeze %dma_wait3A_51 : memref<1x1x160x128xi32, #tpu.memory_space<hbm>> -> memref<160x128xi32, #tpu.memory_space<hbm>>
    %dma_wait3A_53 = arith.constant 0 : i32
    %dma_wait3A_54 = arith.constant 0 : i32
    %dma_wait3A_55 = tpu.memref_slice %arg3[%dma_wait3A_48, %arg1, %dma_wait3A_53, %dma_wait3A_54] : memref<2x16x160x128xi32, #tpu.memory_space<hbm>> -> memref<1x1x160x128xi32, #tpu.memory_space<hbm>>
    %dma_wait3A_56 = tpu.memref_squeeze %dma_wait3A_55 : memref<1x1x160x128xi32, #tpu.memory_space<hbm>> -> memref<160x128xi32, #tpu.memory_space<hbm>>
    tpu.wait_dma2 semaphore(%arg14 : memref<!tpu.dma_semaphore, #tpu.memory_space<semaphore_mem>>) src(%dma_wait3A_56 : memref<160x128xi32, #tpu.memory_space<hbm>>) dst(%arg6 : memref<160x128xi32, #tpu.memory_space<vmem>>)
    %barrier3A = arith.constant 0 : index
    tpu.barrier barrier_id(%barrier3A)
    %dma_start3A_57 = arith.constant 0 : i32
    %dma_start3A_58 = arith.constant 0 : i32
    %dma_start3A_59 = tpu.memref_slice %arg5[%dma_start3A_57, %dma_start3A_58] : memref<160x128xi32, #tpu.memory_space<vmem>> -> memref<1x128xi32, #tpu.memory_space<vmem>>
    %dma_start3A_60 = tpu.memref_squeeze %dma_start3A_59 : memref<1x128xi32, #tpu.memory_space<vmem>> -> memref<128xi32, #tpu.memory_space<vmem>>
    %dma_start3A_61 = arith.constant 0 : i32
    %dma_start3A_62 = arith.constant 0 : i32
    %dma_start3A_63 = tpu.memref_slice %arg2[%arg0, %dma_start3A_61, %dma_start3A_62] : memref<2x10240x64xf32, #tpu.memory_space<hbm>> -> memref<1x10240x64xf32, #tpu.memory_space<hbm>>
    %dma_start3A_64 = tpu.memref_squeeze %dma_start3A_63 : memref<1x10240x64xf32, #tpu.memory_space<hbm>> -> memref<10240x64xf32, #tpu.memory_space<hbm>>
    %dma_start3A_65 = arith.constant 0 : i32
    %dma_start3A_66 = arith.constant 0 : i32
    %dma_start3A_67 = tpu.memref_slice %dma_start3A_64[%dma_start3A_65, %dma_start3A_66] : memref<10240x64xf32, #tpu.memory_space<hbm>> -> memref<10240x64xf32, #tpu.memory_space<hbm>>
    tpu.enqueue_indirect_dma source(%dma_start3A_67 : memref<10240x64xf32, #tpu.memory_space<hbm>>) target(%arg7 : memref<128x64xf32, #tpu.memory_space<vmem>>) offsets(%dma_start3A_60 : memref<128xi32, #tpu.memory_space<vmem>>) semaphore(%arg13 : memref<!tpu.dma_semaphore, #tpu.memory_space<semaphore_mem>>)
    %dma_start3A_68 = arith.constant 1 : i32
    %dma_start3A_69 = arith.constant 0 : i32
    %dma_start3A_70 = tpu.memref_slice %arg5[%dma_start3A_68, %dma_start3A_69] : memref<160x128xi32, #tpu.memory_space<vmem>> -> memref<1x128xi32, #tpu.memory_space<vmem>>
    %dma_start3A_71 = tpu.memref_squeeze %dma_start3A_70 : memref<1x128xi32, #tpu.memory_space<vmem>> -> memref<128xi32, #tpu.memory_space<vmem>>
    %dma_start3A_72 = arith.constant 0 : i32
    %dma_start3A_73 = arith.constant 0 : i32
    %dma_start3A_74 = tpu.memref_slice %arg2[%arg0, %dma_start3A_72, %dma_start3A_73] : memref<2x10240x64xf32, #tpu.memory_space<hbm>> -> memref<1x10240x64xf32, #tpu.memory_space<hbm>>
    %dma_start3A_75 = tpu.memref_squeeze %dma_start3A_74 : memref<1x10240x64xf32, #tpu.memory_space<hbm>> -> memref<10240x64xf32, #tpu.memory_space<hbm>>
    %dma_start3A_76 = arith.constant 0 : i32
    %dma_start3A_77 = arith.constant 0 : i32
    %dma_start3A_78 = tpu.memref_slice %dma_start3A_75[%dma_start3A_76, %dma_start3A_77] : memref<10240x64xf32, #tpu.memory_space<hbm>> -> memref<10240x64xf32, #tpu.memory_space<hbm>>
    tpu.enqueue_indirect_dma source(%dma_start3A_78 : memref<10240x64xf32, #tpu.memory_space<hbm>>) target(%arg8 : memref<128x64xf32, #tpu.memory_space<vmem>>) offsets(%dma_start3A_71 : memref<128xi32, #tpu.memory_space<vmem>>) semaphore(%arg14 : memref<!tpu.dma_semaphore, #tpu.memory_space<semaphore_mem>>)
    %scan3A_79 = arith.constant 0 : i32
    %scan3A_80 = arith.constant 40 : i32
    %scan3A_81 = arith.addi %scan3A_79, %scan3A_80 : i32
    %scan3A_82 = arith.constant 1 : i32
    scf.for %scan3A_117 = %scan3A_79 to %scan3A_81 step %scan3A_82  : i32 {
      %mul3A_118 = arith.constant 4 : i32
      %mul3A_119 = arith.muli %scan3A_117, %mul3A_118 : i32
      %add3A_120 = arith.constant 0 : i32
      %add3A_121 = arith.addi %add3A_120, %mul3A_119 : i32
      %add3A_122 = arith.constant 0 : i32
      %add3A_123 = arith.addi %add3A_121, %add3A_122 : i32
      %dma_wait3A_124 = arith.constant 0 : i32
      %dma_wait3A_125 = tpu.memref_slice %arg5[%add3A_123, %dma_wait3A_124] : memref<160x128xi32, #tpu.memory_space<vmem>> -> memref<1x128xi32, #tpu.memory_space<vmem>>
      %dma_wait3A_126 = tpu.memref_squeeze %dma_wait3A_125 : memref<1x128xi32, #tpu.memory_space<vmem>> -> memref<128xi32, #tpu.memory_space<vmem>>
      %dma_wait3A_127 = arith.constant 0 : i32
      %dma_wait3A_128 = arith.constant 0 : i32
      %dma_wait3A_129 = tpu.memref_slice %arg2[%arg0, %dma_wait3A_127, %dma_wait3A_128] : memref<2x10240x64xf32, #tpu.memory_space<hbm>> -> memref<1x10240x64xf32, #tpu.memory_space<hbm>>
      %dma_wait3A_130 = tpu.memref_squeeze %dma_wait3A_129 : memref<1x10240x64xf32, #tpu.memory_space<hbm>> -> memref<10240x64xf32, #tpu.memory_space<hbm>>
      %dma_wait3A_131 = arith.constant 0 : i32
      %dma_wait3A_132 = arith.constant 0 : i32
      %dma_wait3A_133 = tpu.memref_slice %dma_wait3A_130[%dma_wait3A_131, %dma_wait3A_132] : memref<10240x64xf32, #tpu.memory_space<hbm>> -> memref<10240x64xf32, #tpu.memory_space<hbm>>
      tpu.wait_indirect_dma semaphore(%arg13 : memref<!tpu.dma_semaphore, #tpu.memory_space<semaphore_mem>>) src(%dma_wait3A_133 : memref<10240x64xf32, #tpu.memory_space<hbm>>) dst(%arg7 : memref<128x64xf32, #tpu.memory_space<vmem>>)
      %dma_start3A_134 = arith.constant 0 : i32
      %dma_start3A_135 = tpu.memref_slice %arg6[%add3A_123, %dma_start3A_134] : memref<160x128xi32, #tpu.memory_space<vmem>> -> memref<1x128xi32, #tpu.memory_space<vmem>>
      %dma_start3A_136 = tpu.memref_squeeze %dma_start3A_135 : memref<1x128xi32, #tpu.memory_space<vmem>> -> memref<128xi32, #tpu.memory_space<vmem>>
      %dma_start3A_137 = arith.constant 0 : i32
      %dma_start3A_138 = arith.constant 0 : i32
      %dma_start3A_139 = tpu.memref_slice %arg12[%dma_start3A_137, %dma_start3A_138] : memref<10240x64xf32, #tpu.memory_space<vmem_shared>> -> memref<10240x64xf32, #tpu.memory_space<vmem_shared>>
      tpu.enqueue_indirect_dma source(%arg7 : memref<128x64xf32, #tpu.memory_space<vmem>>) target(%dma_start3A_139 : memref<10240x64xf32, #tpu.memory_space<vmem_shared>>) offsets(%dma_start3A_136 : memref<128xi32, #tpu.memory_space<vmem>>) semaphore(%arg17 : memref<!tpu.dma_semaphore, #tpu.memory_space<semaphore_mem>>) {add = true}
      %add3A_140 = arith.constant 2 : i32
      %add3A_141 = arith.addi %add3A_123, %add3A_140 : i32
      %lt3A = arith.constant 160 : i32
      %lt3A_142 = arith.cmpi slt, %add3A_141, %lt3A : i32
      %convert_element_type3A = arith.extui %lt3A_142 : i1 to i32
      %cond3A = arith.constant 0 : i32
      %cond3A_143 = arith.cmpi ne, %convert_element_type3A, %cond3A : i32
      scf.if %cond3A_143 {
        %sub3A = arith.constant 4 : i32
        %sub3A_219 = arith.subi %add3A_141, %sub3A : i32
        %ge3A = arith.constant 0 : i32
        %ge3A_220 = arith.cmpi sge, %sub3A_219, %ge3A : i32
        %convert_element_type3A_221 = arith.extui %ge3A_220 : i1 to i32
        %cond3A_222 = arith.constant 0 : i32
        %cond3A_223 = arith.cmpi ne, %convert_element_type3A_221, %cond3A_222 : i32
        scf.if %cond3A_223 {
          %dma_wait3A_234 = arith.constant 0 : i32
          %dma_wait3A_235 = arith.constant 0 : i32
          %dma_wait3A_236 = tpu.memref_slice %arg6[%dma_wait3A_234, %dma_wait3A_235] : memref<160x128xi32, #tpu.memory_space<vmem>> -> memref<1x128xi32, #tpu.memory_space<vmem>>
          %dma_wait3A_237 = tpu.memref_squeeze %dma_wait3A_236 : memref<1x128xi32, #tpu.memory_space<vmem>> -> memref<128xi32, #tpu.memory_space<vmem>>
          %dma_wait3A_238 = arith.constant 0 : i32
          %dma_wait3A_239 = arith.constant 0 : i32
          %dma_wait3A_240 = tpu.memref_slice %arg12[%dma_wait3A_238, %dma_wait3A_239] : memref<10240x64xf32, #tpu.memory_space<vmem_shared>> -> memref<10240x64xf32, #tpu.memory_space<vmem_shared>>
          tpu.wait_indirect_dma semaphore(%arg19 : memref<!tpu.dma_semaphore, #tpu.memory_space<semaphore_mem>>) src(%arg9 : memref<128x64xf32, #tpu.memory_space<vmem>>) dst(%dma_wait3A_240 : memref<10240x64xf32, #tpu.memory_space<vmem_shared>>)
        } else {
        }
        %dma_start3A_224 = arith.constant 0 : i32
        %dma_start3A_225 = tpu.memref_slice %arg5[%add3A_141, %dma_start3A_224] : memref<160x128xi32, #tpu.memory_space<vmem>> -> memref<1x128xi32, #tpu.memory_space<vmem>>
        %dma_start3A_226 = tpu.memref_squeeze %dma_start3A_225 : memref<1x128xi32, #tpu.memory_space<vmem>> -> memref<128xi32, #tpu.memory_space<vmem>>
        %dma_start3A_227 = arith.constant 0 : i32
        %dma_start3A_228 = arith.constant 0 : i32
        %dma_start3A_229 = tpu.memref_slice %arg2[%arg0, %dma_start3A_227, %dma_start3A_228] : memref<2x10240x64xf32, #tpu.memory_space<hbm>> -> memref<1x10240x64xf32, #tpu.memory_space<hbm>>
        %dma_start3A_230 = tpu.memref_squeeze %dma_start3A_229 : memref<1x10240x64xf32, #tpu.memory_space<hbm>> -> memref<10240x64xf32, #tpu.memory_space<hbm>>
        %dma_start3A_231 = arith.constant 0 : i32
        %dma_start3A_232 = arith.constant 0 : i32
        %dma_start3A_233 = tpu.memref_slice %dma_start3A_230[%dma_start3A_231, %dma_start3A_232] : memref<10240x64xf32, #tpu.memory_space<hbm>> -> memref<10240x64xf32, #tpu.memory_space<hbm>>
        tpu.enqueue_indirect_dma source(%dma_start3A_233 : memref<10240x64xf32, #tpu.memory_space<hbm>>) target(%arg9 : memref<128x64xf32, #tpu.memory_space<vmem>>) offsets(%dma_start3A_226 : memref<128xi32, #tpu.memory_space<vmem>>) semaphore(%arg15 : memref<!tpu.dma_semaphore, #tpu.memory_space<semaphore_mem>>)
      } else {
      }
      %add3A_144 = arith.constant 1 : i32
      %add3A_145 = arith.addi %add3A_121, %add3A_144 : i32
      %dma_wait3A_146 = arith.constant 0 : i32
      %dma_wait3A_147 = tpu.memref_slice %arg5[%add3A_145, %dma_wait3A_146] : memref<160x128xi32, #tpu.memory_space<vmem>> -> memref<1x128xi32, #tpu.memory_space<vmem>>
      %dma_wait3A_148 = tpu.memref_squeeze %dma_wait3A_147 : memref<1x128xi32, #tpu.memory_space<vmem>> -> memref<128xi32, #tpu.memory_space<vmem>>
      %dma_wait3A_149 = arith.constant 0 : i32
      %dma_wait3A_150 = arith.constant 0 : i32
      %dma_wait3A_151 = tpu.memref_slice %arg2[%arg0, %dma_wait3A_149, %dma_wait3A_150] : memref<2x10240x64xf32, #tpu.memory_space<hbm>> -> memref<1x10240x64xf32, #tpu.memory_space<hbm>>
      %dma_wait3A_152 = tpu.memref_squeeze %dma_wait3A_151 : memref<1x10240x64xf32, #tpu.memory_space<hbm>> -> memref<10240x64xf32, #tpu.memory_space<hbm>>
      %dma_wait3A_153 = arith.constant 0 : i32
      %dma_wait3A_154 = arith.constant 0 : i32
      %dma_wait3A_155 = tpu.memref_slice %dma_wait3A_152[%dma_wait3A_153, %dma_wait3A_154] : memref<10240x64xf32, #tpu.memory_space<hbm>> -> memref<10240x64xf32, #tpu.memory_space<hbm>>
      tpu.wait_indirect_dma semaphore(%arg14 : memref<!tpu.dma_semaphore, #tpu.memory_space<semaphore_mem>>) src(%dma_wait3A_155 : memref<10240x64xf32, #tpu.memory_space<hbm>>) dst(%arg8 : memref<128x64xf32, #tpu.memory_space<vmem>>)
      %dma_start3A_156 = arith.constant 0 : i32
      %dma_start3A_157 = tpu.memref_slice %arg6[%add3A_145, %dma_start3A_156] : memref<160x128xi32, #tpu.memory_space<vmem>> -> memref<1x128xi32, #tpu.memory_space<vmem>>
      %dma_start3A_158 = tpu.memref_squeeze %dma_start3A_157 : memref<1x128xi32, #tpu.memory_space<vmem>> -> memref<128xi32, #tpu.memory_space<vmem>>
      %dma_start3A_159 = arith.constant 0 : i32
      %dma_start3A_160 = arith.constant 0 : i32
      %dma_start3A_161 = tpu.memref_slice %arg12[%dma_start3A_159, %dma_start3A_160] : memref<10240x64xf32, #tpu.memory_space<vmem_shared>> -> memref<10240x64xf32, #tpu.memory_space<vmem_shared>>
      tpu.enqueue_indirect_dma source(%arg8 : memref<128x64xf32, #tpu.memory_space<vmem>>) target(%dma_start3A_161 : memref<10240x64xf32, #tpu.memory_space<vmem_shared>>) offsets(%dma_start3A_158 : memref<128xi32, #tpu.memory_space<vmem>>) semaphore(%arg18 : memref<!tpu.dma_semaphore, #tpu.memory_space<semaphore_mem>>) {add = true}
      %add3A_162 = arith.constant 2 : i32
      %add3A_163 = arith.addi %add3A_145, %add3A_162 : i32
      %lt3A_164 = arith.constant 160 : i32
      %lt3A_165 = arith.cmpi slt, %add3A_163, %lt3A_164 : i32
      %convert_element_type3A_166 = arith.extui %lt3A_165 : i1 to i32
      %cond3A_167 = arith.constant 0 : i32
      %cond3A_168 = arith.cmpi ne, %convert_element_type3A_166, %cond3A_167 : i32
      scf.if %cond3A_168 {
        %sub3A = arith.constant 4 : i32
        %sub3A_219 = arith.subi %add3A_163, %sub3A : i32
        %ge3A = arith.constant 0 : i32
        %ge3A_220 = arith.cmpi sge, %sub3A_219, %ge3A : i32
        %convert_element_type3A_221 = arith.extui %ge3A_220 : i1 to i32
        %cond3A_222 = arith.constant 0 : i32
        %cond3A_223 = arith.cmpi ne, %convert_element_type3A_221, %cond3A_222 : i32
        scf.if %cond3A_223 {
          %dma_wait3A_234 = arith.constant 0 : i32
          %dma_wait3A_235 = arith.constant 0 : i32
          %dma_wait3A_236 = tpu.memref_slice %arg6[%dma_wait3A_234, %dma_wait3A_235] : memref<160x128xi32, #tpu.memory_space<vmem>> -> memref<1x128xi32, #tpu.memory_space<vmem>>
          %dma_wait3A_237 = tpu.memref_squeeze %dma_wait3A_236 : memref<1x128xi32, #tpu.memory_space<vmem>> -> memref<128xi32, #tpu.memory_space<vmem>>
          %dma_wait3A_238 = arith.constant 0 : i32
          %dma_wait3A_239 = arith.constant 0 : i32
          %dma_wait3A_240 = tpu.memref_slice %arg12[%dma_wait3A_238, %dma_wait3A_239] : memref<10240x64xf32, #tpu.memory_space<vmem_shared>> -> memref<10240x64xf32, #tpu.memory_space<vmem_shared>>
          tpu.wait_indirect_dma semaphore(%arg20 : memref<!tpu.dma_semaphore, #tpu.memory_space<semaphore_mem>>) src(%arg10 : memref<128x64xf32, #tpu.memory_space<vmem>>) dst(%dma_wait3A_240 : memref<10240x64xf32, #tpu.memory_space<vmem_shared>>)
        } else {
        }
        %dma_start3A_224 = arith.constant 0 : i32
        %dma_start3A_225 = tpu.memref_slice %arg5[%add3A_163, %dma_start3A_224] : memref<160x128xi32, #tpu.memory_space<vmem>> -> memref<1x128xi32, #tpu.memory_space<vmem>>
        %dma_start3A_226 = tpu.memref_squeeze %dma_start3A_225 : memref<1x128xi32, #tpu.memory_space<vmem>> -> memref<128xi32, #tpu.memory_space<vmem>>
        %dma_start3A_227 = arith.constant 0 : i32
        %dma_start3A_228 = arith.constant 0 : i32
        %dma_start3A_229 = tpu.memref_slice %arg2[%arg0, %dma_start3A_227, %dma_start3A_228] : memref<2x10240x64xf32, #tpu.memory_space<hbm>> -> memref<1x10240x64xf32, #tpu.memory_space<hbm>>
        %dma_start3A_230 = tpu.memref_squeeze %dma_start3A_229 : memref<1x10240x64xf32, #tpu.memory_space<hbm>> -> memref<10240x64xf32, #tpu.memory_space<hbm>>
        %dma_start3A_231 = arith.constant 0 : i32
        %dma_start3A_232 = arith.constant 0 : i32
        %dma_start3A_233 = tpu.memref_slice %dma_start3A_230[%dma_start3A_231, %dma_start3A_232] : memref<10240x64xf32, #tpu.memory_space<hbm>> -> memref<10240x64xf32, #tpu.memory_space<hbm>>
        tpu.enqueue_indirect_dma source(%dma_start3A_233 : memref<10240x64xf32, #tpu.memory_space<hbm>>) target(%arg10 : memref<128x64xf32, #tpu.memory_space<vmem>>) offsets(%dma_start3A_226 : memref<128xi32, #tpu.memory_space<vmem>>) semaphore(%arg16 : memref<!tpu.dma_semaphore, #tpu.memory_space<semaphore_mem>>)
      } else {
      }
      %add3A_169 = arith.constant 2 : i32
      %add3A_170 = arith.addi %add3A_121, %add3A_169 : i32
      %dma_wait3A_171 = arith.constant 0 : i32
      %dma_wait3A_172 = tpu.memref_slice %arg5[%add3A_170, %dma_wait3A_171] : memref<160x128xi32, #tpu.memory_space<vmem>> -> memref<1x128xi32, #tpu.memory_space<vmem>>
      %dma_wait3A_173 = tpu.memref_squeeze %dma_wait3A_172 : memref<1x128xi32, #tpu.memory_space<vmem>> -> memref<128xi32, #tpu.memory_space<vmem>>
      %dma_wait3A_174 = arith.constant 0 : i32
      %dma_wait3A_175 = arith.constant 0 : i32
      %dma_wait3A_176 = tpu.memref_slice %arg2[%arg0, %dma_wait3A_174, %dma_wait3A_175] : memref<2x10240x64xf32, #tpu.memory_space<hbm>> -> memref<1x10240x64xf32, #tpu.memory_space<hbm>>
      %dma_wait3A_177 = tpu.memref_squeeze %dma_wait3A_176 : memref<1x10240x64xf32, #tpu.memory_space<hbm>> -> memref<10240x64xf32, #tpu.memory_space<hbm>>
      %dma_wait3A_178 = arith.constant 0 : i32
      %dma_wait3A_179 = arith.constant 0 : i32
      %dma_wait3A_180 = tpu.memref_slice %dma_wait3A_177[%dma_wait3A_178, %dma_wait3A_179] : memref<10240x64xf32, #tpu.memory_space<hbm>> -> memref<10240x64xf32, #tpu.memory_space<hbm>>
      tpu.wait_indirect_dma semaphore(%arg15 : memref<!tpu.dma_semaphore, #tpu.memory_space<semaphore_mem>>) src(%dma_wait3A_180 : memref<10240x64xf32, #tpu.memory_space<hbm>>) dst(%arg9 : memref<128x64xf32, #tpu.memory_space<vmem>>)
      %dma_start3A_181 = arith.constant 0 : i32
      %dma_start3A_182 = tpu.memref_slice %arg6[%add3A_170, %dma_start3A_181] : memref<160x128xi32, #tpu.memory_space<vmem>> -> memref<1x128xi32, #tpu.memory_space<vmem>>
      %dma_start3A_183 = tpu.memref_squeeze %dma_start3A_182 : memref<1x128xi32, #tpu.memory_space<vmem>> -> memref<128xi32, #tpu.memory_space<vmem>>
      %dma_start3A_184 = arith.constant 0 : i32
      %dma_start3A_185 = arith.constant 0 : i32
      %dma_start3A_186 = tpu.memref_slice %arg12[%dma_start3A_184, %dma_start3A_185] : memref<10240x64xf32, #tpu.memory_space<vmem_shared>> -> memref<10240x64xf32, #tpu.memory_space<vmem_shared>>
      tpu.enqueue_indirect_dma source(%arg9 : memref<128x64xf32, #tpu.memory_space<vmem>>) target(%dma_start3A_186 : memref<10240x64xf32, #tpu.memory_space<vmem_shared>>) offsets(%dma_start3A_183 : memref<128xi32, #tpu.memory_space<vmem>>) semaphore(%arg19 : memref<!tpu.dma_semaphore, #tpu.memory_space<semaphore_mem>>) {add = true}
      %add3A_187 = arith.constant 2 : i32
      %add3A_188 = arith.addi %add3A_170, %add3A_187 : i32
      %lt3A_189 = arith.constant 160 : i32
      %lt3A_190 = arith.cmpi slt, %add3A_188, %lt3A_189 : i32
      %convert_element_type3A_191 = arith.extui %lt3A_190 : i1 to i32
      %cond3A_192 = arith.constant 0 : i32
      %cond3A_193 = arith.cmpi ne, %convert_element_type3A_191, %cond3A_192 : i32
      scf.if %cond3A_193 {
        %sub3A = arith.constant 4 : i32
        %sub3A_219 = arith.subi %add3A_188, %sub3A : i32
        %ge3A = arith.constant 0 : i32
        %ge3A_220 = arith.cmpi sge, %sub3A_219, %ge3A : i32
        %convert_element_type3A_221 = arith.extui %ge3A_220 : i1 to i32
        %cond3A_222 = arith.constant 0 : i32
        %cond3A_223 = arith.cmpi ne, %convert_element_type3A_221, %cond3A_222 : i32
        scf.if %cond3A_223 {
          %dma_wait3A_234 = arith.constant 0 : i32
          %dma_wait3A_235 = arith.constant 0 : i32
          %dma_wait3A_236 = tpu.memref_slice %arg6[%dma_wait3A_234, %dma_wait3A_235] : memref<160x128xi32, #tpu.memory_space<vmem>> -> memref<1x128xi32, #tpu.memory_space<vmem>>
          %dma_wait3A_237 = tpu.memref_squeeze %dma_wait3A_236 : memref<1x128xi32, #tpu.memory_space<vmem>> -> memref<128xi32, #tpu.memory_space<vmem>>
          %dma_wait3A_238 = arith.constant 0 : i32
          %dma_wait3A_239 = arith.constant 0 : i32
          %dma_wait3A_240 = tpu.memref_slice %arg12[%dma_wait3A_238, %dma_wait3A_239] : memref<10240x64xf32, #tpu.memory_space<vmem_shared>> -> memref<10240x64xf32, #tpu.memory_space<vmem_shared>>
          tpu.wait_indirect_dma semaphore(%arg17 : memref<!tpu.dma_semaphore, #tpu.memory_space<semaphore_mem>>) src(%arg7 : memref<128x64xf32, #tpu.memory_space<vmem>>) dst(%dma_wait3A_240 : memref<10240x64xf32, #tpu.memory_space<vmem_shared>>)
        } else {
        }
        %dma_start3A_224 = arith.constant 0 : i32
        %dma_start3A_225 = tpu.memref_slice %arg5[%add3A_188, %dma_start3A_224] : memref<160x128xi32, #tpu.memory_space<vmem>> -> memref<1x128xi32, #tpu.memory_space<vmem>>
        %dma_start3A_226 = tpu.memref_squeeze %dma_start3A_225 : memref<1x128xi32, #tpu.memory_space<vmem>> -> memref<128xi32, #tpu.memory_space<vmem>>
        %dma_start3A_227 = arith.constant 0 : i32
        %dma_start3A_228 = arith.constant 0 : i32
        %dma_start3A_229 = tpu.memref_slice %arg2[%arg0, %dma_start3A_227, %dma_start3A_228] : memref<2x10240x64xf32, #tpu.memory_space<hbm>> -> memref<1x10240x64xf32, #tpu.memory_space<hbm>>
        %dma_start3A_230 = tpu.memref_squeeze %dma_start3A_229 : memref<1x10240x64xf32, #tpu.memory_space<hbm>> -> memref<10240x64xf32, #tpu.memory_space<hbm>>
        %dma_start3A_231 = arith.constant 0 : i32
        %dma_start3A_232 = arith.constant 0 : i32
        %dma_start3A_233 = tpu.memref_slice %dma_start3A_230[%dma_start3A_231, %dma_start3A_232] : memref<10240x64xf32, #tpu.memory_space<hbm>> -> memref<10240x64xf32, #tpu.memory_space<hbm>>
        tpu.enqueue_indirect_dma source(%dma_start3A_233 : memref<10240x64xf32, #tpu.memory_space<hbm>>) target(%arg7 : memref<128x64xf32, #tpu.memory_space<vmem>>) offsets(%dma_start3A_226 : memref<128xi32, #tpu.memory_space<vmem>>) semaphore(%arg13 : memref<!tpu.dma_semaphore, #tpu.memory_space<semaphore_mem>>)
      } else {
      }
      %add3A_194 = arith.constant 3 : i32
      %add3A_195 = arith.addi %add3A_121, %add3A_194 : i32
      %dma_wait3A_196 = arith.constant 0 : i32
      %dma_wait3A_197 = tpu.memref_slice %arg5[%add3A_195, %dma_wait3A_196] : memref<160x128xi32, #tpu.memory_space<vmem>> -> memref<1x128xi32, #tpu.memory_space<vmem>>
      %dma_wait3A_198 = tpu.memref_squeeze %dma_wait3A_197 : memref<1x128xi32, #tpu.memory_space<vmem>> -> memref<128xi32, #tpu.memory_space<vmem>>
      %dma_wait3A_199 = arith.constant 0 : i32
      %dma_wait3A_200 = arith.constant 0 : i32
      %dma_wait3A_201 = tpu.memref_slice %arg2[%arg0, %dma_wait3A_199, %dma_wait3A_200] : memref<2x10240x64xf32, #tpu.memory_space<hbm>> -> memref<1x10240x64xf32, #tpu.memory_space<hbm>>
      %dma_wait3A_202 = tpu.memref_squeeze %dma_wait3A_201 : memref<1x10240x64xf32, #tpu.memory_space<hbm>> -> memref<10240x64xf32, #tpu.memory_space<hbm>>
      %dma_wait3A_203 = arith.constant 0 : i32
      %dma_wait3A_204 = arith.constant 0 : i32
      %dma_wait3A_205 = tpu.memref_slice %dma_wait3A_202[%dma_wait3A_203, %dma_wait3A_204] : memref<10240x64xf32, #tpu.memory_space<hbm>> -> memref<10240x64xf32, #tpu.memory_space<hbm>>
      tpu.wait_indirect_dma semaphore(%arg16 : memref<!tpu.dma_semaphore, #tpu.memory_space<semaphore_mem>>) src(%dma_wait3A_205 : memref<10240x64xf32, #tpu.memory_space<hbm>>) dst(%arg10 : memref<128x64xf32, #tpu.memory_space<vmem>>)
      %dma_start3A_206 = arith.constant 0 : i32
      %dma_start3A_207 = tpu.memref_slice %arg6[%add3A_195, %dma_start3A_206] : memref<160x128xi32, #tpu.memory_space<vmem>> -> memref<1x128xi32, #tpu.memory_space<vmem>>
      %dma_start3A_208 = tpu.memref_squeeze %dma_start3A_207 : memref<1x128xi32, #tpu.memory_space<vmem>> -> memref<128xi32, #tpu.memory_space<vmem>>
      %dma_start3A_209 = arith.constant 0 : i32
      %dma_start3A_210 = arith.constant 0 : i32
      %dma_start3A_211 = tpu.memref_slice %arg12[%dma_start3A_209, %dma_start3A_210] : memref<10240x64xf32, #tpu.memory_space<vmem_shared>> -> memref<10240x64xf32, #tpu.memory_space<vmem_shared>>
      tpu.enqueue_indirect_dma source(%arg10 : memref<128x64xf32, #tpu.memory_space<vmem>>) target(%dma_start3A_211 : memref<10240x64xf32, #tpu.memory_space<vmem_shared>>) offsets(%dma_start3A_208 : memref<128xi32, #tpu.memory_space<vmem>>) semaphore(%arg20 : memref<!tpu.dma_semaphore, #tpu.memory_space<semaphore_mem>>) {add = true}
      %add3A_212 = arith.constant 2 : i32
      %add3A_213 = arith.addi %add3A_195, %add3A_212 : i32
      %lt3A_214 = arith.constant 160 : i32
      %lt3A_215 = arith.cmpi slt, %add3A_213, %lt3A_214 : i32
      %convert_element_type3A_216 = arith.extui %lt3A_215 : i1 to i32
      %cond3A_217 = arith.constant 0 : i32
      %cond3A_218 = arith.cmpi ne, %convert_element_type3A_216, %cond3A_217 : i32
      scf.if %cond3A_218 {
        %sub3A = arith.constant 4 : i32
        %sub3A_219 = arith.subi %add3A_213, %sub3A : i32
        %ge3A = arith.constant 0 : i32
        %ge3A_220 = arith.cmpi sge, %sub3A_219, %ge3A : i32
        %convert_element_type3A_221 = arith.extui %ge3A_220 : i1 to i32
        %cond3A_222 = arith.constant 0 : i32
        %cond3A_223 = arith.cmpi ne, %convert_element_type3A_221, %cond3A_222 : i32
        scf.if %cond3A_223 {
          %dma_wait3A_234 = arith.constant 0 : i32
          %dma_wait3A_235 = arith.constant 0 : i32
          %dma_wait3A_236 = tpu.memref_slice %arg6[%dma_wait3A_234, %dma_wait3A_235] : memref<160x128xi32, #tpu.memory_space<vmem>> -> memref<1x128xi32, #tpu.memory_space<vmem>>
          %dma_wait3A_237 = tpu.memref_squeeze %dma_wait3A_236 : memref<1x128xi32, #tpu.memory_space<vmem>> -> memref<128xi32, #tpu.memory_space<vmem>>
          %dma_wait3A_238 = arith.constant 0 : i32
          %dma_wait3A_239 = arith.constant 0 : i32
          %dma_wait3A_240 = tpu.memref_slice %arg12[%dma_wait3A_238, %dma_wait3A_239] : memref<10240x64xf32, #tpu.memory_space<vmem_shared>> -> memref<10240x64xf32, #tpu.memory_space<vmem_shared>>
          tpu.wait_indirect_dma semaphore(%arg18 : memref<!tpu.dma_semaphore, #tpu.memory_space<semaphore_mem>>) src(%arg8 : memref<128x64xf32, #tpu.memory_space<vmem>>) dst(%dma_wait3A_240 : memref<10240x64xf32, #tpu.memory_space<vmem_shared>>)
        } else {
        }
        %dma_start3A_224 = arith.constant 0 : i32
        %dma_start3A_225 = tpu.memref_slice %arg5[%add3A_213, %dma_start3A_224] : memref<160x128xi32, #tpu.memory_space<vmem>> -> memref<1x128xi32, #tpu.memory_space<vmem>>
        %dma_start3A_226 = tpu.memref_squeeze %dma_start3A_225 : memref<1x128xi32, #tpu.memory_space<vmem>> -> memref<128xi32, #tpu.memory_space<vmem>>
        %dma_start3A_227 = arith.constant 0 : i32
        %dma_start3A_228 = arith.constant 0 : i32
        %dma_start3A_229 = tpu.memref_slice %arg2[%arg0, %dma_start3A_227, %dma_start3A_228] : memref<2x10240x64xf32, #tpu.memory_space<hbm>> -> memref<1x10240x64xf32, #tpu.memory_space<hbm>>
        %dma_start3A_230 = tpu.memref_squeeze %dma_start3A_229 : memref<1x10240x64xf32, #tpu.memory_space<hbm>> -> memref<10240x64xf32, #tpu.memory_space<hbm>>
        %dma_start3A_231 = arith.constant 0 : i32
        %dma_start3A_232 = arith.constant 0 : i32
        %dma_start3A_233 = tpu.memref_slice %dma_start3A_230[%dma_start3A_231, %dma_start3A_232] : memref<10240x64xf32, #tpu.memory_space<hbm>> -> memref<10240x64xf32, #tpu.memory_space<hbm>>
        tpu.enqueue_indirect_dma source(%dma_start3A_233 : memref<10240x64xf32, #tpu.memory_space<hbm>>) target(%arg8 : memref<128x64xf32, #tpu.memory_space<vmem>>) offsets(%dma_start3A_226 : memref<128xi32, #tpu.memory_space<vmem>>) semaphore(%arg14 : memref<!tpu.dma_semaphore, #tpu.memory_space<semaphore_mem>>)
      } else {
      }
    }
    %scan3A_83 = arith.constant 40 : i32
    %dma_wait3A_84 = arith.constant 0 : i32
    %dma_wait3A_85 = arith.constant 0 : i32
    %dma_wait3A_86 = tpu.memref_slice %arg6[%dma_wait3A_84, %dma_wait3A_85] : memref<160x128xi32, #tpu.memory_space<vmem>> -> memref<1x128xi32, #tpu.memory_space<vmem>>
    %dma_wait3A_87 = tpu.memref_squeeze %dma_wait3A_86 : memref<1x128xi32, #tpu.memory_space<vmem>> -> memref<128xi32, #tpu.memory_space<vmem>>
    %dma_wait3A_88 = arith.constant 0 : i32
    %dma_wait3A_89 = arith.constant 0 : i32
    %dma_wait3A_90 = tpu.memref_slice %arg12[%dma_wait3A_88, %dma_wait3A_89] : memref<10240x64xf32, #tpu.memory_space<vmem_shared>> -> memref<10240x64xf32, #tpu.memory_space<vmem_shared>>
    tpu.wait_indirect_dma semaphore(%arg17 : memref<!tpu.dma_semaphore, #tpu.memory_space<semaphore_mem>>) src(%arg7 : memref<128x64xf32, #tpu.memory_space<vmem>>) dst(%dma_wait3A_90 : memref<10240x64xf32, #tpu.memory_space<vmem_shared>>)
    %dma_wait3A_91 = arith.constant 0 : i32
    %dma_wait3A_92 = arith.constant 0 : i32
    %dma_wait3A_93 = tpu.memref_slice %arg6[%dma_wait3A_91, %dma_wait3A_92] : memref<160x128xi32, #tpu.memory_space<vmem>> -> memref<1x128xi32, #tpu.memory_space<vmem>>
    %dma_wait3A_94 = tpu.memref_squeeze %dma_wait3A_93 : memref<1x128xi32, #tpu.memory_space<vmem>> -> memref<128xi32, #tpu.memory_space<vmem>>
    %dma_wait3A_95 = arith.constant 0 : i32
    %dma_wait3A_96 = arith.constant 0 : i32
    %dma_wait3A_97 = tpu.memref_slice %arg12[%dma_wait3A_95, %dma_wait3A_96] : memref<10240x64xf32, #tpu.memory_space<vmem_shared>> -> memref<10240x64xf32, #tpu.memory_space<vmem_shared>>
    tpu.wait_indirect_dma semaphore(%arg18 : memref<!tpu.dma_semaphore, #tpu.memory_space<semaphore_mem>>) src(%arg8 : memref<128x64xf32, #tpu.memory_space<vmem>>) dst(%dma_wait3A_97 : memref<10240x64xf32, #tpu.memory_space<vmem_shared>>)
    %dma_wait3A_98 = arith.constant 0 : i32
    %dma_wait3A_99 = arith.constant 0 : i32
    %dma_wait3A_100 = tpu.memref_slice %arg6[%dma_wait3A_98, %dma_wait3A_99] : memref<160x128xi32, #tpu.memory_space<vmem>> -> memref<1x128xi32, #tpu.memory_space<vmem>>
    %dma_wait3A_101 = tpu.memref_squeeze %dma_wait3A_100 : memref<1x128xi32, #tpu.memory_space<vmem>> -> memref<128xi32, #tpu.memory_space<vmem>>
    %dma_wait3A_102 = arith.constant 0 : i32
    %dma_wait3A_103 = arith.constant 0 : i32
    %dma_wait3A_104 = tpu.memref_slice %arg12[%dma_wait3A_102, %dma_wait3A_103] : memref<10240x64xf32, #tpu.memory_space<vmem_shared>> -> memref<10240x64xf32, #tpu.memory_space<vmem_shared>>
    tpu.wait_indirect_dma semaphore(%arg19 : memref<!tpu.dma_semaphore, #tpu.memory_space<semaphore_mem>>) src(%arg9 : memref<128x64xf32, #tpu.memory_space<vmem>>) dst(%dma_wait3A_104 : memref<10240x64xf32, #tpu.memory_space<vmem_shared>>)
    %dma_wait3A_105 = arith.constant 0 : i32
    %dma_wait3A_106 = arith.constant 0 : i32
    %dma_wait3A_107 = tpu.memref_slice %arg6[%dma_wait3A_105, %dma_wait3A_106] : memref<160x128xi32, #tpu.memory_space<vmem>> -> memref<1x128xi32, #tpu.memory_space<vmem>>
    %dma_wait3A_108 = tpu.memref_squeeze %dma_wait3A_107 : memref<1x128xi32, #tpu.memory_space<vmem>> -> memref<128xi32, #tpu.memory_space<vmem>>
    %dma_wait3A_109 = arith.constant 0 : i32
    %dma_wait3A_110 = arith.constant 0 : i32
    %dma_wait3A_111 = tpu.memref_slice %arg12[%dma_wait3A_109, %dma_wait3A_110] : memref<10240x64xf32, #tpu.memory_space<vmem_shared>> -> memref<10240x64xf32, #tpu.memory_space<vmem_shared>>
    tpu.wait_indirect_dma semaphore(%arg20 : memref<!tpu.dma_semaphore, #tpu.memory_space<semaphore_mem>>) src(%arg10 : memref<128x64xf32, #tpu.memory_space<vmem>>) dst(%dma_wait3A_111 : memref<10240x64xf32, #tpu.memory_space<vmem_shared>>)
    %barrier3A_112 = arith.constant 0 : index
    tpu.barrier barrier_id(%barrier3A_112)
    %mul3A_113 = arith.constant 640 : i32
    %mul3A_114 = arith.muli %arg1, %mul3A_113 : i32
    %mul3A_115 = arith.constant 640 : i32
    %mul3A_116 = arith.muli %arg1, %mul3A_115 : i32
    "tpu.region"() ({
      %run_scoped3A = tpu.sem_alloc : memref<!tpu.dma_semaphore, #tpu.memory_space<semaphore_mem>>
      %dma_start3A_117 = arith.constant 0 : i32
      %dma_start3A_118 = tpu.memref_slice %arg4[%arg0, %mul3A_116, %dma_start3A_117] : memref<2x10240x64xf32, #tpu.memory_space<hbm>> -> memref<1x640x64xf32, #tpu.memory_space<hbm>>
      %dma_start3A_119 = tpu.memref_squeeze %dma_start3A_118 : memref<1x640x64xf32, #tpu.memory_space<hbm>> -> memref<640x64xf32, #tpu.memory_space<hbm>>
      %dma_start3A_120 = arith.constant 0 : i32
      %dma_start3A_121 = tpu.memref_slice %arg12[%mul3A_114, %dma_start3A_120] : memref<10240x64xf32, #tpu.memory_space<vmem_shared>> -> memref<640x64xf32, #tpu.memory_space<vmem_shared>>
      tpu.enqueue_dma source(%dma_start3A_121 : memref<640x64xf32, #tpu.memory_space<vmem_shared>>) target(%dma_start3A_119 : memref<640x64xf32, #tpu.memory_space<hbm>>) target_semaphore(%run_scoped3A : memref<!tpu.dma_semaphore, #tpu.memory_space<semaphore_mem>>)
      %dma_wait3A_122 = arith.constant 0 : i32
      %dma_wait3A_123 = tpu.memref_slice %arg4[%arg0, %mul3A_116, %dma_wait3A_122] : memref<2x10240x64xf32, #tpu.memory_space<hbm>> -> memref<1x640x64xf32, #tpu.memory_space<hbm>>
      %dma_wait3A_124 = tpu.memref_squeeze %dma_wait3A_123 : memref<1x640x64xf32, #tpu.memory_space<hbm>> -> memref<640x64xf32, #tpu.memory_space<hbm>>
      %dma_wait3A_125 = arith.constant 0 : i32
      %dma_wait3A_126 = tpu.memref_slice %arg12[%mul3A_114, %dma_wait3A_125] : memref<10240x64xf32, #tpu.memory_space<vmem_shared>> -> memref<640x64xf32, #tpu.memory_space<vmem_shared>>
      tpu.wait_dma2 semaphore(%run_scoped3A : memref<!tpu.dma_semaphore, #tpu.memory_space<semaphore_mem>>) src(%dma_wait3A_126 : memref<640x64xf32, #tpu.memory_space<vmem_shared>>) dst(%dma_wait3A_124 : memref<640x64xf32, #tpu.memory_space<hbm>>)
      tpu.yield
    }) : () -> ()
    return
  }
}

#map = affine_map<(d0, d1) -> (0, 0, 0)>
#map1 = affine_map<(d0, d1) -> (0, 0, 0, 0)>
#map2 = affine_map<(d0, d1) -> (0, 0)>
module attributes {stable_mosaic.version = 14 : i64} {
  func.func @sc_aggregate(%arg0: i32, %arg1: i32, %arg2: memref<2x10240x64xf32, #tpu.memory_space<hbm>>, %arg3: memref<2x16x160x128xi32, #tpu.memory_space<hbm>>, %arg4: memref<2x10240x64xf32, #tpu.memory_space<hbm>>, %arg5: memref<10240x16xf32, #tpu.memory_space<hbm>>, %arg6: memref<160x128xi32, #tpu.memory_space<vmem>>, %arg7: memref<160x128xi32, #tpu.memory_space<vmem>>, %arg8: memref<128x64xf32, #tpu.memory_space<vmem>>, %arg9: memref<128x64xf32, #tpu.memory_space<vmem>>, %arg10: memref<128x64xf32, #tpu.memory_space<vmem>>, %arg11: memref<128x64xf32, #tpu.memory_space<vmem>>, %arg12: memref<128x16xf32, #tpu.memory_space<vmem>>, %arg13: memref<10240x64xf32, #tpu.memory_space<vmem_shared>>, %arg14: memref<!tpu.dma_semaphore, #tpu.memory_space<semaphore_mem>>, %arg15: memref<!tpu.dma_semaphore, #tpu.memory_space<semaphore_mem>>, %arg16: memref<!tpu.dma_semaphore, #tpu.memory_space<semaphore_mem>>, %arg17: memref<!tpu.dma_semaphore, #tpu.memory_space<semaphore_mem>>, %arg18: memref<!tpu.dma_semaphore, #tpu.memory_space<semaphore_mem>>, %arg19: memref<!tpu.dma_semaphore, #tpu.memory_space<semaphore_mem>>, %arg20: memref<!tpu.dma_semaphore, #tpu.memory_space<semaphore_mem>>, %arg21: memref<!tpu.dma_semaphore, #tpu.memory_space<semaphore_mem>>, %arg22: memref<128x16xf32, #tpu.memory_space<vmem>>, %arg23: memref<10240x16xf32, #tpu.memory_space<vmem_shared>>, %arg24: memref<!tpu.dma_semaphore, #tpu.memory_space<semaphore_mem>>, %arg25: memref<!tpu.dma_semaphore, #tpu.memory_space<semaphore_mem>>, %arg26: memref<!tpu.dma_semaphore, #tpu.memory_space<semaphore_mem>>, %arg27: memref<!tpu.dma_semaphore, #tpu.memory_space<semaphore_mem>>) attributes {dimension_semantics = [#tpu.dimension_semantics<core_parallel>, #tpu.dimension_semantics<subcore_parallel>], iteration_bounds = array<i64: 2, 16>, scalar_prefetch = 0 : i64, scratch_operands = 22 : i64, tpu.core_type = #tpu.core_type<sc_vector_subcore>, window_params = [{transform_indices = #map}, {transform_indices = #map1}, {transform_indices = #map}, {transform_indices = #map2}]} {
    %eq3A = arith.constant 0 : i32
    %eq3A_0 = arith.cmpi eq, %arg0, %eq3A : i32
    %dma_start3A = arith.constant 0 : i32
    %dma_start3A_1 = arith.constant 0 : i32
    %dma_start3A_2 = arith.constant 0 : i32
    %dma_start3A_3 = tpu.memref_slice %arg3[%dma_start3A, %arg1, %dma_start3A_1, %dma_start3A_2] : memref<2x16x160x128xi32, #tpu.memory_space<hbm>> -> memref<1x1x160x128xi32, #tpu.memory_space<hbm>>
    %dma_start3A_4 = tpu.memref_squeeze %dma_start3A_3 : memref<1x1x160x128xi32, #tpu.memory_space<hbm>> -> memref<160x128xi32, #tpu.memory_space<hbm>>
    %dma_start3A_5 = arith.constant 0 : i32
    %dma_start3A_6 = arith.constant 0 : i32
    %dma_start3A_7 = tpu.memref_slice %arg3[%dma_start3A, %arg1, %dma_start3A_5, %dma_start3A_6] : memref<2x16x160x128xi32, #tpu.memory_space<hbm>> -> memref<1x1x160x128xi32, #tpu.memory_space<hbm>>
    %dma_start3A_8 = tpu.memref_squeeze %dma_start3A_7 : memref<1x1x160x128xi32, #tpu.memory_space<hbm>> -> memref<160x128xi32, #tpu.memory_space<hbm>>
    tpu.enqueue_dma source(%dma_start3A_8 : memref<160x128xi32, #tpu.memory_space<hbm>>) target(%arg6 : memref<160x128xi32, #tpu.memory_space<vmem>>) target_semaphore(%arg14 : memref<!tpu.dma_semaphore, #tpu.memory_space<semaphore_mem>>)
    %dma_start3A_9 = arith.constant 1 : i32
    %dma_start3A_10 = arith.constant 0 : i32
    %dma_start3A_11 = arith.constant 0 : i32
    %dma_start3A_12 = tpu.memref_slice %arg3[%dma_start3A_9, %arg1, %dma_start3A_10, %dma_start3A_11] : memref<2x16x160x128xi32, #tpu.memory_space<hbm>> -> memref<1x1x160x128xi32, #tpu.memory_space<hbm>>
    %dma_start3A_13 = tpu.memref_squeeze %dma_start3A_12 : memref<1x1x160x128xi32, #tpu.memory_space<hbm>> -> memref<160x128xi32, #tpu.memory_space<hbm>>
    %dma_start3A_14 = arith.constant 0 : i32
    %dma_start3A_15 = arith.constant 0 : i32
    %dma_start3A_16 = tpu.memref_slice %arg3[%dma_start3A_9, %arg1, %dma_start3A_14, %dma_start3A_15] : memref<2x16x160x128xi32, #tpu.memory_space<hbm>> -> memref<1x1x160x128xi32, #tpu.memory_space<hbm>>
    %dma_start3A_17 = tpu.memref_squeeze %dma_start3A_16 : memref<1x1x160x128xi32, #tpu.memory_space<hbm>> -> memref<160x128xi32, #tpu.memory_space<hbm>>
    tpu.enqueue_dma source(%dma_start3A_17 : memref<160x128xi32, #tpu.memory_space<hbm>>) target(%arg7 : memref<160x128xi32, #tpu.memory_space<vmem>>) target_semaphore(%arg15 : memref<!tpu.dma_semaphore, #tpu.memory_space<semaphore_mem>>)
    %scan3A = arith.constant 0 : i32
    %scan3A_18 = arith.constant 128 : i32
    %scan3A_19 = arith.addi %scan3A, %scan3A_18 : i32
    %scan3A_20 = arith.constant 1 : i32
    scf.for %scan3A_133 = %scan3A to %scan3A_19 step %scan3A_20  : i32 {
      %mul3A_134 = arith.constant 1 : i32
      %mul3A_135 = arith.muli %scan3A_133, %mul3A_134 : i32
      %add3A_136 = arith.constant 0 : i32
      %add3A_137 = arith.addi %add3A_136, %mul3A_135 : i32
      %scan3A_138 = arith.constant 0 : i32
      %scan3A_139 = arith.constant 4 : i32
      %scan3A_140 = arith.addi %scan3A_138, %scan3A_139 : i32
      %scan3A_141 = arith.constant 1 : i32
      scf.for %scan3A_155 = %scan3A_138 to %scan3A_140 step %scan3A_141  : i32 {
        %mul3A_156 = arith.constant 1 : i32
        %mul3A_157 = arith.muli %scan3A_155, %mul3A_156 : i32
        %add3A_158 = arith.constant 0 : i32
        %add3A_159 = arith.addi %add3A_158, %mul3A_157 : i32
        %broadcast_in_dim3A_160 = arith.constant 0.000000e+00 : f32
        %broadcast_in_dim3A_161 = vector.broadcast %broadcast_in_dim3A_160 : f32 to vector<16xf32>
        %mul3A_162 = arith.constant 16 : i32
        %mul3A_163 = arith.muli %add3A_159, %mul3A_162 : i32
        %swap3A_164 = arith.index_cast %add3A_137 : i32 to index
        %swap3A_165 = arith.index_cast %mul3A_163 : i32 to index
        %swap3A_166 = tpu.vector_load %arg8[%swap3A_164, %swap3A_165] {strides = array<i32>} : memref<128x64xf32, #tpu.memory_space<vmem>>, vector<1x16xf32>,
        %swap3A_167 = vector.shape_cast %swap3A_166 : vector<1x16xf32> to vector<16xf32>
        %swap3A_168 = vector.shape_cast %broadcast_in_dim3A_161 : vector<16xf32> to vector<1x16xf32>
        tpu.vector_store %arg8[%swap3A_164, %swap3A_165], %swap3A_168 {strides = array<i32>} : memref<128x64xf32, #tpu.memory_space<vmem>>, vector<1x16xf32>,
      }
      %scan3A_142 = arith.constant 4 : i32
      %broadcast_in_dim3A = arith.constant 0.000000e+00 : f32
      %broadcast_in_dim3A_143 = vector.broadcast %broadcast_in_dim3A : f32 to vector<16xf32>
      %swap3A = arith.index_cast %add3A_137 : i32 to index
      %swap3A_144 = arith.constant 0 : index
      %swap3A_145 = tpu.vector_load %arg12[%swap3A, %swap3A_144] {strides = array<i32>} : memref<128x16xf32, #tpu.memory_space<vmem>>, vector<1x16xf32>,
      %swap3A_146 = vector.shape_cast %swap3A_145 : vector<1x16xf32> to vector<16xf32>
      %swap3A_147 = vector.shape_cast %broadcast_in_dim3A_143 : vector<16xf32> to vector<1x16xf32>
      tpu.vector_store %arg12[%swap3A, %swap3A_144], %swap3A_147 {strides = array<i32>} : memref<128x16xf32, #tpu.memory_space<vmem>>, vector<1x16xf32>,
      %broadcast_in_dim3A_148 = arith.constant 1.000000e+00 : f32
      %broadcast_in_dim3A_149 = vector.broadcast %broadcast_in_dim3A_148 : f32 to vector<16xf32>
      %swap3A_150 = arith.index_cast %add3A_137 : i32 to index
      %swap3A_151 = arith.constant 0 : index
      %swap3A_152 = tpu.vector_load %arg22[%swap3A_150, %swap3A_151] {strides = array<i32>} : memref<128x16xf32, #tpu.memory_space<vmem>>, vector<1x16xf32>,
      %swap3A_153 = vector.shape_cast %swap3A_152 : vector<1x16xf32> to vector<16xf32>
      %swap3A_154 = vector.shape_cast %broadcast_in_dim3A_149 : vector<16xf32> to vector<1x16xf32>
      tpu.vector_store %arg22[%swap3A_150, %swap3A_151], %swap3A_154 {strides = array<i32>} : memref<128x16xf32, #tpu.memory_space<vmem>>, vector<1x16xf32>,
    }
    %scan3A_21 = arith.constant 128 : i32
    %mul3A = arith.constant 640 : i32
    %mul3A_22 = arith.muli %arg1, %mul3A : i32
    %add3A = arith.constant 0 : i32
    %add3A_23 = arith.addi %mul3A_22, %add3A : i32
    "tpu.region"() ({
      %run_scoped3A = tpu.sem_alloc : memref<!tpu.dma_semaphore, #tpu.memory_space<semaphore_mem>>
      %dma_start3A_133 = arith.constant 0 : i32
      %dma_start3A_134 = tpu.memref_slice %arg13[%add3A_23, %dma_start3A_133] : memref<10240x64xf32, #tpu.memory_space<vmem_shared>> -> memref<128x64xf32, #tpu.memory_space<vmem_shared>>
      %dma_start3A_135 = arith.constant 0 : i32
      %dma_start3A_136 = tpu.memref_slice %arg13[%add3A_23, %dma_start3A_135] : memref<10240x64xf32, #tpu.memory_space<vmem_shared>> -> memref<128x64xf32, #tpu.memory_space<vmem_shared>>
      tpu.enqueue_dma source(%arg8 : memref<128x64xf32, #tpu.memory_space<vmem>>) target(%dma_start3A_136 : memref<128x64xf32, #tpu.memory_space<vmem_shared>>) target_semaphore(%run_scoped3A : memref<!tpu.dma_semaphore, #tpu.memory_space<semaphore_mem>>)
      %dma_wait3A_137 = arith.constant 0 : i32
      %dma_wait3A_138 = tpu.memref_slice %arg13[%add3A_23, %dma_wait3A_137] : memref<10240x64xf32, #tpu.memory_space<vmem_shared>> -> memref<128x64xf32, #tpu.memory_space<vmem_shared>>
      %dma_wait3A_139 = arith.constant 0 : i32
      %dma_wait3A_140 = tpu.memref_slice %arg13[%add3A_23, %dma_wait3A_139] : memref<10240x64xf32, #tpu.memory_space<vmem_shared>> -> memref<128x64xf32, #tpu.memory_space<vmem_shared>>
      tpu.wait_dma2 semaphore(%run_scoped3A : memref<!tpu.dma_semaphore, #tpu.memory_space<semaphore_mem>>) src(%arg8 : memref<128x64xf32, #tpu.memory_space<vmem>>) dst(%dma_wait3A_140 : memref<128x64xf32, #tpu.memory_space<vmem_shared>>)
      tpu.yield
    }) : () -> ()
    %mul3A_24 = arith.constant 640 : i32
    %mul3A_25 = arith.muli %arg1, %mul3A_24 : i32
    %add3A_26 = arith.constant 128 : i32
    %add3A_27 = arith.addi %mul3A_25, %add3A_26 : i32
    "tpu.region"() ({
      %run_scoped3A = tpu.sem_alloc : memref<!tpu.dma_semaphore, #tpu.memory_space<semaphore_mem>>
      %dma_start3A_133 = arith.constant 0 : i32
      %dma_start3A_134 = tpu.memref_slice %arg13[%add3A_27, %dma_start3A_133] : memref<10240x64xf32, #tpu.memory_space<vmem_shared>> -> memref<128x64xf32, #tpu.memory_space<vmem_shared>>
      %dma_start3A_135 = arith.constant 0 : i32
      %dma_start3A_136 = tpu.memref_slice %arg13[%add3A_27, %dma_start3A_135] : memref<10240x64xf32, #tpu.memory_space<vmem_shared>> -> memref<128x64xf32, #tpu.memory_space<vmem_shared>>
      tpu.enqueue_dma source(%arg8 : memref<128x64xf32, #tpu.memory_space<vmem>>) target(%dma_start3A_136 : memref<128x64xf32, #tpu.memory_space<vmem_shared>>) target_semaphore(%run_scoped3A : memref<!tpu.dma_semaphore, #tpu.memory_space<semaphore_mem>>)
      %dma_wait3A_137 = arith.constant 0 : i32
      %dma_wait3A_138 = tpu.memref_slice %arg13[%add3A_27, %dma_wait3A_137] : memref<10240x64xf32, #tpu.memory_space<vmem_shared>> -> memref<128x64xf32, #tpu.memory_space<vmem_shared>>
      %dma_wait3A_139 = arith.constant 0 : i32
      %dma_wait3A_140 = tpu.memref_slice %arg13[%add3A_27, %dma_wait3A_139] : memref<10240x64xf32, #tpu.memory_space<vmem_shared>> -> memref<128x64xf32, #tpu.memory_space<vmem_shared>>
      tpu.wait_dma2 semaphore(%run_scoped3A : memref<!tpu.dma_semaphore, #tpu.memory_space<semaphore_mem>>) src(%arg8 : memref<128x64xf32, #tpu.memory_space<vmem>>) dst(%dma_wait3A_140 : memref<128x64xf32, #tpu.memory_space<vmem_shared>>)
      tpu.yield
    }) : () -> ()
    %mul3A_28 = arith.constant 640 : i32
    %mul3A_29 = arith.muli %arg1, %mul3A_28 : i32
    %add3A_30 = arith.constant 256 : i32
    %add3A_31 = arith.addi %mul3A_29, %add3A_30 : i32
    "tpu.region"() ({
      %run_scoped3A = tpu.sem_alloc : memref<!tpu.dma_semaphore, #tpu.memory_space<semaphore_mem>>
      %dma_start3A_133 = arith.constant 0 : i32
      %dma_start3A_134 = tpu.memref_slice %arg13[%add3A_31, %dma_start3A_133] : memref<10240x64xf32, #tpu.memory_space<vmem_shared>> -> memref<128x64xf32, #tpu.memory_space<vmem_shared>>
      %dma_start3A_135 = arith.constant 0 : i32
      %dma_start3A_136 = tpu.memref_slice %arg13[%add3A_31, %dma_start3A_135] : memref<10240x64xf32, #tpu.memory_space<vmem_shared>> -> memref<128x64xf32, #tpu.memory_space<vmem_shared>>
      tpu.enqueue_dma source(%arg8 : memref<128x64xf32, #tpu.memory_space<vmem>>) target(%dma_start3A_136 : memref<128x64xf32, #tpu.memory_space<vmem_shared>>) target_semaphore(%run_scoped3A : memref<!tpu.dma_semaphore, #tpu.memory_space<semaphore_mem>>)
      %dma_wait3A_137 = arith.constant 0 : i32
      %dma_wait3A_138 = tpu.memref_slice %arg13[%add3A_31, %dma_wait3A_137] : memref<10240x64xf32, #tpu.memory_space<vmem_shared>> -> memref<128x64xf32, #tpu.memory_space<vmem_shared>>
      %dma_wait3A_139 = arith.constant 0 : i32
      %dma_wait3A_140 = tpu.memref_slice %arg13[%add3A_31, %dma_wait3A_139] : memref<10240x64xf32, #tpu.memory_space<vmem_shared>> -> memref<128x64xf32, #tpu.memory_space<vmem_shared>>
      tpu.wait_dma2 semaphore(%run_scoped3A : memref<!tpu.dma_semaphore, #tpu.memory_space<semaphore_mem>>) src(%arg8 : memref<128x64xf32, #tpu.memory_space<vmem>>) dst(%dma_wait3A_140 : memref<128x64xf32, #tpu.memory_space<vmem_shared>>)
      tpu.yield
    }) : () -> ()
    %mul3A_32 = arith.constant 640 : i32
    %mul3A_33 = arith.muli %arg1, %mul3A_32 : i32
    %add3A_34 = arith.constant 384 : i32
    %add3A_35 = arith.addi %mul3A_33, %add3A_34 : i32
    "tpu.region"() ({
      %run_scoped3A = tpu.sem_alloc : memref<!tpu.dma_semaphore, #tpu.memory_space<semaphore_mem>>
      %dma_start3A_133 = arith.constant 0 : i32
      %dma_start3A_134 = tpu.memref_slice %arg13[%add3A_35, %dma_start3A_133] : memref<10240x64xf32, #tpu.memory_space<vmem_shared>> -> memref<128x64xf32, #tpu.memory_space<vmem_shared>>
      %dma_start3A_135 = arith.constant 0 : i32
      %dma_start3A_136 = tpu.memref_slice %arg13[%add3A_35, %dma_start3A_135] : memref<10240x64xf32, #tpu.memory_space<vmem_shared>> -> memref<128x64xf32, #tpu.memory_space<vmem_shared>>
      tpu.enqueue_dma source(%arg8 : memref<128x64xf32, #tpu.memory_space<vmem>>) target(%dma_start3A_136 : memref<128x64xf32, #tpu.memory_space<vmem_shared>>) target_semaphore(%run_scoped3A : memref<!tpu.dma_semaphore, #tpu.memory_space<semaphore_mem>>)
      %dma_wait3A_137 = arith.constant 0 : i32
      %dma_wait3A_138 = tpu.memref_slice %arg13[%add3A_35, %dma_wait3A_137] : memref<10240x64xf32, #tpu.memory_space<vmem_shared>> -> memref<128x64xf32, #tpu.memory_space<vmem_shared>>
      %dma_wait3A_139 = arith.constant 0 : i32
      %dma_wait3A_140 = tpu.memref_slice %arg13[%add3A_35, %dma_wait3A_139] : memref<10240x64xf32, #tpu.memory_space<vmem_shared>> -> memref<128x64xf32, #tpu.memory_space<vmem_shared>>
      tpu.wait_dma2 semaphore(%run_scoped3A : memref<!tpu.dma_semaphore, #tpu.memory_space<semaphore_mem>>) src(%arg8 : memref<128x64xf32, #tpu.memory_space<vmem>>) dst(%dma_wait3A_140 : memref<128x64xf32, #tpu.memory_space<vmem_shared>>)
      tpu.yield
    }) : () -> ()
    %mul3A_36 = arith.constant 640 : i32
    %mul3A_37 = arith.muli %arg1, %mul3A_36 : i32
    %add3A_38 = arith.constant 512 : i32
    %add3A_39 = arith.addi %mul3A_37, %add3A_38 : i32
    "tpu.region"() ({
      %run_scoped3A = tpu.sem_alloc : memref<!tpu.dma_semaphore, #tpu.memory_space<semaphore_mem>>
      %dma_start3A_133 = arith.constant 0 : i32
      %dma_start3A_134 = tpu.memref_slice %arg13[%add3A_39, %dma_start3A_133] : memref<10240x64xf32, #tpu.memory_space<vmem_shared>> -> memref<128x64xf32, #tpu.memory_space<vmem_shared>>
      %dma_start3A_135 = arith.constant 0 : i32
      %dma_start3A_136 = tpu.memref_slice %arg13[%add3A_39, %dma_start3A_135] : memref<10240x64xf32, #tpu.memory_space<vmem_shared>> -> memref<128x64xf32, #tpu.memory_space<vmem_shared>>
      tpu.enqueue_dma source(%arg8 : memref<128x64xf32, #tpu.memory_space<vmem>>) target(%dma_start3A_136 : memref<128x64xf32, #tpu.memory_space<vmem_shared>>) target_semaphore(%run_scoped3A : memref<!tpu.dma_semaphore, #tpu.memory_space<semaphore_mem>>)
      %dma_wait3A_137 = arith.constant 0 : i32
      %dma_wait3A_138 = tpu.memref_slice %arg13[%add3A_39, %dma_wait3A_137] : memref<10240x64xf32, #tpu.memory_space<vmem_shared>> -> memref<128x64xf32, #tpu.memory_space<vmem_shared>>
      %dma_wait3A_139 = arith.constant 0 : i32
      %dma_wait3A_140 = tpu.memref_slice %arg13[%add3A_39, %dma_wait3A_139] : memref<10240x64xf32, #tpu.memory_space<vmem_shared>> -> memref<128x64xf32, #tpu.memory_space<vmem_shared>>
      tpu.wait_dma2 semaphore(%run_scoped3A : memref<!tpu.dma_semaphore, #tpu.memory_space<semaphore_mem>>) src(%arg8 : memref<128x64xf32, #tpu.memory_space<vmem>>) dst(%dma_wait3A_140 : memref<128x64xf32, #tpu.memory_space<vmem_shared>>)
      tpu.yield
    }) : () -> ()
    %convert_element_type3A = arith.extui %eq3A_0 : i1 to i32
    %cond3A = arith.constant 0 : i32
    %cond3A_40 = arith.cmpi ne, %convert_element_type3A, %cond3A : i32
    scf.if %cond3A_40 {
      %mul3A_133 = arith.constant 640 : i32
      %mul3A_134 = arith.muli %arg1, %mul3A_133 : i32
      %add3A_135 = arith.constant 0 : i32
      %add3A_136 = arith.addi %mul3A_134, %add3A_135 : i32
      "tpu.region"() ({
        %run_scoped3A = tpu.sem_alloc : memref<!tpu.dma_semaphore, #tpu.memory_space<semaphore_mem>>
        %dma_start3A_153 = arith.constant 0 : i32
        %dma_start3A_154 = tpu.memref_slice %arg23[%add3A_136, %dma_start3A_153] : memref<10240x16xf32, #tpu.memory_space<vmem_shared>> -> memref<128x16xf32, #tpu.memory_space<vmem_shared>>
        %dma_start3A_155 = arith.constant 0 : i32
        %dma_start3A_156 = tpu.memref_slice %arg23[%add3A_136, %dma_start3A_155] : memref<10240x16xf32, #tpu.memory_space<vmem_shared>> -> memref<128x16xf32, #tpu.memory_space<vmem_shared>>
        tpu.enqueue_dma source(%arg12 : memref<128x16xf32, #tpu.memory_space<vmem>>) target(%dma_start3A_156 : memref<128x16xf32, #tpu.memory_space<vmem_shared>>) target_semaphore(%run_scoped3A : memref<!tpu.dma_semaphore, #tpu.memory_space<semaphore_mem>>)
        %dma_wait3A_157 = arith.constant 0 : i32
        %dma_wait3A_158 = tpu.memref_slice %arg23[%add3A_136, %dma_wait3A_157] : memref<10240x16xf32, #tpu.memory_space<vmem_shared>> -> memref<128x16xf32, #tpu.memory_space<vmem_shared>>
        %dma_wait3A_159 = arith.constant 0 : i32
        %dma_wait3A_160 = tpu.memref_slice %arg23[%add3A_136, %dma_wait3A_159] : memref<10240x16xf32, #tpu.memory_space<vmem_shared>> -> memref<128x16xf32, #tpu.memory_space<vmem_shared>>
        tpu.wait_dma2 semaphore(%run_scoped3A : memref<!tpu.dma_semaphore, #tpu.memory_space<semaphore_mem>>) src(%arg12 : memref<128x16xf32, #tpu.memory_space<vmem>>) dst(%dma_wait3A_160 : memref<128x16xf32, #tpu.memory_space<vmem_shared>>)
        tpu.yield
      }) : () -> ()
      %mul3A_137 = arith.constant 640 : i32
      %mul3A_138 = arith.muli %arg1, %mul3A_137 : i32
      %add3A_139 = arith.constant 128 : i32
      %add3A_140 = arith.addi %mul3A_138, %add3A_139 : i32
      "tpu.region"() ({
        %run_scoped3A = tpu.sem_alloc : memref<!tpu.dma_semaphore, #tpu.memory_space<semaphore_mem>>
        %dma_start3A_153 = arith.constant 0 : i32
        %dma_start3A_154 = tpu.memref_slice %arg23[%add3A_140, %dma_start3A_153] : memref<10240x16xf32, #tpu.memory_space<vmem_shared>> -> memref<128x16xf32, #tpu.memory_space<vmem_shared>>
        %dma_start3A_155 = arith.constant 0 : i32
        %dma_start3A_156 = tpu.memref_slice %arg23[%add3A_140, %dma_start3A_155] : memref<10240x16xf32, #tpu.memory_space<vmem_shared>> -> memref<128x16xf32, #tpu.memory_space<vmem_shared>>
        tpu.enqueue_dma source(%arg12 : memref<128x16xf32, #tpu.memory_space<vmem>>) target(%dma_start3A_156 : memref<128x16xf32, #tpu.memory_space<vmem_shared>>) target_semaphore(%run_scoped3A : memref<!tpu.dma_semaphore, #tpu.memory_space<semaphore_mem>>)
        %dma_wait3A_157 = arith.constant 0 : i32
        %dma_wait3A_158 = tpu.memref_slice %arg23[%add3A_140, %dma_wait3A_157] : memref<10240x16xf32, #tpu.memory_space<vmem_shared>> -> memref<128x16xf32, #tpu.memory_space<vmem_shared>>
        %dma_wait3A_159 = arith.constant 0 : i32
        %dma_wait3A_160 = tpu.memref_slice %arg23[%add3A_140, %dma_wait3A_159] : memref<10240x16xf32, #tpu.memory_space<vmem_shared>> -> memref<128x16xf32, #tpu.memory_space<vmem_shared>>
        tpu.wait_dma2 semaphore(%run_scoped3A : memref<!tpu.dma_semaphore, #tpu.memory_space<semaphore_mem>>) src(%arg12 : memref<128x16xf32, #tpu.memory_space<vmem>>) dst(%dma_wait3A_160 : memref<128x16xf32, #tpu.memory_space<vmem_shared>>)
        tpu.yield
      }) : () -> ()
      %mul3A_141 = arith.constant 640 : i32
      %mul3A_142 = arith.muli %arg1, %mul3A_141 : i32
      %add3A_143 = arith.constant 256 : i32
      %add3A_144 = arith.addi %mul3A_142, %add3A_143 : i32
      "tpu.region"() ({
        %run_scoped3A = tpu.sem_alloc : memref<!tpu.dma_semaphore, #tpu.memory_space<semaphore_mem>>
        %dma_start3A_153 = arith.constant 0 : i32
        %dma_start3A_154 = tpu.memref_slice %arg23[%add3A_144, %dma_start3A_153] : memref<10240x16xf32, #tpu.memory_space<vmem_shared>> -> memref<128x16xf32, #tpu.memory_space<vmem_shared>>
        %dma_start3A_155 = arith.constant 0 : i32
        %dma_start3A_156 = tpu.memref_slice %arg23[%add3A_144, %dma_start3A_155] : memref<10240x16xf32, #tpu.memory_space<vmem_shared>> -> memref<128x16xf32, #tpu.memory_space<vmem_shared>>
        tpu.enqueue_dma source(%arg12 : memref<128x16xf32, #tpu.memory_space<vmem>>) target(%dma_start3A_156 : memref<128x16xf32, #tpu.memory_space<vmem_shared>>) target_semaphore(%run_scoped3A : memref<!tpu.dma_semaphore, #tpu.memory_space<semaphore_mem>>)
        %dma_wait3A_157 = arith.constant 0 : i32
        %dma_wait3A_158 = tpu.memref_slice %arg23[%add3A_144, %dma_wait3A_157] : memref<10240x16xf32, #tpu.memory_space<vmem_shared>> -> memref<128x16xf32, #tpu.memory_space<vmem_shared>>
        %dma_wait3A_159 = arith.constant 0 : i32
        %dma_wait3A_160 = tpu.memref_slice %arg23[%add3A_144, %dma_wait3A_159] : memref<10240x16xf32, #tpu.memory_space<vmem_shared>> -> memref<128x16xf32, #tpu.memory_space<vmem_shared>>
        tpu.wait_dma2 semaphore(%run_scoped3A : memref<!tpu.dma_semaphore, #tpu.memory_space<semaphore_mem>>) src(%arg12 : memref<128x16xf32, #tpu.memory_space<vmem>>) dst(%dma_wait3A_160 : memref<128x16xf32, #tpu.memory_space<vmem_shared>>)
        tpu.yield
      }) : () -> ()
      %mul3A_145 = arith.constant 640 : i32
      %mul3A_146 = arith.muli %arg1, %mul3A_145 : i32
      %add3A_147 = arith.constant 384 : i32
      %add3A_148 = arith.addi %mul3A_146, %add3A_147 : i32
      "tpu.region"() ({
        %run_scoped3A = tpu.sem_alloc : memref<!tpu.dma_semaphore, #tpu.memory_space<semaphore_mem>>
        %dma_start3A_153 = arith.constant 0 : i32
        %dma_start3A_154 = tpu.memref_slice %arg23[%add3A_148, %dma_start3A_153] : memref<10240x16xf32, #tpu.memory_space<vmem_shared>> -> memref<128x16xf32, #tpu.memory_space<vmem_shared>>
        %dma_start3A_155 = arith.constant 0 : i32
        %dma_start3A_156 = tpu.memref_slice %arg23[%add3A_148, %dma_start3A_155] : memref<10240x16xf32, #tpu.memory_space<vmem_shared>> -> memref<128x16xf32, #tpu.memory_space<vmem_shared>>
        tpu.enqueue_dma source(%arg12 : memref<128x16xf32, #tpu.memory_space<vmem>>) target(%dma_start3A_156 : memref<128x16xf32, #tpu.memory_space<vmem_shared>>) target_semaphore(%run_scoped3A : memref<!tpu.dma_semaphore, #tpu.memory_space<semaphore_mem>>)
        %dma_wait3A_157 = arith.constant 0 : i32
        %dma_wait3A_158 = tpu.memref_slice %arg23[%add3A_148, %dma_wait3A_157] : memref<10240x16xf32, #tpu.memory_space<vmem_shared>> -> memref<128x16xf32, #tpu.memory_space<vmem_shared>>
        %dma_wait3A_159 = arith.constant 0 : i32
        %dma_wait3A_160 = tpu.memref_slice %arg23[%add3A_148, %dma_wait3A_159] : memref<10240x16xf32, #tpu.memory_space<vmem_shared>> -> memref<128x16xf32, #tpu.memory_space<vmem_shared>>
        tpu.wait_dma2 semaphore(%run_scoped3A : memref<!tpu.dma_semaphore, #tpu.memory_space<semaphore_mem>>) src(%arg12 : memref<128x16xf32, #tpu.memory_space<vmem>>) dst(%dma_wait3A_160 : memref<128x16xf32, #tpu.memory_space<vmem_shared>>)
        tpu.yield
      }) : () -> ()
      %mul3A_149 = arith.constant 640 : i32
      %mul3A_150 = arith.muli %arg1, %mul3A_149 : i32
      %add3A_151 = arith.constant 512 : i32
      %add3A_152 = arith.addi %mul3A_150, %add3A_151 : i32
      "tpu.region"() ({
        %run_scoped3A = tpu.sem_alloc : memref<!tpu.dma_semaphore, #tpu.memory_space<semaphore_mem>>
        %dma_start3A_153 = arith.constant 0 : i32
        %dma_start3A_154 = tpu.memref_slice %arg23[%add3A_152, %dma_start3A_153] : memref<10240x16xf32, #tpu.memory_space<vmem_shared>> -> memref<128x16xf32, #tpu.memory_space<vmem_shared>>
        %dma_start3A_155 = arith.constant 0 : i32
        %dma_start3A_156 = tpu.memref_slice %arg23[%add3A_152, %dma_start3A_155] : memref<10240x16xf32, #tpu.memory_space<vmem_shared>> -> memref<128x16xf32, #tpu.memory_space<vmem_shared>>
        tpu.enqueue_dma source(%arg12 : memref<128x16xf32, #tpu.memory_space<vmem>>) target(%dma_start3A_156 : memref<128x16xf32, #tpu.memory_space<vmem_shared>>) target_semaphore(%run_scoped3A : memref<!tpu.dma_semaphore, #tpu.memory_space<semaphore_mem>>)
        %dma_wait3A_157 = arith.constant 0 : i32
        %dma_wait3A_158 = tpu.memref_slice %arg23[%add3A_152, %dma_wait3A_157] : memref<10240x16xf32, #tpu.memory_space<vmem_shared>> -> memref<128x16xf32, #tpu.memory_space<vmem_shared>>
        %dma_wait3A_159 = arith.constant 0 : i32
        %dma_wait3A_160 = tpu.memref_slice %arg23[%add3A_152, %dma_wait3A_159] : memref<10240x16xf32, #tpu.memory_space<vmem_shared>> -> memref<128x16xf32, #tpu.memory_space<vmem_shared>>
        tpu.wait_dma2 semaphore(%run_scoped3A : memref<!tpu.dma_semaphore, #tpu.memory_space<semaphore_mem>>) src(%arg12 : memref<128x16xf32, #tpu.memory_space<vmem>>) dst(%dma_wait3A_160 : memref<128x16xf32, #tpu.memory_space<vmem_shared>>)
        tpu.yield
      }) : () -> ()
    } else {
    }
    %dma_wait3A = arith.constant 0 : i32
    %dma_wait3A_41 = arith.constant 0 : i32
    %dma_wait3A_42 = arith.constant 0 : i32
    %dma_wait3A_43 = tpu.memref_slice %arg3[%dma_wait3A, %arg1, %dma_wait3A_41, %dma_wait3A_42] : memref<2x16x160x128xi32, #tpu.memory_space<hbm>> -> memref<1x1x160x128xi32, #tpu.memory_space<hbm>>
    %dma_wait3A_44 = tpu.memref_squeeze %dma_wait3A_43 : memref<1x1x160x128xi32, #tpu.memory_space<hbm>> -> memref<160x128xi32, #tpu.memory_space<hbm>>
    %dma_wait3A_45 = arith.constant 0 : i32
    %dma_wait3A_46 = arith.constant 0 : i32
    %dma_wait3A_47 = tpu.memref_slice %arg3[%dma_wait3A, %arg1, %dma_wait3A_45, %dma_wait3A_46] : memref<2x16x160x128xi32, #tpu.memory_space<hbm>> -> memref<1x1x160x128xi32, #tpu.memory_space<hbm>>
    %dma_wait3A_48 = tpu.memref_squeeze %dma_wait3A_47 : memref<1x1x160x128xi32, #tpu.memory_space<hbm>> -> memref<160x128xi32, #tpu.memory_space<hbm>>
    tpu.wait_dma2 semaphore(%arg14 : memref<!tpu.dma_semaphore, #tpu.memory_space<semaphore_mem>>) src(%dma_wait3A_48 : memref<160x128xi32, #tpu.memory_space<hbm>>) dst(%arg6 : memref<160x128xi32, #tpu.memory_space<vmem>>)
    %dma_wait3A_49 = arith.constant 1 : i32
    %dma_wait3A_50 = arith.constant 0 : i32
    %dma_wait3A_51 = arith.constant 0 : i32
    %dma_wait3A_52 = tpu.memref_slice %arg3[%dma_wait3A_49, %arg1, %dma_wait3A_50, %dma_wait3A_51] : memref<2x16x160x128xi32, #tpu.memory_space<hbm>> -> memref<1x1x160x128xi32, #tpu.memory_space<hbm>>
    %dma_wait3A_53 = tpu.memref_squeeze %dma_wait3A_52 : memref<1x1x160x128xi32, #tpu.memory_space<hbm>> -> memref<160x128xi32, #tpu.memory_space<hbm>>
    %dma_wait3A_54 = arith.constant 0 : i32
    %dma_wait3A_55 = arith.constant 0 : i32
    %dma_wait3A_56 = tpu.memref_slice %arg3[%dma_wait3A_49, %arg1, %dma_wait3A_54, %dma_wait3A_55] : memref<2x16x160x128xi32, #tpu.memory_space<hbm>> -> memref<1x1x160x128xi32, #tpu.memory_space<hbm>>
    %dma_wait3A_57 = tpu.memref_squeeze %dma_wait3A_56 : memref<1x1x160x128xi32, #tpu.memory_space<hbm>> -> memref<160x128xi32, #tpu.memory_space<hbm>>
    tpu.wait_dma2 semaphore(%arg15 : memref<!tpu.dma_semaphore, #tpu.memory_space<semaphore_mem>>) src(%dma_wait3A_57 : memref<160x128xi32, #tpu.memory_space<hbm>>) dst(%arg7 : memref<160x128xi32, #tpu.memory_space<vmem>>)
    %barrier3A = arith.constant 0 : index
    tpu.barrier barrier_id(%barrier3A)
    %dma_start3A_58 = arith.constant 0 : i32
    %dma_start3A_59 = arith.constant 0 : i32
    %dma_start3A_60 = tpu.memref_slice %arg6[%dma_start3A_58, %dma_start3A_59] : memref<160x128xi32, #tpu.memory_space<vmem>> -> memref<1x128xi32, #tpu.memory_space<vmem>>
    %dma_start3A_61 = tpu.memref_squeeze %dma_start3A_60 : memref<1x128xi32, #tpu.memory_space<vmem>> -> memref<128xi32, #tpu.memory_space<vmem>>
    %dma_start3A_62 = arith.constant 0 : i32
    %dma_start3A_63 = arith.constant 0 : i32
    %dma_start3A_64 = tpu.memref_slice %arg2[%arg0, %dma_start3A_62, %dma_start3A_63] : memref<2x10240x64xf32, #tpu.memory_space<hbm>> -> memref<1x10240x64xf32, #tpu.memory_space<hbm>>
    %dma_start3A_65 = tpu.memref_squeeze %dma_start3A_64 : memref<1x10240x64xf32, #tpu.memory_space<hbm>> -> memref<10240x64xf32, #tpu.memory_space<hbm>>
    %dma_start3A_66 = arith.constant 0 : i32
    %dma_start3A_67 = arith.constant 0 : i32
    %dma_start3A_68 = tpu.memref_slice %dma_start3A_65[%dma_start3A_66, %dma_start3A_67] : memref<10240x64xf32, #tpu.memory_space<hbm>> -> memref<10240x64xf32, #tpu.memory_space<hbm>>
    tpu.enqueue_indirect_dma source(%dma_start3A_68 : memref<10240x64xf32, #tpu.memory_space<hbm>>) target(%arg8 : memref<128x64xf32, #tpu.memory_space<vmem>>) offsets(%dma_start3A_61 : memref<128xi32, #tpu.memory_space<vmem>>) semaphore(%arg14 : memref<!tpu.dma_semaphore, #tpu.memory_space<semaphore_mem>>)
    %dma_start3A_69 = arith.constant 1 : i32
    %dma_start3A_70 = arith.constant 0 : i32
    %dma_start3A_71 = tpu.memref_slice %arg6[%dma_start3A_69, %dma_start3A_70] : memref<160x128xi32, #tpu.memory_space<vmem>> -> memref<1x128xi32, #tpu.memory_space<vmem>>
    %dma_start3A_72 = tpu.memref_squeeze %dma_start3A_71 : memref<1x128xi32, #tpu.memory_space<vmem>> -> memref<128xi32, #tpu.memory_space<vmem>>
    %dma_start3A_73 = arith.constant 0 : i32
    %dma_start3A_74 = arith.constant 0 : i32
    %dma_start3A_75 = tpu.memref_slice %arg2[%arg0, %dma_start3A_73, %dma_start3A_74] : memref<2x10240x64xf32, #tpu.memory_space<hbm>> -> memref<1x10240x64xf32, #tpu.memory_space<hbm>>
    %dma_start3A_76 = tpu.memref_squeeze %dma_start3A_75 : memref<1x10240x64xf32, #tpu.memory_space<hbm>> -> memref<10240x64xf32, #tpu.memory_space<hbm>>
    %dma_start3A_77 = arith.constant 0 : i32
    %dma_start3A_78 = arith.constant 0 : i32
    %dma_start3A_79 = tpu.memref_slice %dma_start3A_76[%dma_start3A_77, %dma_start3A_78] : memref<10240x64xf32, #tpu.memory_space<hbm>> -> memref<10240x64xf32, #tpu.memory_space<hbm>>
    tpu.enqueue_indirect_dma source(%dma_start3A_79 : memref<10240x64xf32, #tpu.memory_space<hbm>>) target(%arg9 : memref<128x64xf32, #tpu.memory_space<vmem>>) offsets(%dma_start3A_72 : memref<128xi32, #tpu.memory_space<vmem>>) semaphore(%arg15 : memref<!tpu.dma_semaphore, #tpu.memory_space<semaphore_mem>>)
    %scan3A_80 = arith.constant 0 : i32
    %scan3A_81 = arith.constant 40 : i32
    %scan3A_82 = arith.addi %scan3A_80, %scan3A_81 : i32
    %scan3A_83 = arith.constant 1 : i32
    scf.for %scan3A_133 = %scan3A_80 to %scan3A_82 step %scan3A_83  : i32 {
      %mul3A_134 = arith.constant 4 : i32
      %mul3A_135 = arith.muli %scan3A_133, %mul3A_134 : i32
      %add3A_136 = arith.constant 0 : i32
      %add3A_137 = arith.addi %add3A_136, %mul3A_135 : i32
      %add3A_138 = arith.constant 0 : i32
      %add3A_139 = arith.addi %add3A_137, %add3A_138 : i32
      %dma_wait3A_140 = arith.constant 0 : i32
      %dma_wait3A_141 = tpu.memref_slice %arg6[%add3A_139, %dma_wait3A_140] : memref<160x128xi32, #tpu.memory_space<vmem>> -> memref<1x128xi32, #tpu.memory_space<vmem>>
      %dma_wait3A_142 = tpu.memref_squeeze %dma_wait3A_141 : memref<1x128xi32, #tpu.memory_space<vmem>> -> memref<128xi32, #tpu.memory_space<vmem>>
      %dma_wait3A_143 = arith.constant 0 : i32
      %dma_wait3A_144 = arith.constant 0 : i32
      %dma_wait3A_145 = tpu.memref_slice %arg2[%arg0, %dma_wait3A_143, %dma_wait3A_144] : memref<2x10240x64xf32, #tpu.memory_space<hbm>> -> memref<1x10240x64xf32, #tpu.memory_space<hbm>>
      %dma_wait3A_146 = tpu.memref_squeeze %dma_wait3A_145 : memref<1x10240x64xf32, #tpu.memory_space<hbm>> -> memref<10240x64xf32, #tpu.memory_space<hbm>>
      %dma_wait3A_147 = arith.constant 0 : i32
      %dma_wait3A_148 = arith.constant 0 : i32
      %dma_wait3A_149 = tpu.memref_slice %dma_wait3A_146[%dma_wait3A_147, %dma_wait3A_148] : memref<10240x64xf32, #tpu.memory_space<hbm>> -> memref<10240x64xf32, #tpu.memory_space<hbm>>
      tpu.wait_indirect_dma semaphore(%arg14 : memref<!tpu.dma_semaphore, #tpu.memory_space<semaphore_mem>>) src(%dma_wait3A_149 : memref<10240x64xf32, #tpu.memory_space<hbm>>) dst(%arg8 : memref<128x64xf32, #tpu.memory_space<vmem>>)
      %dma_start3A_150 = arith.constant 0 : i32
      %dma_start3A_151 = tpu.memref_slice %arg7[%add3A_139, %dma_start3A_150] : memref<160x128xi32, #tpu.memory_space<vmem>> -> memref<1x128xi32, #tpu.memory_space<vmem>>
      %dma_start3A_152 = tpu.memref_squeeze %dma_start3A_151 : memref<1x128xi32, #tpu.memory_space<vmem>> -> memref<128xi32, #tpu.memory_space<vmem>>
      %dma_start3A_153 = arith.constant 0 : i32
      %dma_start3A_154 = arith.constant 0 : i32
      %dma_start3A_155 = tpu.memref_slice %arg13[%dma_start3A_153, %dma_start3A_154] : memref<10240x64xf32, #tpu.memory_space<vmem_shared>> -> memref<10240x64xf32, #tpu.memory_space<vmem_shared>>
      tpu.enqueue_indirect_dma source(%arg8 : memref<128x64xf32, #tpu.memory_space<vmem>>) target(%dma_start3A_155 : memref<10240x64xf32, #tpu.memory_space<vmem_shared>>) offsets(%dma_start3A_152 : memref<128xi32, #tpu.memory_space<vmem>>) semaphore(%arg18 : memref<!tpu.dma_semaphore, #tpu.memory_space<semaphore_mem>>) {add = true}
      %convert_element_type3A_156 = arith.extui %eq3A_0 : i1 to i32
      %cond3A_157 = arith.constant 0 : i32
      %cond3A_158 = arith.cmpi ne, %convert_element_type3A_156, %cond3A_157 : i32
      scf.if %cond3A_158 {
        %dma_start3A_249 = arith.constant 0 : i32
        %dma_start3A_250 = tpu.memref_slice %arg7[%add3A_139, %dma_start3A_249] : memref<160x128xi32, #tpu.memory_space<vmem>> -> memref<1x128xi32, #tpu.memory_space<vmem>>
        %dma_start3A_251 = tpu.memref_squeeze %dma_start3A_250 : memref<1x128xi32, #tpu.memory_space<vmem>> -> memref<128xi32, #tpu.memory_space<vmem>>
        %dma_start3A_252 = arith.constant 0 : i32
        %dma_start3A_253 = arith.constant 0 : i32
        %dma_start3A_254 = tpu.memref_slice %arg23[%dma_start3A_252, %dma_start3A_253] : memref<10240x16xf32, #tpu.memory_space<vmem_shared>> -> memref<10240x16xf32, #tpu.memory_space<vmem_shared>>
        tpu.enqueue_indirect_dma source(%arg22 : memref<128x16xf32, #tpu.memory_space<vmem>>) target(%dma_start3A_254 : memref<10240x16xf32, #tpu.memory_space<vmem_shared>>) offsets(%dma_start3A_251 : memref<128xi32, #tpu.memory_space<vmem>>) semaphore(%arg24 : memref<!tpu.dma_semaphore, #tpu.memory_space<semaphore_mem>>) {add = true}
      } else {
      }
      %add3A_159 = arith.constant 2 : i32
      %add3A_160 = arith.addi %add3A_139, %add3A_159 : i32
      %lt3A = arith.constant 160 : i32
      %lt3A_161 = arith.cmpi slt, %add3A_160, %lt3A : i32
      %convert_element_type3A_162 = arith.extui %lt3A_161 : i1 to i32
      %cond3A_163 = arith.constant 0 : i32
      %cond3A_164 = arith.cmpi ne, %convert_element_type3A_162, %cond3A_163 : i32
      scf.if %cond3A_164 {
        %sub3A = arith.constant 4 : i32
        %sub3A_249 = arith.subi %add3A_160, %sub3A : i32
        %ge3A = arith.constant 0 : i32
        %ge3A_250 = arith.cmpi sge, %sub3A_249, %ge3A : i32
        %convert_element_type3A_251 = arith.extui %ge3A_250 : i1 to i32
        %cond3A_252 = arith.constant 0 : i32
        %cond3A_253 = arith.cmpi ne, %convert_element_type3A_251, %cond3A_252 : i32
        scf.if %cond3A_253 {
          %dma_wait3A_264 = arith.constant 0 : i32
          %dma_wait3A_265 = arith.constant 0 : i32
          %dma_wait3A_266 = tpu.memref_slice %arg7[%dma_wait3A_264, %dma_wait3A_265] : memref<160x128xi32, #tpu.memory_space<vmem>> -> memref<1x128xi32, #tpu.memory_space<vmem>>
          %dma_wait3A_267 = tpu.memref_squeeze %dma_wait3A_266 : memref<1x128xi32, #tpu.memory_space<vmem>> -> memref<128xi32, #tpu.memory_space<vmem>>
          %dma_wait3A_268 = arith.constant 0 : i32
          %dma_wait3A_269 = arith.constant 0 : i32
          %dma_wait3A_270 = tpu.memref_slice %arg13[%dma_wait3A_268, %dma_wait3A_269] : memref<10240x64xf32, #tpu.memory_space<vmem_shared>> -> memref<10240x64xf32, #tpu.memory_space<vmem_shared>>
          tpu.wait_indirect_dma semaphore(%arg20 : memref<!tpu.dma_semaphore, #tpu.memory_space<semaphore_mem>>) src(%arg10 : memref<128x64xf32, #tpu.memory_space<vmem>>) dst(%dma_wait3A_270 : memref<10240x64xf32, #tpu.memory_space<vmem_shared>>)
          %convert_element_type3A_271 = arith.extui %eq3A_0 : i1 to i32
          %cond3A_272 = arith.constant 0 : i32
          %cond3A_273 = arith.cmpi ne, %convert_element_type3A_271, %cond3A_272 : i32
          scf.if %cond3A_273 {
            %dma_wait3A_274 = arith.constant 0 : i32
            %dma_wait3A_275 = arith.constant 0 : i32
            %dma_wait3A_276 = tpu.memref_slice %arg7[%dma_wait3A_274, %dma_wait3A_275] : memref<160x128xi32, #tpu.memory_space<vmem>> -> memref<1x128xi32, #tpu.memory_space<vmem>>
            %dma_wait3A_277 = tpu.memref_squeeze %dma_wait3A_276 : memref<1x128xi32, #tpu.memory_space<vmem>> -> memref<128xi32, #tpu.memory_space<vmem>>
            %dma_wait3A_278 = arith.constant 0 : i32
            %dma_wait3A_279 = arith.constant 0 : i32
            %dma_wait3A_280 = tpu.memref_slice %arg23[%dma_wait3A_278, %dma_wait3A_279] : memref<10240x16xf32, #tpu.memory_space<vmem_shared>> -> memref<10240x16xf32, #tpu.memory_space<vmem_shared>>
            tpu.wait_indirect_dma semaphore(%arg26 : memref<!tpu.dma_semaphore, #tpu.memory_space<semaphore_mem>>) src(%arg22 : memref<128x16xf32, #tpu.memory_space<vmem>>) dst(%dma_wait3A_280 : memref<10240x16xf32, #tpu.memory_space<vmem_shared>>)
          } else {
          }
        } else {
        }
        %dma_start3A_254 = arith.constant 0 : i32
        %dma_start3A_255 = tpu.memref_slice %arg6[%add3A_160, %dma_start3A_254] : memref<160x128xi32, #tpu.memory_space<vmem>> -> memref<1x128xi32, #tpu.memory_space<vmem>>
        %dma_start3A_256 = tpu.memref_squeeze %dma_start3A_255 : memref<1x128xi32, #tpu.memory_space<vmem>> -> memref<128xi32, #tpu.memory_space<vmem>>
        %dma_start3A_257 = arith.constant 0 : i32
        %dma_start3A_258 = arith.constant 0 : i32
        %dma_start3A_259 = tpu.memref_slice %arg2[%arg0, %dma_start3A_257, %dma_start3A_258] : memref<2x10240x64xf32, #tpu.memory_space<hbm>> -> memref<1x10240x64xf32, #tpu.memory_space<hbm>>
        %dma_start3A_260 = tpu.memref_squeeze %dma_start3A_259 : memref<1x10240x64xf32, #tpu.memory_space<hbm>> -> memref<10240x64xf32, #tpu.memory_space<hbm>>
        %dma_start3A_261 = arith.constant 0 : i32
        %dma_start3A_262 = arith.constant 0 : i32
        %dma_start3A_263 = tpu.memref_slice %dma_start3A_260[%dma_start3A_261, %dma_start3A_262] : memref<10240x64xf32, #tpu.memory_space<hbm>> -> memref<10240x64xf32, #tpu.memory_space<hbm>>
        tpu.enqueue_indirect_dma source(%dma_start3A_263 : memref<10240x64xf32, #tpu.memory_space<hbm>>) target(%arg10 : memref<128x64xf32, #tpu.memory_space<vmem>>) offsets(%dma_start3A_256 : memref<128xi32, #tpu.memory_space<vmem>>) semaphore(%arg16 : memref<!tpu.dma_semaphore, #tpu.memory_space<semaphore_mem>>)
      } else {
      }
      %add3A_165 = arith.constant 1 : i32
      %add3A_166 = arith.addi %add3A_137, %add3A_165 : i32
      %dma_wait3A_167 = arith.constant 0 : i32
      %dma_wait3A_168 = tpu.memref_slice %arg6[%add3A_166, %dma_wait3A_167] : memref<160x128xi32, #tpu.memory_space<vmem>> -> memref<1x128xi32, #tpu.memory_space<vmem>>
      %dma_wait3A_169 = tpu.memref_squeeze %dma_wait3A_168 : memref<1x128xi32, #tpu.memory_space<vmem>> -> memref<128xi32, #tpu.memory_space<vmem>>
      %dma_wait3A_170 = arith.constant 0 : i32
      %dma_wait3A_171 = arith.constant 0 : i32
      %dma_wait3A_172 = tpu.memref_slice %arg2[%arg0, %dma_wait3A_170, %dma_wait3A_171] : memref<2x10240x64xf32, #tpu.memory_space<hbm>> -> memref<1x10240x64xf32, #tpu.memory_space<hbm>>
      %dma_wait3A_173 = tpu.memref_squeeze %dma_wait3A_172 : memref<1x10240x64xf32, #tpu.memory_space<hbm>> -> memref<10240x64xf32, #tpu.memory_space<hbm>>
      %dma_wait3A_174 = arith.constant 0 : i32
      %dma_wait3A_175 = arith.constant 0 : i32
      %dma_wait3A_176 = tpu.memref_slice %dma_wait3A_173[%dma_wait3A_174, %dma_wait3A_175] : memref<10240x64xf32, #tpu.memory_space<hbm>> -> memref<10240x64xf32, #tpu.memory_space<hbm>>
      tpu.wait_indirect_dma semaphore(%arg15 : memref<!tpu.dma_semaphore, #tpu.memory_space<semaphore_mem>>) src(%dma_wait3A_176 : memref<10240x64xf32, #tpu.memory_space<hbm>>) dst(%arg9 : memref<128x64xf32, #tpu.memory_space<vmem>>)
      %dma_start3A_177 = arith.constant 0 : i32
      %dma_start3A_178 = tpu.memref_slice %arg7[%add3A_166, %dma_start3A_177] : memref<160x128xi32, #tpu.memory_space<vmem>> -> memref<1x128xi32, #tpu.memory_space<vmem>>
      %dma_start3A_179 = tpu.memref_squeeze %dma_start3A_178 : memref<1x128xi32, #tpu.memory_space<vmem>> -> memref<128xi32, #tpu.memory_space<vmem>>
      %dma_start3A_180 = arith.constant 0 : i32
      %dma_start3A_181 = arith.constant 0 : i32
      %dma_start3A_182 = tpu.memref_slice %arg13[%dma_start3A_180, %dma_start3A_181] : memref<10240x64xf32, #tpu.memory_space<vmem_shared>> -> memref<10240x64xf32, #tpu.memory_space<vmem_shared>>
      tpu.enqueue_indirect_dma source(%arg9 : memref<128x64xf32, #tpu.memory_space<vmem>>) target(%dma_start3A_182 : memref<10240x64xf32, #tpu.memory_space<vmem_shared>>) offsets(%dma_start3A_179 : memref<128xi32, #tpu.memory_space<vmem>>) semaphore(%arg19 : memref<!tpu.dma_semaphore, #tpu.memory_space<semaphore_mem>>) {add = true}
      %convert_element_type3A_183 = arith.extui %eq3A_0 : i1 to i32
      %cond3A_184 = arith.constant 0 : i32
      %cond3A_185 = arith.cmpi ne, %convert_element_type3A_183, %cond3A_184 : i32
      scf.if %cond3A_185 {
        %dma_start3A_249 = arith.constant 0 : i32
        %dma_start3A_250 = tpu.memref_slice %arg7[%add3A_166, %dma_start3A_249] : memref<160x128xi32, #tpu.memory_space<vmem>> -> memref<1x128xi32, #tpu.memory_space<vmem>>
        %dma_start3A_251 = tpu.memref_squeeze %dma_start3A_250 : memref<1x128xi32, #tpu.memory_space<vmem>> -> memref<128xi32, #tpu.memory_space<vmem>>
        %dma_start3A_252 = arith.constant 0 : i32
        %dma_start3A_253 = arith.constant 0 : i32
        %dma_start3A_254 = tpu.memref_slice %arg23[%dma_start3A_252, %dma_start3A_253] : memref<10240x16xf32, #tpu.memory_space<vmem_shared>> -> memref<10240x16xf32, #tpu.memory_space<vmem_shared>>
        tpu.enqueue_indirect_dma source(%arg22 : memref<128x16xf32, #tpu.memory_space<vmem>>) target(%dma_start3A_254 : memref<10240x16xf32, #tpu.memory_space<vmem_shared>>) offsets(%dma_start3A_251 : memref<128xi32, #tpu.memory_space<vmem>>) semaphore(%arg25 : memref<!tpu.dma_semaphore, #tpu.memory_space<semaphore_mem>>) {add = true}
      } else {
      }
      %add3A_186 = arith.constant 2 : i32
      %add3A_187 = arith.addi %add3A_166, %add3A_186 : i32
      %lt3A_188 = arith.constant 160 : i32
      %lt3A_189 = arith.cmpi slt, %add3A_187, %lt3A_188 : i32
      %convert_element_type3A_190 = arith.extui %lt3A_189 : i1 to i32
      %cond3A_191 = arith.constant 0 : i32
      %cond3A_192 = arith.cmpi ne, %convert_element_type3A_190, %cond3A_191 : i32
      scf.if %cond3A_192 {
        %sub3A = arith.constant 4 : i32
        %sub3A_249 = arith.subi %add3A_187, %sub3A : i32
        %ge3A = arith.constant 0 : i32
        %ge3A_250 = arith.cmpi sge, %sub3A_249, %ge3A : i32
        %convert_element_type3A_251 = arith.extui %ge3A_250 : i1 to i32
        %cond3A_252 = arith.constant 0 : i32
        %cond3A_253 = arith.cmpi ne, %convert_element_type3A_251, %cond3A_252 : i32
        scf.if %cond3A_253 {
          %dma_wait3A_264 = arith.constant 0 : i32
          %dma_wait3A_265 = arith.constant 0 : i32
          %dma_wait3A_266 = tpu.memref_slice %arg7[%dma_wait3A_264, %dma_wait3A_265] : memref<160x128xi32, #tpu.memory_space<vmem>> -> memref<1x128xi32, #tpu.memory_space<vmem>>
          %dma_wait3A_267 = tpu.memref_squeeze %dma_wait3A_266 : memref<1x128xi32, #tpu.memory_space<vmem>> -> memref<128xi32, #tpu.memory_space<vmem>>
          %dma_wait3A_268 = arith.constant 0 : i32
          %dma_wait3A_269 = arith.constant 0 : i32
          %dma_wait3A_270 = tpu.memref_slice %arg13[%dma_wait3A_268, %dma_wait3A_269] : memref<10240x64xf32, #tpu.memory_space<vmem_shared>> -> memref<10240x64xf32, #tpu.memory_space<vmem_shared>>
          tpu.wait_indirect_dma semaphore(%arg21 : memref<!tpu.dma_semaphore, #tpu.memory_space<semaphore_mem>>) src(%arg11 : memref<128x64xf32, #tpu.memory_space<vmem>>) dst(%dma_wait3A_270 : memref<10240x64xf32, #tpu.memory_space<vmem_shared>>)
          %convert_element_type3A_271 = arith.extui %eq3A_0 : i1 to i32
          %cond3A_272 = arith.constant 0 : i32
          %cond3A_273 = arith.cmpi ne, %convert_element_type3A_271, %cond3A_272 : i32
          scf.if %cond3A_273 {
            %dma_wait3A_274 = arith.constant 0 : i32
            %dma_wait3A_275 = arith.constant 0 : i32
            %dma_wait3A_276 = tpu.memref_slice %arg7[%dma_wait3A_274, %dma_wait3A_275] : memref<160x128xi32, #tpu.memory_space<vmem>> -> memref<1x128xi32, #tpu.memory_space<vmem>>
            %dma_wait3A_277 = tpu.memref_squeeze %dma_wait3A_276 : memref<1x128xi32, #tpu.memory_space<vmem>> -> memref<128xi32, #tpu.memory_space<vmem>>
            %dma_wait3A_278 = arith.constant 0 : i32
            %dma_wait3A_279 = arith.constant 0 : i32
            %dma_wait3A_280 = tpu.memref_slice %arg23[%dma_wait3A_278, %dma_wait3A_279] : memref<10240x16xf32, #tpu.memory_space<vmem_shared>> -> memref<10240x16xf32, #tpu.memory_space<vmem_shared>>
            tpu.wait_indirect_dma semaphore(%arg27 : memref<!tpu.dma_semaphore, #tpu.memory_space<semaphore_mem>>) src(%arg22 : memref<128x16xf32, #tpu.memory_space<vmem>>) dst(%dma_wait3A_280 : memref<10240x16xf32, #tpu.memory_space<vmem_shared>>)
          } else {
          }
        } else {
        }
        %dma_start3A_254 = arith.constant 0 : i32
        %dma_start3A_255 = tpu.memref_slice %arg6[%add3A_187, %dma_start3A_254] : memref<160x128xi32, #tpu.memory_space<vmem>> -> memref<1x128xi32, #tpu.memory_space<vmem>>
        %dma_start3A_256 = tpu.memref_squeeze %dma_start3A_255 : memref<1x128xi32, #tpu.memory_space<vmem>> -> memref<128xi32, #tpu.memory_space<vmem>>
        %dma_start3A_257 = arith.constant 0 : i32
        %dma_start3A_258 = arith.constant 0 : i32
        %dma_start3A_259 = tpu.memref_slice %arg2[%arg0, %dma_start3A_257, %dma_start3A_258] : memref<2x10240x64xf32, #tpu.memory_space<hbm>> -> memref<1x10240x64xf32, #tpu.memory_space<hbm>>
        %dma_start3A_260 = tpu.memref_squeeze %dma_start3A_259 : memref<1x10240x64xf32, #tpu.memory_space<hbm>> -> memref<10240x64xf32, #tpu.memory_space<hbm>>
        %dma_start3A_261 = arith.constant 0 : i32
        %dma_start3A_262 = arith.constant 0 : i32
        %dma_start3A_263 = tpu.memref_slice %dma_start3A_260[%dma_start3A_261, %dma_start3A_262] : memref<10240x64xf32, #tpu.memory_space<hbm>> -> memref<10240x64xf32, #tpu.memory_space<hbm>>
        tpu.enqueue_indirect_dma source(%dma_start3A_263 : memref<10240x64xf32, #tpu.memory_space<hbm>>) target(%arg11 : memref<128x64xf32, #tpu.memory_space<vmem>>) offsets(%dma_start3A_256 : memref<128xi32, #tpu.memory_space<vmem>>) semaphore(%arg17 : memref<!tpu.dma_semaphore, #tpu.memory_space<semaphore_mem>>)
      } else {
      }
      %add3A_193 = arith.constant 2 : i32
      %add3A_194 = arith.addi %add3A_137, %add3A_193 : i32
      %dma_wait3A_195 = arith.constant 0 : i32
      %dma_wait3A_196 = tpu.memref_slice %arg6[%add3A_194, %dma_wait3A_195] : memref<160x128xi32, #tpu.memory_space<vmem>> -> memref<1x128xi32, #tpu.memory_space<vmem>>
      %dma_wait3A_197 = tpu.memref_squeeze %dma_wait3A_196 : memref<1x128xi32, #tpu.memory_space<vmem>> -> memref<128xi32, #tpu.memory_space<vmem>>
      %dma_wait3A_198 = arith.constant 0 : i32
      %dma_wait3A_199 = arith.constant 0 : i32
      %dma_wait3A_200 = tpu.memref_slice %arg2[%arg0, %dma_wait3A_198, %dma_wait3A_199] : memref<2x10240x64xf32, #tpu.memory_space<hbm>> -> memref<1x10240x64xf32, #tpu.memory_space<hbm>>
      %dma_wait3A_201 = tpu.memref_squeeze %dma_wait3A_200 : memref<1x10240x64xf32, #tpu.memory_space<hbm>> -> memref<10240x64xf32, #tpu.memory_space<hbm>>
      %dma_wait3A_202 = arith.constant 0 : i32
      %dma_wait3A_203 = arith.constant 0 : i32
      %dma_wait3A_204 = tpu.memref_slice %dma_wait3A_201[%dma_wait3A_202, %dma_wait3A_203] : memref<10240x64xf32, #tpu.memory_space<hbm>> -> memref<10240x64xf32, #tpu.memory_space<hbm>>
      tpu.wait_indirect_dma semaphore(%arg16 : memref<!tpu.dma_semaphore, #tpu.memory_space<semaphore_mem>>) src(%dma_wait3A_204 : memref<10240x64xf32, #tpu.memory_space<hbm>>) dst(%arg10 : memref<128x64xf32, #tpu.memory_space<vmem>>)
      %dma_start3A_205 = arith.constant 0 : i32
      %dma_start3A_206 = tpu.memref_slice %arg7[%add3A_194, %dma_start3A_205] : memref<160x128xi32, #tpu.memory_space<vmem>> -> memref<1x128xi32, #tpu.memory_space<vmem>>
      %dma_start3A_207 = tpu.memref_squeeze %dma_start3A_206 : memref<1x128xi32, #tpu.memory_space<vmem>> -> memref<128xi32, #tpu.memory_space<vmem>>
      %dma_start3A_208 = arith.constant 0 : i32
      %dma_start3A_209 = arith.constant 0 : i32
      %dma_start3A_210 = tpu.memref_slice %arg13[%dma_start3A_208, %dma_start3A_209] : memref<10240x64xf32, #tpu.memory_space<vmem_shared>> -> memref<10240x64xf32, #tpu.memory_space<vmem_shared>>
      tpu.enqueue_indirect_dma source(%arg10 : memref<128x64xf32, #tpu.memory_space<vmem>>) target(%dma_start3A_210 : memref<10240x64xf32, #tpu.memory_space<vmem_shared>>) offsets(%dma_start3A_207 : memref<128xi32, #tpu.memory_space<vmem>>) semaphore(%arg20 : memref<!tpu.dma_semaphore, #tpu.memory_space<semaphore_mem>>) {add = true}
      %convert_element_type3A_211 = arith.extui %eq3A_0 : i1 to i32
      %cond3A_212 = arith.constant 0 : i32
      %cond3A_213 = arith.cmpi ne, %convert_element_type3A_211, %cond3A_212 : i32
      scf.if %cond3A_213 {
        %dma_start3A_249 = arith.constant 0 : i32
        %dma_start3A_250 = tpu.memref_slice %arg7[%add3A_194, %dma_start3A_249] : memref<160x128xi32, #tpu.memory_space<vmem>> -> memref<1x128xi32, #tpu.memory_space<vmem>>
        %dma_start3A_251 = tpu.memref_squeeze %dma_start3A_250 : memref<1x128xi32, #tpu.memory_space<vmem>> -> memref<128xi32, #tpu.memory_space<vmem>>
        %dma_start3A_252 = arith.constant 0 : i32
        %dma_start3A_253 = arith.constant 0 : i32
        %dma_start3A_254 = tpu.memref_slice %arg23[%dma_start3A_252, %dma_start3A_253] : memref<10240x16xf32, #tpu.memory_space<vmem_shared>> -> memref<10240x16xf32, #tpu.memory_space<vmem_shared>>
        tpu.enqueue_indirect_dma source(%arg22 : memref<128x16xf32, #tpu.memory_space<vmem>>) target(%dma_start3A_254 : memref<10240x16xf32, #tpu.memory_space<vmem_shared>>) offsets(%dma_start3A_251 : memref<128xi32, #tpu.memory_space<vmem>>) semaphore(%arg26 : memref<!tpu.dma_semaphore, #tpu.memory_space<semaphore_mem>>) {add = true}
      } else {
      }
      %add3A_214 = arith.constant 2 : i32
      %add3A_215 = arith.addi %add3A_194, %add3A_214 : i32
      %lt3A_216 = arith.constant 160 : i32
      %lt3A_217 = arith.cmpi slt, %add3A_215, %lt3A_216 : i32
      %convert_element_type3A_218 = arith.extui %lt3A_217 : i1 to i32
      %cond3A_219 = arith.constant 0 : i32
      %cond3A_220 = arith.cmpi ne, %convert_element_type3A_218, %cond3A_219 : i32
      scf.if %cond3A_220 {
        %sub3A = arith.constant 4 : i32
        %sub3A_249 = arith.subi %add3A_215, %sub3A : i32
        %ge3A = arith.constant 0 : i32
        %ge3A_250 = arith.cmpi sge, %sub3A_249, %ge3A : i32
        %convert_element_type3A_251 = arith.extui %ge3A_250 : i1 to i32
        %cond3A_252 = arith.constant 0 : i32
        %cond3A_253 = arith.cmpi ne, %convert_element_type3A_251, %cond3A_252 : i32
        scf.if %cond3A_253 {
          %dma_wait3A_264 = arith.constant 0 : i32
          %dma_wait3A_265 = arith.constant 0 : i32
          %dma_wait3A_266 = tpu.memref_slice %arg7[%dma_wait3A_264, %dma_wait3A_265] : memref<160x128xi32, #tpu.memory_space<vmem>> -> memref<1x128xi32, #tpu.memory_space<vmem>>
          %dma_wait3A_267 = tpu.memref_squeeze %dma_wait3A_266 : memref<1x128xi32, #tpu.memory_space<vmem>> -> memref<128xi32, #tpu.memory_space<vmem>>
          %dma_wait3A_268 = arith.constant 0 : i32
          %dma_wait3A_269 = arith.constant 0 : i32
          %dma_wait3A_270 = tpu.memref_slice %arg13[%dma_wait3A_268, %dma_wait3A_269] : memref<10240x64xf32, #tpu.memory_space<vmem_shared>> -> memref<10240x64xf32, #tpu.memory_space<vmem_shared>>
          tpu.wait_indirect_dma semaphore(%arg18 : memref<!tpu.dma_semaphore, #tpu.memory_space<semaphore_mem>>) src(%arg8 : memref<128x64xf32, #tpu.memory_space<vmem>>) dst(%dma_wait3A_270 : memref<10240x64xf32, #tpu.memory_space<vmem_shared>>)
          %convert_element_type3A_271 = arith.extui %eq3A_0 : i1 to i32
          %cond3A_272 = arith.constant 0 : i32
          %cond3A_273 = arith.cmpi ne, %convert_element_type3A_271, %cond3A_272 : i32
          scf.if %cond3A_273 {
            %dma_wait3A_274 = arith.constant 0 : i32
            %dma_wait3A_275 = arith.constant 0 : i32
            %dma_wait3A_276 = tpu.memref_slice %arg7[%dma_wait3A_274, %dma_wait3A_275] : memref<160x128xi32, #tpu.memory_space<vmem>> -> memref<1x128xi32, #tpu.memory_space<vmem>>
            %dma_wait3A_277 = tpu.memref_squeeze %dma_wait3A_276 : memref<1x128xi32, #tpu.memory_space<vmem>> -> memref<128xi32, #tpu.memory_space<vmem>>
            %dma_wait3A_278 = arith.constant 0 : i32
            %dma_wait3A_279 = arith.constant 0 : i32
            %dma_wait3A_280 = tpu.memref_slice %arg23[%dma_wait3A_278, %dma_wait3A_279] : memref<10240x16xf32, #tpu.memory_space<vmem_shared>> -> memref<10240x16xf32, #tpu.memory_space<vmem_shared>>
            tpu.wait_indirect_dma semaphore(%arg24 : memref<!tpu.dma_semaphore, #tpu.memory_space<semaphore_mem>>) src(%arg22 : memref<128x16xf32, #tpu.memory_space<vmem>>) dst(%dma_wait3A_280 : memref<10240x16xf32, #tpu.memory_space<vmem_shared>>)
          } else {
          }
        } else {
        }
        %dma_start3A_254 = arith.constant 0 : i32
        %dma_start3A_255 = tpu.memref_slice %arg6[%add3A_215, %dma_start3A_254] : memref<160x128xi32, #tpu.memory_space<vmem>> -> memref<1x128xi32, #tpu.memory_space<vmem>>
        %dma_start3A_256 = tpu.memref_squeeze %dma_start3A_255 : memref<1x128xi32, #tpu.memory_space<vmem>> -> memref<128xi32, #tpu.memory_space<vmem>>
        %dma_start3A_257 = arith.constant 0 : i32
        %dma_start3A_258 = arith.constant 0 : i32
        %dma_start3A_259 = tpu.memref_slice %arg2[%arg0, %dma_start3A_257, %dma_start3A_258] : memref<2x10240x64xf32, #tpu.memory_space<hbm>> -> memref<1x10240x64xf32, #tpu.memory_space<hbm>>
        %dma_start3A_260 = tpu.memref_squeeze %dma_start3A_259 : memref<1x10240x64xf32, #tpu.memory_space<hbm>> -> memref<10240x64xf32, #tpu.memory_space<hbm>>
        %dma_start3A_261 = arith.constant 0 : i32
        %dma_start3A_262 = arith.constant 0 : i32
        %dma_start3A_263 = tpu.memref_slice %dma_start3A_260[%dma_start3A_261, %dma_start3A_262] : memref<10240x64xf32, #tpu.memory_space<hbm>> -> memref<10240x64xf32, #tpu.memory_space<hbm>>
        tpu.enqueue_indirect_dma source(%dma_start3A_263 : memref<10240x64xf32, #tpu.memory_space<hbm>>) target(%arg8 : memref<128x64xf32, #tpu.memory_space<vmem>>) offsets(%dma_start3A_256 : memref<128xi32, #tpu.memory_space<vmem>>) semaphore(%arg14 : memref<!tpu.dma_semaphore, #tpu.memory_space<semaphore_mem>>)
      } else {
      }
      %add3A_221 = arith.constant 3 : i32
      %add3A_222 = arith.addi %add3A_137, %add3A_221 : i32
      %dma_wait3A_223 = arith.constant 0 : i32
      %dma_wait3A_224 = tpu.memref_slice %arg6[%add3A_222, %dma_wait3A_223] : memref<160x128xi32, #tpu.memory_space<vmem>> -> memref<1x128xi32, #tpu.memory_space<vmem>>
      %dma_wait3A_225 = tpu.memref_squeeze %dma_wait3A_224 : memref<1x128xi32, #tpu.memory_space<vmem>> -> memref<128xi32, #tpu.memory_space<vmem>>
      %dma_wait3A_226 = arith.constant 0 : i32
      %dma_wait3A_227 = arith.constant 0 : i32
      %dma_wait3A_228 = tpu.memref_slice %arg2[%arg0, %dma_wait3A_226, %dma_wait3A_227] : memref<2x10240x64xf32, #tpu.memory_space<hbm>> -> memref<1x10240x64xf32, #tpu.memory_space<hbm>>
      %dma_wait3A_229 = tpu.memref_squeeze %dma_wait3A_228 : memref<1x10240x64xf32, #tpu.memory_space<hbm>> -> memref<10240x64xf32, #tpu.memory_space<hbm>>
      %dma_wait3A_230 = arith.constant 0 : i32
      %dma_wait3A_231 = arith.constant 0 : i32
      %dma_wait3A_232 = tpu.memref_slice %dma_wait3A_229[%dma_wait3A_230, %dma_wait3A_231] : memref<10240x64xf32, #tpu.memory_space<hbm>> -> memref<10240x64xf32, #tpu.memory_space<hbm>>
      tpu.wait_indirect_dma semaphore(%arg17 : memref<!tpu.dma_semaphore, #tpu.memory_space<semaphore_mem>>) src(%dma_wait3A_232 : memref<10240x64xf32, #tpu.memory_space<hbm>>) dst(%arg11 : memref<128x64xf32, #tpu.memory_space<vmem>>)
      %dma_start3A_233 = arith.constant 0 : i32
      %dma_start3A_234 = tpu.memref_slice %arg7[%add3A_222, %dma_start3A_233] : memref<160x128xi32, #tpu.memory_space<vmem>> -> memref<1x128xi32, #tpu.memory_space<vmem>>
      %dma_start3A_235 = tpu.memref_squeeze %dma_start3A_234 : memref<1x128xi32, #tpu.memory_space<vmem>> -> memref<128xi32, #tpu.memory_space<vmem>>
      %dma_start3A_236 = arith.constant 0 : i32
      %dma_start3A_237 = arith.constant 0 : i32
      %dma_start3A_238 = tpu.memref_slice %arg13[%dma_start3A_236, %dma_start3A_237] : memref<10240x64xf32, #tpu.memory_space<vmem_shared>> -> memref<10240x64xf32, #tpu.memory_space<vmem_shared>>
      tpu.enqueue_indirect_dma source(%arg11 : memref<128x64xf32, #tpu.memory_space<vmem>>) target(%dma_start3A_238 : memref<10240x64xf32, #tpu.memory_space<vmem_shared>>) offsets(%dma_start3A_235 : memref<128xi32, #tpu.memory_space<vmem>>) semaphore(%arg21 : memref<!tpu.dma_semaphore, #tpu.memory_space<semaphore_mem>>) {add = true}
      %convert_element_type3A_239 = arith.extui %eq3A_0 : i1 to i32
      %cond3A_240 = arith.constant 0 : i32
      %cond3A_241 = arith.cmpi ne, %convert_element_type3A_239, %cond3A_240 : i32
      scf.if %cond3A_241 {
        %dma_start3A_249 = arith.constant 0 : i32
        %dma_start3A_250 = tpu.memref_slice %arg7[%add3A_222, %dma_start3A_249] : memref<160x128xi32, #tpu.memory_space<vmem>> -> memref<1x128xi32, #tpu.memory_space<vmem>>
        %dma_start3A_251 = tpu.memref_squeeze %dma_start3A_250 : memref<1x128xi32, #tpu.memory_space<vmem>> -> memref<128xi32, #tpu.memory_space<vmem>>
        %dma_start3A_252 = arith.constant 0 : i32
        %dma_start3A_253 = arith.constant 0 : i32
        %dma_start3A_254 = tpu.memref_slice %arg23[%dma_start3A_252, %dma_start3A_253] : memref<10240x16xf32, #tpu.memory_space<vmem_shared>> -> memref<10240x16xf32, #tpu.memory_space<vmem_shared>>
        tpu.enqueue_indirect_dma source(%arg22 : memref<128x16xf32, #tpu.memory_space<vmem>>) target(%dma_start3A_254 : memref<10240x16xf32, #tpu.memory_space<vmem_shared>>) offsets(%dma_start3A_251 : memref<128xi32, #tpu.memory_space<vmem>>) semaphore(%arg27 : memref<!tpu.dma_semaphore, #tpu.memory_space<semaphore_mem>>) {add = true}
      } else {
      }
      %add3A_242 = arith.constant 2 : i32
      %add3A_243 = arith.addi %add3A_222, %add3A_242 : i32
      %lt3A_244 = arith.constant 160 : i32
      %lt3A_245 = arith.cmpi slt, %add3A_243, %lt3A_244 : i32
      %convert_element_type3A_246 = arith.extui %lt3A_245 : i1 to i32
      %cond3A_247 = arith.constant 0 : i32
      %cond3A_248 = arith.cmpi ne, %convert_element_type3A_246, %cond3A_247 : i32
      scf.if %cond3A_248 {
        %sub3A = arith.constant 4 : i32
        %sub3A_249 = arith.subi %add3A_243, %sub3A : i32
        %ge3A = arith.constant 0 : i32
        %ge3A_250 = arith.cmpi sge, %sub3A_249, %ge3A : i32
        %convert_element_type3A_251 = arith.extui %ge3A_250 : i1 to i32
        %cond3A_252 = arith.constant 0 : i32
        %cond3A_253 = arith.cmpi ne, %convert_element_type3A_251, %cond3A_252 : i32
        scf.if %cond3A_253 {
          %dma_wait3A_264 = arith.constant 0 : i32
          %dma_wait3A_265 = arith.constant 0 : i32
          %dma_wait3A_266 = tpu.memref_slice %arg7[%dma_wait3A_264, %dma_wait3A_265] : memref<160x128xi32, #tpu.memory_space<vmem>> -> memref<1x128xi32, #tpu.memory_space<vmem>>
          %dma_wait3A_267 = tpu.memref_squeeze %dma_wait3A_266 : memref<1x128xi32, #tpu.memory_space<vmem>> -> memref<128xi32, #tpu.memory_space<vmem>>
          %dma_wait3A_268 = arith.constant 0 : i32
          %dma_wait3A_269 = arith.constant 0 : i32
          %dma_wait3A_270 = tpu.memref_slice %arg13[%dma_wait3A_268, %dma_wait3A_269] : memref<10240x64xf32, #tpu.memory_space<vmem_shared>> -> memref<10240x64xf32, #tpu.memory_space<vmem_shared>>
          tpu.wait_indirect_dma semaphore(%arg19 : memref<!tpu.dma_semaphore, #tpu.memory_space<semaphore_mem>>) src(%arg9 : memref<128x64xf32, #tpu.memory_space<vmem>>) dst(%dma_wait3A_270 : memref<10240x64xf32, #tpu.memory_space<vmem_shared>>)
          %convert_element_type3A_271 = arith.extui %eq3A_0 : i1 to i32
          %cond3A_272 = arith.constant 0 : i32
          %cond3A_273 = arith.cmpi ne, %convert_element_type3A_271, %cond3A_272 : i32
          scf.if %cond3A_273 {
            %dma_wait3A_274 = arith.constant 0 : i32
            %dma_wait3A_275 = arith.constant 0 : i32
            %dma_wait3A_276 = tpu.memref_slice %arg7[%dma_wait3A_274, %dma_wait3A_275] : memref<160x128xi32, #tpu.memory_space<vmem>> -> memref<1x128xi32, #tpu.memory_space<vmem>>
            %dma_wait3A_277 = tpu.memref_squeeze %dma_wait3A_276 : memref<1x128xi32, #tpu.memory_space<vmem>> -> memref<128xi32, #tpu.memory_space<vmem>>
            %dma_wait3A_278 = arith.constant 0 : i32
            %dma_wait3A_279 = arith.constant 0 : i32
            %dma_wait3A_280 = tpu.memref_slice %arg23[%dma_wait3A_278, %dma_wait3A_279] : memref<10240x16xf32, #tpu.memory_space<vmem_shared>> -> memref<10240x16xf32, #tpu.memory_space<vmem_shared>>
            tpu.wait_indirect_dma semaphore(%arg25 : memref<!tpu.dma_semaphore, #tpu.memory_space<semaphore_mem>>) src(%arg22 : memref<128x16xf32, #tpu.memory_space<vmem>>) dst(%dma_wait3A_280 : memref<10240x16xf32, #tpu.memory_space<vmem_shared>>)
          } else {
          }
        } else {
        }
        %dma_start3A_254 = arith.constant 0 : i32
        %dma_start3A_255 = tpu.memref_slice %arg6[%add3A_243, %dma_start3A_254] : memref<160x128xi32, #tpu.memory_space<vmem>> -> memref<1x128xi32, #tpu.memory_space<vmem>>
        %dma_start3A_256 = tpu.memref_squeeze %dma_start3A_255 : memref<1x128xi32, #tpu.memory_space<vmem>> -> memref<128xi32, #tpu.memory_space<vmem>>
        %dma_start3A_257 = arith.constant 0 : i32
        %dma_start3A_258 = arith.constant 0 : i32
        %dma_start3A_259 = tpu.memref_slice %arg2[%arg0, %dma_start3A_257, %dma_start3A_258] : memref<2x10240x64xf32, #tpu.memory_space<hbm>> -> memref<1x10240x64xf32, #tpu.memory_space<hbm>>
        %dma_start3A_260 = tpu.memref_squeeze %dma_start3A_259 : memref<1x10240x64xf32, #tpu.memory_space<hbm>> -> memref<10240x64xf32, #tpu.memory_space<hbm>>
        %dma_start3A_261 = arith.constant 0 : i32
        %dma_start3A_262 = arith.constant 0 : i32
        %dma_start3A_263 = tpu.memref_slice %dma_start3A_260[%dma_start3A_261, %dma_start3A_262] : memref<10240x64xf32, #tpu.memory_space<hbm>> -> memref<10240x64xf32, #tpu.memory_space<hbm>>
        tpu.enqueue_indirect_dma source(%dma_start3A_263 : memref<10240x64xf32, #tpu.memory_space<hbm>>) target(%arg9 : memref<128x64xf32, #tpu.memory_space<vmem>>) offsets(%dma_start3A_256 : memref<128xi32, #tpu.memory_space<vmem>>) semaphore(%arg15 : memref<!tpu.dma_semaphore, #tpu.memory_space<semaphore_mem>>)
      } else {
      }
    }
    %scan3A_84 = arith.constant 40 : i32
    %dma_wait3A_85 = arith.constant 0 : i32
    %dma_wait3A_86 = arith.constant 0 : i32
    %dma_wait3A_87 = tpu.memref_slice %arg7[%dma_wait3A_85, %dma_wait3A_86] : memref<160x128xi32, #tpu.memory_space<vmem>> -> memref<1x128xi32, #tpu.memory_space<vmem>>
    %dma_wait3A_88 = tpu.memref_squeeze %dma_wait3A_87 : memref<1x128xi32, #tpu.memory_space<vmem>> -> memref<128xi32, #tpu.memory_space<vmem>>
    %dma_wait3A_89 = arith.constant 0 : i32
    %dma_wait3A_90 = arith.constant 0 : i32
    %dma_wait3A_91 = tpu.memref_slice %arg13[%dma_wait3A_89, %dma_wait3A_90] : memref<10240x64xf32, #tpu.memory_space<vmem_shared>> -> memref<10240x64xf32, #tpu.memory_space<vmem_shared>>
    tpu.wait_indirect_dma semaphore(%arg18 : memref<!tpu.dma_semaphore, #tpu.memory_space<semaphore_mem>>) src(%arg8 : memref<128x64xf32, #tpu.memory_space<vmem>>) dst(%dma_wait3A_91 : memref<10240x64xf32, #tpu.memory_space<vmem_shared>>)
    %convert_element_type3A_92 = arith.extui %eq3A_0 : i1 to i32
    %cond3A_93 = arith.constant 0 : i32
    %cond3A_94 = arith.cmpi ne, %convert_element_type3A_92, %cond3A_93 : i32
    scf.if %cond3A_94 {
      %dma_wait3A_133 = arith.constant 0 : i32
      %dma_wait3A_134 = arith.constant 0 : i32
      %dma_wait3A_135 = tpu.memref_slice %arg7[%dma_wait3A_133, %dma_wait3A_134] : memref<160x128xi32, #tpu.memory_space<vmem>> -> memref<1x128xi32, #tpu.memory_space<vmem>>
      %dma_wait3A_136 = tpu.memref_squeeze %dma_wait3A_135 : memref<1x128xi32, #tpu.memory_space<vmem>> -> memref<128xi32, #tpu.memory_space<vmem>>
      %dma_wait3A_137 = arith.constant 0 : i32
      %dma_wait3A_138 = arith.constant 0 : i32
      %dma_wait3A_139 = tpu.memref_slice %arg23[%dma_wait3A_137, %dma_wait3A_138] : memref<10240x16xf32, #tpu.memory_space<vmem_shared>> -> memref<10240x16xf32, #tpu.memory_space<vmem_shared>>
      tpu.wait_indirect_dma semaphore(%arg24 : memref<!tpu.dma_semaphore, #tpu.memory_space<semaphore_mem>>) src(%arg22 : memref<128x16xf32, #tpu.memory_space<vmem>>) dst(%dma_wait3A_139 : memref<10240x16xf32, #tpu.memory_space<vmem_shared>>)
    } else {
    }
    %dma_wait3A_95 = arith.constant 0 : i32
    %dma_wait3A_96 = arith.constant 0 : i32
    %dma_wait3A_97 = tpu.memref_slice %arg7[%dma_wait3A_95, %dma_wait3A_96] : memref<160x128xi32, #tpu.memory_space<vmem>> -> memref<1x128xi32, #tpu.memory_space<vmem>>
    %dma_wait3A_98 = tpu.memref_squeeze %dma_wait3A_97 : memref<1x128xi32, #tpu.memory_space<vmem>> -> memref<128xi32, #tpu.memory_space<vmem>>
    %dma_wait3A_99 = arith.constant 0 : i32
    %dma_wait3A_100 = arith.constant 0 : i32
    %dma_wait3A_101 = tpu.memref_slice %arg13[%dma_wait3A_99, %dma_wait3A_100] : memref<10240x64xf32, #tpu.memory_space<vmem_shared>> -> memref<10240x64xf32, #tpu.memory_space<vmem_shared>>
    tpu.wait_indirect_dma semaphore(%arg19 : memref<!tpu.dma_semaphore, #tpu.memory_space<semaphore_mem>>) src(%arg9 : memref<128x64xf32, #tpu.memory_space<vmem>>) dst(%dma_wait3A_101 : memref<10240x64xf32, #tpu.memory_space<vmem_shared>>)
    %convert_element_type3A_102 = arith.extui %eq3A_0 : i1 to i32
    %cond3A_103 = arith.constant 0 : i32
    %cond3A_104 = arith.cmpi ne, %convert_element_type3A_102, %cond3A_103 : i32
    scf.if %cond3A_104 {
      %dma_wait3A_133 = arith.constant 0 : i32
      %dma_wait3A_134 = arith.constant 0 : i32
      %dma_wait3A_135 = tpu.memref_slice %arg7[%dma_wait3A_133, %dma_wait3A_134] : memref<160x128xi32, #tpu.memory_space<vmem>> -> memref<1x128xi32, #tpu.memory_space<vmem>>
      %dma_wait3A_136 = tpu.memref_squeeze %dma_wait3A_135 : memref<1x128xi32, #tpu.memory_space<vmem>> -> memref<128xi32, #tpu.memory_space<vmem>>
      %dma_wait3A_137 = arith.constant 0 : i32
      %dma_wait3A_138 = arith.constant 0 : i32
      %dma_wait3A_139 = tpu.memref_slice %arg23[%dma_wait3A_137, %dma_wait3A_138] : memref<10240x16xf32, #tpu.memory_space<vmem_shared>> -> memref<10240x16xf32, #tpu.memory_space<vmem_shared>>
      tpu.wait_indirect_dma semaphore(%arg25 : memref<!tpu.dma_semaphore, #tpu.memory_space<semaphore_mem>>) src(%arg22 : memref<128x16xf32, #tpu.memory_space<vmem>>) dst(%dma_wait3A_139 : memref<10240x16xf32, #tpu.memory_space<vmem_shared>>)
    } else {
    }
    %dma_wait3A_105 = arith.constant 0 : i32
    %dma_wait3A_106 = arith.constant 0 : i32
    %dma_wait3A_107 = tpu.memref_slice %arg7[%dma_wait3A_105, %dma_wait3A_106] : memref<160x128xi32, #tpu.memory_space<vmem>> -> memref<1x128xi32, #tpu.memory_space<vmem>>
    %dma_wait3A_108 = tpu.memref_squeeze %dma_wait3A_107 : memref<1x128xi32, #tpu.memory_space<vmem>> -> memref<128xi32, #tpu.memory_space<vmem>>
    %dma_wait3A_109 = arith.constant 0 : i32
    %dma_wait3A_110 = arith.constant 0 : i32
    %dma_wait3A_111 = tpu.memref_slice %arg13[%dma_wait3A_109, %dma_wait3A_110] : memref<10240x64xf32, #tpu.memory_space<vmem_shared>> -> memref<10240x64xf32, #tpu.memory_space<vmem_shared>>
    tpu.wait_indirect_dma semaphore(%arg20 : memref<!tpu.dma_semaphore, #tpu.memory_space<semaphore_mem>>) src(%arg10 : memref<128x64xf32, #tpu.memory_space<vmem>>) dst(%dma_wait3A_111 : memref<10240x64xf32, #tpu.memory_space<vmem_shared>>)
    %convert_element_type3A_112 = arith.extui %eq3A_0 : i1 to i32
    %cond3A_113 = arith.constant 0 : i32
    %cond3A_114 = arith.cmpi ne, %convert_element_type3A_112, %cond3A_113 : i32
    scf.if %cond3A_114 {
      %dma_wait3A_133 = arith.constant 0 : i32
      %dma_wait3A_134 = arith.constant 0 : i32
      %dma_wait3A_135 = tpu.memref_slice %arg7[%dma_wait3A_133, %dma_wait3A_134] : memref<160x128xi32, #tpu.memory_space<vmem>> -> memref<1x128xi32, #tpu.memory_space<vmem>>
      %dma_wait3A_136 = tpu.memref_squeeze %dma_wait3A_135 : memref<1x128xi32, #tpu.memory_space<vmem>> -> memref<128xi32, #tpu.memory_space<vmem>>
      %dma_wait3A_137 = arith.constant 0 : i32
      %dma_wait3A_138 = arith.constant 0 : i32
      %dma_wait3A_139 = tpu.memref_slice %arg23[%dma_wait3A_137, %dma_wait3A_138] : memref<10240x16xf32, #tpu.memory_space<vmem_shared>> -> memref<10240x16xf32, #tpu.memory_space<vmem_shared>>
      tpu.wait_indirect_dma semaphore(%arg26 : memref<!tpu.dma_semaphore, #tpu.memory_space<semaphore_mem>>) src(%arg22 : memref<128x16xf32, #tpu.memory_space<vmem>>) dst(%dma_wait3A_139 : memref<10240x16xf32, #tpu.memory_space<vmem_shared>>)
    } else {
    }
    %dma_wait3A_115 = arith.constant 0 : i32
    %dma_wait3A_116 = arith.constant 0 : i32
    %dma_wait3A_117 = tpu.memref_slice %arg7[%dma_wait3A_115, %dma_wait3A_116] : memref<160x128xi32, #tpu.memory_space<vmem>> -> memref<1x128xi32, #tpu.memory_space<vmem>>
    %dma_wait3A_118 = tpu.memref_squeeze %dma_wait3A_117 : memref<1x128xi32, #tpu.memory_space<vmem>> -> memref<128xi32, #tpu.memory_space<vmem>>
    %dma_wait3A_119 = arith.constant 0 : i32
    %dma_wait3A_120 = arith.constant 0 : i32
    %dma_wait3A_121 = tpu.memref_slice %arg13[%dma_wait3A_119, %dma_wait3A_120] : memref<10240x64xf32, #tpu.memory_space<vmem_shared>> -> memref<10240x64xf32, #tpu.memory_space<vmem_shared>>
    tpu.wait_indirect_dma semaphore(%arg21 : memref<!tpu.dma_semaphore, #tpu.memory_space<semaphore_mem>>) src(%arg11 : memref<128x64xf32, #tpu.memory_space<vmem>>) dst(%dma_wait3A_121 : memref<10240x64xf32, #tpu.memory_space<vmem_shared>>)
    %convert_element_type3A_122 = arith.extui %eq3A_0 : i1 to i32
    %cond3A_123 = arith.constant 0 : i32
    %cond3A_124 = arith.cmpi ne, %convert_element_type3A_122, %cond3A_123 : i32
    scf.if %cond3A_124 {
      %dma_wait3A_133 = arith.constant 0 : i32
      %dma_wait3A_134 = arith.constant 0 : i32
      %dma_wait3A_135 = tpu.memref_slice %arg7[%dma_wait3A_133, %dma_wait3A_134] : memref<160x128xi32, #tpu.memory_space<vmem>> -> memref<1x128xi32, #tpu.memory_space<vmem>>
      %dma_wait3A_136 = tpu.memref_squeeze %dma_wait3A_135 : memref<1x128xi32, #tpu.memory_space<vmem>> -> memref<128xi32, #tpu.memory_space<vmem>>
      %dma_wait3A_137 = arith.constant 0 : i32
      %dma_wait3A_138 = arith.constant 0 : i32
      %dma_wait3A_139 = tpu.memref_slice %arg23[%dma_wait3A_137, %dma_wait3A_138] : memref<10240x16xf32, #tpu.memory_space<vmem_shared>> -> memref<10240x16xf32, #tpu.memory_space<vmem_shared>>
      tpu.wait_indirect_dma semaphore(%arg27 : memref<!tpu.dma_semaphore, #tpu.memory_space<semaphore_mem>>) src(%arg22 : memref<128x16xf32, #tpu.memory_space<vmem>>) dst(%dma_wait3A_139 : memref<10240x16xf32, #tpu.memory_space<vmem_shared>>)
    } else {
    }
    %barrier3A_125 = arith.constant 0 : index
    tpu.barrier barrier_id(%barrier3A_125)
    %mul3A_126 = arith.constant 640 : i32
    %mul3A_127 = arith.muli %arg1, %mul3A_126 : i32
    %mul3A_128 = arith.constant 640 : i32
    %mul3A_129 = arith.muli %arg1, %mul3A_128 : i32
    "tpu.region"() ({
      %run_scoped3A = tpu.sem_alloc : memref<!tpu.dma_semaphore, #tpu.memory_space<semaphore_mem>>
      %dma_start3A_133 = arith.constant 0 : i32
      %dma_start3A_134 = tpu.memref_slice %arg4[%arg0, %mul3A_129, %dma_start3A_133] : memref<2x10240x64xf32, #tpu.memory_space<hbm>> -> memref<1x640x64xf32, #tpu.memory_space<hbm>>
      %dma_start3A_135 = tpu.memref_squeeze %dma_start3A_134 : memref<1x640x64xf32, #tpu.memory_space<hbm>> -> memref<640x64xf32, #tpu.memory_space<hbm>>
      %dma_start3A_136 = arith.constant 0 : i32
      %dma_start3A_137 = tpu.memref_slice %arg13[%mul3A_127, %dma_start3A_136] : memref<10240x64xf32, #tpu.memory_space<vmem_shared>> -> memref<640x64xf32, #tpu.memory_space<vmem_shared>>
      tpu.enqueue_dma source(%dma_start3A_137 : memref<640x64xf32, #tpu.memory_space<vmem_shared>>) target(%dma_start3A_135 : memref<640x64xf32, #tpu.memory_space<hbm>>) target_semaphore(%run_scoped3A : memref<!tpu.dma_semaphore, #tpu.memory_space<semaphore_mem>>)
      %dma_wait3A_138 = arith.constant 0 : i32
      %dma_wait3A_139 = tpu.memref_slice %arg4[%arg0, %mul3A_129, %dma_wait3A_138] : memref<2x10240x64xf32, #tpu.memory_space<hbm>> -> memref<1x640x64xf32, #tpu.memory_space<hbm>>
      %dma_wait3A_140 = tpu.memref_squeeze %dma_wait3A_139 : memref<1x640x64xf32, #tpu.memory_space<hbm>> -> memref<640x64xf32, #tpu.memory_space<hbm>>
      %dma_wait3A_141 = arith.constant 0 : i32
      %dma_wait3A_142 = tpu.memref_slice %arg13[%mul3A_127, %dma_wait3A_141] : memref<10240x64xf32, #tpu.memory_space<vmem_shared>> -> memref<640x64xf32, #tpu.memory_space<vmem_shared>>
      tpu.wait_dma2 semaphore(%run_scoped3A : memref<!tpu.dma_semaphore, #tpu.memory_space<semaphore_mem>>) src(%dma_wait3A_142 : memref<640x64xf32, #tpu.memory_space<vmem_shared>>) dst(%dma_wait3A_140 : memref<640x64xf32, #tpu.memory_space<hbm>>)
      tpu.yield
    }) : () -> ()
    %convert_element_type3A_130 = arith.extui %eq3A_0 : i1 to i32
    %cond3A_131 = arith.constant 0 : i32
    %cond3A_132 = arith.cmpi ne, %convert_element_type3A_130, %cond3A_131 : i32
    scf.if %cond3A_132 {
      %mul3A_133 = arith.constant 640 : i32
      %mul3A_134 = arith.muli %arg1, %mul3A_133 : i32
      %mul3A_135 = arith.constant 640 : i32
      %mul3A_136 = arith.muli %arg1, %mul3A_135 : i32
      "tpu.region"() ({
        %run_scoped3A = tpu.sem_alloc : memref<!tpu.dma_semaphore, #tpu.memory_space<semaphore_mem>>
        %dma_start3A_137 = arith.constant 0 : i32
        %dma_start3A_138 = tpu.memref_slice %arg5[%mul3A_136, %dma_start3A_137] : memref<10240x16xf32, #tpu.memory_space<hbm>> -> memref<640x16xf32, #tpu.memory_space<hbm>>
        %dma_start3A_139 = arith.constant 0 : i32
        %dma_start3A_140 = tpu.memref_slice %arg23[%mul3A_134, %dma_start3A_139] : memref<10240x16xf32, #tpu.memory_space<vmem_shared>> -> memref<640x16xf32, #tpu.memory_space<vmem_shared>>
        tpu.enqueue_dma source(%dma_start3A_140 : memref<640x16xf32, #tpu.memory_space<vmem_shared>>) target(%dma_start3A_138 : memref<640x16xf32, #tpu.memory_space<hbm>>) target_semaphore(%run_scoped3A : memref<!tpu.dma_semaphore, #tpu.memory_space<semaphore_mem>>)
        %dma_wait3A_141 = arith.constant 0 : i32
        %dma_wait3A_142 = tpu.memref_slice %arg5[%mul3A_136, %dma_wait3A_141] : memref<10240x16xf32, #tpu.memory_space<hbm>> -> memref<640x16xf32, #tpu.memory_space<hbm>>
        %dma_wait3A_143 = arith.constant 0 : i32
        %dma_wait3A_144 = tpu.memref_slice %arg23[%mul3A_134, %dma_wait3A_143] : memref<10240x16xf32, #tpu.memory_space<vmem_shared>> -> memref<640x16xf32, #tpu.memory_space<vmem_shared>>
        tpu.wait_dma2 semaphore(%run_scoped3A : memref<!tpu.dma_semaphore, #tpu.memory_space<semaphore_mem>>) src(%dma_wait3A_144 : memref<640x16xf32, #tpu.memory_space<vmem_shared>>) dst(%dma_wait3A_142 : memref<640x16xf32, #tpu.memory_space<hbm>>)
        tpu.yield
      }) : () -> ()
    } else {
    }
    return
  }
}

module attributes {stable_mosaic.version = 14 : i64} {
  func.func @_tc1_body(%arg0: i32, %arg1: memref<2x2048x64xf32, #tpu.memory_space<vmem>>, %arg2: memref<2x2048x64xf32, #tpu.memory_space<vmem>>, %arg3: memref<2048x16xf32, #tpu.memory_space<vmem>>, %arg4: memref<128x128xf32, #tpu.memory_space<vmem>>, %arg5: memref<128x128xf32, #tpu.memory_space<vmem>>, %arg6: memref<1x128xf32, #tpu.memory_space<vmem>>, %arg7: memref<2x2048x64xf32, #tpu.memory_space<vmem>>) attributes {dimension_semantics = [#tpu.dimension_semantics<arbitrary>], iteration_bounds = array<i64: 5>, scalar_prefetch = 0 : i64, scratch_operands = 0 : i64, tpu.core_type = #tpu.core_type<tc>, window_params = [{transform_indices = @transform_0, window_bounds = array<i64: 2, 2048, 64>}, {transform_indices = @transform_1, window_bounds = array<i64: 2, 2048, 64>}, {transform_indices = @transform_2, window_bounds = array<i64: 2048, 16>}, {pipeline_mode = #tpu.pipeline_mode<synchronous>, transform_indices = @transform_3, window_bounds = array<i64: 128, 128>}, {pipeline_mode = #tpu.pipeline_mode<synchronous>, transform_indices = @transform_4, window_bounds = array<i64: 128, 128>}, {pipeline_mode = #tpu.pipeline_mode<synchronous>, transform_indices = @transform_5, window_bounds = array<i64: 1, 128>}, {transform_indices = @transform_6, window_bounds = array<i64: 2, 2048, 64>}]} {
    %get3A = arith.constant 0 : index
    %get3A_0 = arith.constant 0 : index
    %get3A_1 = arith.constant 0 : index
    %get3A_2 = vector.load %arg1[%get3A, %get3A_0, %get3A_1] : memref<2x2048x64xf32, #tpu.memory_space<vmem>>, vector<1x2048x64xf32>
    %get3A_3 = vector.shape_cast %get3A_2 : vector<1x2048x64xf32> to vector<2048x64xf32>
    %get3A_4 = arith.constant 1 : index
    %get3A_5 = arith.constant 0 : index
    %get3A_6 = arith.constant 0 : index
    %get3A_7 = vector.load %arg1[%get3A_4, %get3A_5, %get3A_6] : memref<2x2048x64xf32, #tpu.memory_space<vmem>>, vector<1x2048x64xf32>
    %get3A_8 = vector.shape_cast %get3A_7 : vector<1x2048x64xf32> to vector<2048x64xf32>
    %concatenate3A = tpu.concatenate %get3A_3, %get3A_8 in 1 : vector<2048x64xf32>, vector<2048x64xf32> -> vector<2048x128xf32>
    %get3A_9 = arith.constant 0 : index
    %get3A_10 = arith.constant 0 : index
    %get3A_11 = arith.constant 0 : index
    %get3A_12 = vector.load %arg2[%get3A_9, %get3A_10, %get3A_11] : memref<2x2048x64xf32, #tpu.memory_space<vmem>>, vector<1x2048x64xf32>
    %get3A_13 = vector.shape_cast %get3A_12 : vector<1x2048x64xf32> to vector<2048x64xf32>
    %get3A_14 = arith.constant 1 : index
    %get3A_15 = arith.constant 0 : index
    %get3A_16 = arith.constant 0 : index
    %get3A_17 = vector.load %arg2[%get3A_14, %get3A_15, %get3A_16] : memref<2x2048x64xf32, #tpu.memory_space<vmem>>, vector<1x2048x64xf32>
    %get3A_18 = vector.shape_cast %get3A_17 : vector<1x2048x64xf32> to vector<2048x64xf32>
    %concatenate3A_19 = tpu.concatenate %get3A_13, %get3A_18 in 1 : vector<2048x64xf32>, vector<2048x64xf32> -> vector<2048x128xf32>
    %get3A_20 = arith.constant 0 : index
    %get3A_21 = arith.constant 0 : index
    %get3A_22 = vector.load %arg3[%get3A_20, %get3A_21] : memref<2048x16xf32, #tpu.memory_space<vmem>>, vector<2048x1xf32>
    %get3A_23 = vector.shape_cast %get3A_22 : vector<2048x1xf32> to vector<2048xf32>
    %max3A = arith.constant 1.000000e+00 : f32
    %max3A_24 = vector.broadcast %max3A : f32 to vector<2048xf32>
    %max3A_25 = arith.maximumf %get3A_23, %max3A_24 : vector<2048xf32>
    %div3A = arith.constant 1.000000e+00 : f32
    %div3A_26 = vector.broadcast %div3A : f32 to vector<2048xf32>
    %div3A_27 = arith.divf %div3A_26, %max3A_25 : vector<2048xf32>
    %broadcast_in_dim3A = vector.shape_cast %div3A_27 : vector<2048xf32> to vector<2048x1xf32>
    %mul3A = vector.broadcast %broadcast_in_dim3A : vector<2048x1xf32> to vector<2048x128xf32>
    %mul3A_28 = arith.mulf %concatenate3A_19, %mul3A : vector<2048x128xf32>
    %convert_element_type3A = arith.truncf %concatenate3A : vector<2048x128xf32> to vector<2048x128xbf16>
    %get3A_29 = arith.constant 0 : index
    %get3A_30 = arith.constant 0 : index
    %get3A_31 = vector.load %arg4[%get3A_29, %get3A_30] : memref<128x128xf32, #tpu.memory_space<vmem>>, vector<128x128xf32>
    %convert_element_type3A_32 = arith.truncf %get3A_31 : vector<128x128xf32> to vector<128x128xbf16>
    %dot_general3A = arith.constant dense<0.000000e+00> : vector<2048x128xf32>
    %dot_general3A_33 = tpu.matmul %convert_element_type3A, %convert_element_type3A_32, %dot_general3A {dimension_numbers = #tpu.dot_dimension_numbers<[1], [0], [0], [1], [0, 0, 1, 1], [], []>, transpose_lhs_hint = false} : vector<2048x128xbf16>, vector<128x128xbf16>, vector<2048x128xf32> -> vector<2048x128xf32>
    %convert_element_type3A_34 = arith.truncf %mul3A_28 : vector<2048x128xf32> to vector<2048x128xbf16>
    %get3A_35 = arith.constant 0 : index
    %get3A_36 = arith.constant 0 : index
    %get3A_37 = vector.load %arg5[%get3A_35, %get3A_36] : memref<128x128xf32, #tpu.memory_space<vmem>>, vector<128x128xf32>
    %convert_element_type3A_38 = arith.truncf %get3A_37 : vector<128x128xf32> to vector<128x128xbf16>
    %dot_general3A_39 = arith.constant dense<0.000000e+00> : vector<2048x128xf32>
    %dot_general3A_40 = tpu.matmul %convert_element_type3A_34, %convert_element_type3A_38, %dot_general3A_39 {dimension_numbers = #tpu.dot_dimension_numbers<[1], [0], [0], [1], [0, 0, 1, 1], [], []>, transpose_lhs_hint = false} : vector<2048x128xbf16>, vector<128x128xbf16>, vector<2048x128xf32> -> vector<2048x128xf32>
    %add3A = arith.addf %dot_general3A_33, %dot_general3A_40 : vector<2048x128xf32>
    %get3A_41 = arith.constant 0 : index
    %get3A_42 = arith.constant 0 : index
    %get3A_43 = vector.load %arg6[%get3A_41, %get3A_42] : memref<1x128xf32, #tpu.memory_space<vmem>>, vector<1x128xf32>
    %add3A_44 = vector.broadcast %get3A_43 : vector<1x128xf32> to vector<2048x128xf32>
    %add3A_45 = arith.addf %add3A, %add3A_44 : vector<2048x128xf32>
    %max3A_46 = arith.constant 0.000000e+00 : f32
    %max3A_47 = vector.broadcast %max3A_46 : f32 to vector<2048x128xf32>
    %max3A_48 = arith.maximumf %add3A_45, %max3A_47 : vector<2048x128xf32>
    %slice3A = vector.extract_strided_slice %max3A_48 {offsets = [0, 0], sizes = [2048, 64], strides = [1, 1]} : vector<2048x128xf32> to vector<2048x64xf32>
    %swap3A = arith.constant 0 : index
    %swap3A_49 = arith.constant 0 : index
    %swap3A_50 = arith.constant 0 : index
    %swap3A_51 = vector.load %arg7[%swap3A, %swap3A_49, %swap3A_50] : memref<2x2048x64xf32, #tpu.memory_space<vmem>>, vector<1x2048x64xf32>
    %swap3A_52 = vector.shape_cast %swap3A_51 : vector<1x2048x64xf32> to vector<2048x64xf32>
    %swap3A_53 = vector.shape_cast %slice3A : vector<2048x64xf32> to vector<1x2048x64xf32>
    tpu.vector_store %arg7[%swap3A, %swap3A_49, %swap3A_50], %swap3A_53 {strides = array<i32>} : memref<2x2048x64xf32, #tpu.memory_space<vmem>>, vector<1x2048x64xf32>,
    %slice3A_54 = vector.extract_strided_slice %max3A_48 {offsets = [0, 64], sizes = [2048, 64], strides = [1, 1]} : vector<2048x128xf32> to vector<2048x64xf32>
    %swap3A_55 = arith.constant 1 : index
    %swap3A_56 = arith.constant 0 : index
    %swap3A_57 = arith.constant 0 : index
    %swap3A_58 = vector.load %arg7[%swap3A_55, %swap3A_56, %swap3A_57] : memref<2x2048x64xf32, #tpu.memory_space<vmem>>, vector<1x2048x64xf32>
    %swap3A_59 = vector.shape_cast %swap3A_58 : vector<1x2048x64xf32> to vector<2048x64xf32>
    %swap3A_60 = vector.shape_cast %slice3A_54 : vector<2048x64xf32> to vector<1x2048x64xf32>
    tpu.vector_store %arg7[%swap3A_55, %swap3A_56, %swap3A_57], %swap3A_60 {strides = array<i32>} : memref<2x2048x64xf32, #tpu.memory_space<vmem>>, vector<1x2048x64xf32>,
    return
  }
  func.func @transform_0(%arg0: i32) -> (i32, i32, i32) {
    %c0_i32 = arith.constant 0 : i32
    %c0_i32_0 = arith.constant 0 : i32
    %c0_i32_1 = arith.constant 0 : i32
    return %c0_i32, %arg0, %c0_i32_0 : i32, i32, i32
  }
  func.func @transform_1(%arg0: i32) -> (i32, i32, i32) {
    %c0_i32 = arith.constant 0 : i32
    %c0_i32_0 = arith.constant 0 : i32
    %c0_i32_1 = arith.constant 0 : i32
    return %c0_i32, %arg0, %c0_i32_0 : i32, i32, i32
  }
  func.func @transform_2(%arg0: i32) -> (i32, i32) {
    %c0_i32 = arith.constant 0 : i32
    %c0_i32_0 = arith.constant 0 : i32
    return %arg0, %c0_i32 : i32, i32
  }
  func.func @transform_3(%arg0: i32) -> (i32, i32) {
    %c0_i32 = arith.constant 0 : i32
    %c0_i32_0 = arith.constant 0 : i32
    %c0_i32_1 = arith.constant 0 : i32
    return %c0_i32, %c0_i32_0 : i32, i32
  }
  func.func @transform_4(%arg0: i32) -> (i32, i32) {
    %c0_i32 = arith.constant 0 : i32
    %c0_i32_0 = arith.constant 0 : i32
    %c0_i32_1 = arith.constant 0 : i32
    return %c0_i32, %c0_i32_0 : i32, i32
  }
  func.func @transform_5(%arg0: i32) -> (i32, i32) {
    %c0_i32 = arith.constant 0 : i32
    %c0_i32_0 = arith.constant 0 : i32
    %c0_i32_1 = arith.constant 0 : i32
    return %c0_i32, %c0_i32_0 : i32, i32
  }
  func.func @transform_6(%arg0: i32) -> (i32, i32, i32) {
    %c0_i32 = arith.constant 0 : i32
    %c0_i32_0 = arith.constant 0 : i32
    %c0_i32_1 = arith.constant 0 : i32
    return %c0_i32, %arg0, %c0_i32_0 : i32, i32, i32
  }
}

module attributes {stable_mosaic.version = 14 : i64} {
  func.func @_tc2_body(%arg0: i32, %arg1: memref<2x2000x64xf32, #tpu.memory_space<vmem>>, %arg2: memref<2x2000x64xf32, #tpu.memory_space<vmem>>, %arg3: memref<2000x16xf32, #tpu.memory_space<vmem>>, %arg4: memref<128x128xf32, #tpu.memory_space<vmem>>, %arg5: memref<128x128xf32, #tpu.memory_space<vmem>>, %arg6: memref<1x128xf32, #tpu.memory_space<vmem>>, %arg7: memref<128x128xf32, #tpu.memory_space<vmem>>, %arg8: memref<1x128xf32, #tpu.memory_space<vmem>>, %arg9: memref<2000x128xf32, #tpu.memory_space<vmem>>) attributes {dimension_semantics = [#tpu.dimension_semantics<arbitrary>], iteration_bounds = array<i64: 5>, scalar_prefetch = 0 : i64, scratch_operands = 0 : i64, tpu.core_type = #tpu.core_type<tc>, window_params = [{transform_indices = @transform_0, window_bounds = array<i64: 2, 2000, 64>}, {transform_indices = @transform_1, window_bounds = array<i64: 2, 2000, 64>}, {transform_indices = @transform_2, window_bounds = array<i64: 2000, 16>}, {pipeline_mode = #tpu.pipeline_mode<synchronous>, transform_indices = @transform_3, window_bounds = array<i64: 128, 128>}, {pipeline_mode = #tpu.pipeline_mode<synchronous>, transform_indices = @transform_4, window_bounds = array<i64: 128, 128>}, {pipeline_mode = #tpu.pipeline_mode<synchronous>, transform_indices = @transform_5, window_bounds = array<i64: 1, 128>}, {pipeline_mode = #tpu.pipeline_mode<synchronous>, transform_indices = @transform_6, window_bounds = array<i64: 128, 128>}, {pipeline_mode = #tpu.pipeline_mode<synchronous>, transform_indices = @transform_7, window_bounds = array<i64: 1, 128>}, {transform_indices = @transform_8, window_bounds = array<i64: 2000, 128>}]} {
    %get3A = arith.constant 0 : index
    %get3A_0 = arith.constant 0 : index
    %get3A_1 = arith.constant 0 : index
    %get3A_2 = vector.load %arg1[%get3A, %get3A_0, %get3A_1] : memref<2x2000x64xf32, #tpu.memory_space<vmem>>, vector<1x2000x64xf32>
    %get3A_3 = vector.shape_cast %get3A_2 : vector<1x2000x64xf32> to vector<2000x64xf32>
    %get3A_4 = arith.constant 1 : index
    %get3A_5 = arith.constant 0 : index
    %get3A_6 = arith.constant 0 : index
    %get3A_7 = vector.load %arg1[%get3A_4, %get3A_5, %get3A_6] : memref<2x2000x64xf32, #tpu.memory_space<vmem>>, vector<1x2000x64xf32>
    %get3A_8 = vector.shape_cast %get3A_7 : vector<1x2000x64xf32> to vector<2000x64xf32>
    %concatenate3A = tpu.concatenate %get3A_3, %get3A_8 in 1 : vector<2000x64xf32>, vector<2000x64xf32> -> vector<2000x128xf32>
    %get3A_9 = arith.constant 0 : index
    %get3A_10 = arith.constant 0 : index
    %get3A_11 = arith.constant 0 : index
    %get3A_12 = vector.load %arg2[%get3A_9, %get3A_10, %get3A_11] : memref<2x2000x64xf32, #tpu.memory_space<vmem>>, vector<1x2000x64xf32>
    %get3A_13 = vector.shape_cast %get3A_12 : vector<1x2000x64xf32> to vector<2000x64xf32>
    %get3A_14 = arith.constant 1 : index
    %get3A_15 = arith.constant 0 : index
    %get3A_16 = arith.constant 0 : index
    %get3A_17 = vector.load %arg2[%get3A_14, %get3A_15, %get3A_16] : memref<2x2000x64xf32, #tpu.memory_space<vmem>>, vector<1x2000x64xf32>
    %get3A_18 = vector.shape_cast %get3A_17 : vector<1x2000x64xf32> to vector<2000x64xf32>
    %concatenate3A_19 = tpu.concatenate %get3A_13, %get3A_18 in 1 : vector<2000x64xf32>, vector<2000x64xf32> -> vector<2000x128xf32>
    %get3A_20 = arith.constant 0 : index
    %get3A_21 = arith.constant 0 : index
    %get3A_22 = vector.load %arg3[%get3A_20, %get3A_21] : memref<2000x16xf32, #tpu.memory_space<vmem>>, vector<2000x1xf32>
    %get3A_23 = vector.shape_cast %get3A_22 : vector<2000x1xf32> to vector<2000xf32>
    %max3A = arith.constant 1.000000e+00 : f32
    %max3A_24 = vector.broadcast %max3A : f32 to vector<2000xf32>
    %max3A_25 = arith.maximumf %get3A_23, %max3A_24 : vector<2000xf32>
    %div3A = arith.constant 1.000000e+00 : f32
    %div3A_26 = vector.broadcast %div3A : f32 to vector<2000xf32>
    %div3A_27 = arith.divf %div3A_26, %max3A_25 : vector<2000xf32>
    %broadcast_in_dim3A = vector.shape_cast %div3A_27 : vector<2000xf32> to vector<2000x1xf32>
    %mul3A = vector.broadcast %broadcast_in_dim3A : vector<2000x1xf32> to vector<2000x128xf32>
    %mul3A_28 = arith.mulf %concatenate3A_19, %mul3A : vector<2000x128xf32>
    %convert_element_type3A = arith.truncf %concatenate3A : vector<2000x128xf32> to vector<2000x128xbf16>
    %get3A_29 = arith.constant 0 : index
    %get3A_30 = arith.constant 0 : index
    %get3A_31 = vector.load %arg4[%get3A_29, %get3A_30] : memref<128x128xf32, #tpu.memory_space<vmem>>, vector<128x128xf32>
    %convert_element_type3A_32 = arith.truncf %get3A_31 : vector<128x128xf32> to vector<128x128xbf16>
    %dot_general3A = arith.constant dense<0.000000e+00> : vector<2000x128xf32>
    %dot_general3A_33 = tpu.matmul %convert_element_type3A, %convert_element_type3A_32, %dot_general3A {dimension_numbers = #tpu.dot_dimension_numbers<[1], [0], [0], [1], [0, 0, 1, 1], [], []>, transpose_lhs_hint = false} : vector<2000x128xbf16>, vector<128x128xbf16>, vector<2000x128xf32> -> vector<2000x128xf32>
    %convert_element_type3A_34 = arith.truncf %mul3A_28 : vector<2000x128xf32> to vector<2000x128xbf16>
    %get3A_35 = arith.constant 0 : index
    %get3A_36 = arith.constant 0 : index
    %get3A_37 = vector.load %arg5[%get3A_35, %get3A_36] : memref<128x128xf32, #tpu.memory_space<vmem>>, vector<128x128xf32>
    %convert_element_type3A_38 = arith.truncf %get3A_37 : vector<128x128xf32> to vector<128x128xbf16>
    %dot_general3A_39 = arith.constant dense<0.000000e+00> : vector<2000x128xf32>
    %dot_general3A_40 = tpu.matmul %convert_element_type3A_34, %convert_element_type3A_38, %dot_general3A_39 {dimension_numbers = #tpu.dot_dimension_numbers<[1], [0], [0], [1], [0, 0, 1, 1], [], []>, transpose_lhs_hint = false} : vector<2000x128xbf16>, vector<128x128xbf16>, vector<2000x128xf32> -> vector<2000x128xf32>
    %add3A = arith.addf %dot_general3A_33, %dot_general3A_40 : vector<2000x128xf32>
    %get3A_41 = arith.constant 0 : index
    %get3A_42 = arith.constant 0 : index
    %get3A_43 = vector.load %arg6[%get3A_41, %get3A_42] : memref<1x128xf32, #tpu.memory_space<vmem>>, vector<1x128xf32>
    %add3A_44 = vector.broadcast %get3A_43 : vector<1x128xf32> to vector<2000x128xf32>
    %add3A_45 = arith.addf %add3A, %add3A_44 : vector<2000x128xf32>
    %max3A_46 = arith.constant 0.000000e+00 : f32
    %max3A_47 = vector.broadcast %max3A_46 : f32 to vector<2000x128xf32>
    %max3A_48 = arith.maximumf %add3A_45, %max3A_47 : vector<2000x128xf32>
    %add3A_49 = arith.addf %concatenate3A, %max3A_48 : vector<2000x128xf32>
    %convert_element_type3A_50 = arith.truncf %add3A_49 : vector<2000x128xf32> to vector<2000x128xbf16>
    %get3A_51 = arith.constant 0 : index
    %get3A_52 = arith.constant 0 : index
    %get3A_53 = vector.load %arg7[%get3A_51, %get3A_52] : memref<128x128xf32, #tpu.memory_space<vmem>>, vector<128x128xf32>
    %convert_element_type3A_54 = arith.truncf %get3A_53 : vector<128x128xf32> to vector<128x128xbf16>
    %dot_general3A_55 = arith.constant dense<0.000000e+00> : vector<2000x128xf32>
    %dot_general3A_56 = tpu.matmul %convert_element_type3A_50, %convert_element_type3A_54, %dot_general3A_55 {dimension_numbers = #tpu.dot_dimension_numbers<[1], [0], [0], [1], [0, 0, 1, 1], [], []>, transpose_lhs_hint = false} : vector<2000x128xbf16>, vector<128x128xbf16>, vector<2000x128xf32> -> vector<2000x128xf32>
    %get3A_57 = arith.constant 0 : index
    %get3A_58 = arith.constant 0 : index
    %get3A_59 = vector.load %arg8[%get3A_57, %get3A_58] : memref<1x128xf32, #tpu.memory_space<vmem>>, vector<1x128xf32>
    %add3A_60 = vector.broadcast %get3A_59 : vector<1x128xf32> to vector<2000x128xf32>
    %add3A_61 = arith.addf %dot_general3A_56, %add3A_60 : vector<2000x128xf32>
    %swap3A = arith.constant 0 : index
    %swap3A_62 = arith.constant 0 : index
    %swap3A_63 = vector.load %arg9[%swap3A, %swap3A_62] : memref<2000x128xf32, #tpu.memory_space<vmem>>, vector<2000x128xf32>
    tpu.vector_store %arg9[%swap3A, %swap3A_62], %add3A_61 {strides = array<i32>} : memref<2000x128xf32, #tpu.memory_space<vmem>>, vector<2000x128xf32>,
    return
  }
  func.func @transform_0(%arg0: i32) -> (i32, i32, i32) {
    %c0_i32 = arith.constant 0 : i32
    %c0_i32_0 = arith.constant 0 : i32
    %c0_i32_1 = arith.constant 0 : i32
    return %c0_i32, %arg0, %c0_i32_0 : i32, i32, i32
  }
  func.func @transform_1(%arg0: i32) -> (i32, i32, i32) {
    %c0_i32 = arith.constant 0 : i32
    %c0_i32_0 = arith.constant 0 : i32
    %c0_i32_1 = arith.constant 0 : i32
    return %c0_i32, %arg0, %c0_i32_0 : i32, i32, i32
  }
  func.func @transform_2(%arg0: i32) -> (i32, i32) {
    %c0_i32 = arith.constant 0 : i32
    %c0_i32_0 = arith.constant 0 : i32
    return %arg0, %c0_i32 : i32, i32
  }
  func.func @transform_3(%arg0: i32) -> (i32, i32) {
    %c0_i32 = arith.constant 0 : i32
    %c0_i32_0 = arith.constant 0 : i32
    %c0_i32_1 = arith.constant 0 : i32
    return %c0_i32, %c0_i32_0 : i32, i32
  }
  func.func @transform_4(%arg0: i32) -> (i32, i32) {
    %c0_i32 = arith.constant 0 : i32
    %c0_i32_0 = arith.constant 0 : i32
    %c0_i32_1 = arith.constant 0 : i32
    return %c0_i32, %c0_i32_0 : i32, i32
  }
  func.func @transform_5(%arg0: i32) -> (i32, i32) {
    %c0_i32 = arith.constant 0 : i32
    %c0_i32_0 = arith.constant 0 : i32
    %c0_i32_1 = arith.constant 0 : i32
    return %c0_i32, %c0_i32_0 : i32, i32
  }
  func.func @transform_6(%arg0: i32) -> (i32, i32) {
    %c0_i32 = arith.constant 0 : i32
    %c0_i32_0 = arith.constant 0 : i32
    %c0_i32_1 = arith.constant 0 : i32
    return %c0_i32, %c0_i32_0 : i32, i32
  }
  func.func @transform_7(%arg0: i32) -> (i32, i32) {
    %c0_i32 = arith.constant 0 : i32
    %c0_i32_0 = arith.constant 0 : i32
    %c0_i32_1 = arith.constant 0 : i32
    return %c0_i32, %c0_i32_0 : i32, i32
  }
  func.func @transform_8(%arg0: i32) -> (i32, i32) {
    %c0_i32 = arith.constant 0 : i32
    %c0_i32_0 = arith.constant 0 : i32
    return %arg0, %c0_i32 : i32, i32
  }
}

</mosaic_0001>

<sc_bundles>
// kernel: kernel.6.cloned.1.call-start
scs
__scs_entry_jumppad:
0x0: {  	(pc) =	sbr.rel $0x88, $3  }
0x1: {  	(tag) =	ssettag $0x0;
	lr =	simm.s32 $0x1  }
0x2: {  	[smem:$0x3F97] =	sst lr;
	_ =	strace $0xD0000000  }
0x3: {  	_ = 	snop  }
0x4: {  	_ = 	snop  }
0x5: {  	_ = 	snop  }
0x6: {  	_ = 	snop  }
0x7: {  	_ = 	snop  }
__scs_overlays_trampoline_lowered:
0x8: {  	[smem:$0x3FA6] =	sst s0  }
0x9: {  	[smem:$0x3FA7] =	sst s1  }
0xa: {  	[smem:$0x3FA8] =	sst s2  }
0xb: {  	[smem:$0x3FA9] =	sst s3  }
0xc: {  	[smem:$0x3FAA] =	sst s4  }
0xd: {  	[smem:$0x3FAB] =	sst s5  }
0xe: {  	[smem:$0x3FAC] =	sst s6  }
0xf: {  	[smem:$0x3FAD] =	sst s7  }
0x10: {  	[smem:$0x3FAE] =	sst s8  }
0x11: {  	[smem:$0x3FAF] =	sst s9;
	s0 =	simm.s32 @!p0 $0x0  }
0x12: {  	s1 =	sld [smem:$0x3F95];
	s0 =	simm.s32 @p0 $0x1  }
0x13: {  	[smem:$0x3FB0] =	sst s0;
	s0 =	simm.s32 @!p1 $0x0  }
0x14: {  	s2 =	sld [smem:$0x3F94];
	s0 =	simm.s32 @p1 $0x1  }
0x15: {  	[smem:$0x3FB1] =	sst s0;
	s0 =	simm.s32 @!p2 $0x0  }
0x16: {  	s3 =	sld [smem:$0x3FDB];
	s0 =	simm.s32 @p2 $0x1  }
0x17: {  	s4 =	simm.s32 $0x1BF5;
	[smem:$0x3FB3] =	sst s0  }
0x18: {  	s0 =	sld [smem:$0x3F96];
	_ =	swait.ge [sflag:s4], $0x0  }
0x19: {  	s7 =	sld [smem:$0x3F97]  }
0x1a: {  	s8 =	sadd.s32 $0xFFFFE003, lr  }
0x1b: {  	s9 =	sadd.s32 $0xFFFFFEF7, lr;
	s5 =	simm.s32 $0xFFFFFFFF;
	p2 =	slt.u32 s8, $0xFFFFF086  }
0x1c: {  	p1 =	slt.u32 s9, $0xF7A;
	s5 =	simm.s32 @!p2 $0x0  }
0x1d: {  	s5 =	simm.s32 @p1 $0x1;
	p0 =	seq.s32 s7, s2  }
0x1e: {  	s7 =	smul.u32 @!p0 $0xF7A, s2;
	p2 =	seq.s32 @!p0 s5, $0x0  }
0x1f: {  	s9 =	smul.u32 $0xF7A, s1;
	s8 =	simm.s32 @!p0 $0x1BF5;
	p2 =	por !p2, p0  }
0x20: {  	[sflag:s8] =	ssyncset.s32 @!p0 $0xFFFFF086;
	s6 =	sadd.s32 @!p0 s3, s7;
	s7 =	simm.s32 @!p0 $0x108  }
0x21: {  	s3 =	sadd.s32 s3, s9;
	s6 =	sadd.s32 @!p0 $0x88, s6;
	s7 =	simm.s32 @p2 $0x1082  }
0x22: {  	[simem:s7], [sflag:s8] =	dma.local @!p0 [hbm:s6], $0xF7A  }
0x23: {  	s9 =	sor.u32 $0xD0000000, s2;
	s6 =	simm.s32 $0x108;
	_ =	swait.ge @!p0 [sflag:s8], $0x0  }
0x24: {  	s3 =	sadd.s32 $0x88, s3;
	s6 =	simm.s32 @!p1 $0x1082;
	[sflag:s4] =	ssyncset.s32 $0xFFFFF086  }
0x25: {  	[simem:s6], [sflag:s4] =	dma.local [hbm:s3], $0xF7A  }
0x26: {  	[smem:$0x3F97] =	sst s1;
	(tag) =	ssettag s2;
	_ =	strace s9  }
0x27: {  	s1 =	sld [smem:$0x3FA7]  }
0x28: {  	s2 =	sld [smem:$0x3FA8]  }
0x29: {  	s4 =	sld [smem:$0x3FAA]  }
0x2a: {  	p0 =	seq.s32 s5, $0x0;
	s5 =	sld [smem:$0x3FAB]  }
0x2b: {  	s6 =	sld [smem:$0x3FAC]  }
0x2c: {  	s7 =	sld [smem:$0x3FAD]  }
0x2d: {  	s3 =	simm.s32 $0x108;
	s8 =	sld [smem:$0x3FAE]  }
0x2e: {  	s3 =	simm.s32 @!p0 $0x1082;
	s9 =	sld [smem:$0x3FAF]  }
0x2f: {  	lr =	sadd.s32 s0, s3;
	s0 =	sld [smem:$0x3FA6]  }
0x30: {  	s3 =	sld [smem:$0x3FA9]  }
0x31: {  	[smem:$0x3FB2] =	sst s10  }
0x32: {  	s10 =	sld [smem:$0x3FB0];
	_ =	sdelay $0x3  }
0x33: {  	p0 =	seq.s32 s10, $0x1;
	s10 =	sld [smem:$0x3FB2];
	_ =	sdelay $0x3  }
0x34: {  	[smem:$0x3FB2] =	sst s10  }
0x35: {  	s10 =	sld [smem:$0x3FB1];
	_ =	sdelay $0x3  }
0x36: {  	p1 =	seq.s32 s10, $0x1;
	s10 =	sld [smem:$0x3FB2];
	_ =	sdelay $0x3  }
0x37: {  	[smem:$0x3FB2] =	sst s10  }
0x38: {  	s10 =	sld [smem:$0x3FB3]  }
0x39: {  	_ = 	snop;
	(pc) =	sbr.ind lr, $3  }
0x3a: {  	_ = 	snop  }
0x3b: {  	_ = 	snop  }
0x3c: {  	p2 =	seq.s32 s10, $0x1;
	s10 =	sld [smem:$0x3FB2]  }
0x3d: {  	_ =	shalt  }
0x3e: {  	_ =	shalt  }
0x3f: {  	_ =	shalt  }
0x40: {  	_ =	shalt  }
0x41: {  	_ =	shalt  }
0x42: {  	_ =	shalt  }
0x43: {  	_ =	shalt  }
0x44: {  	_ =	shalt  }
0x45: {  	_ =	shalt  }
0x46: {  	_ =	shalt  }
0x47: {  	_ =	shalt  }
0x48: {  	_ =	shalt  }
0x49: {  	_ =	shalt  }
0x4a: {  	_ =	shalt  }
0x4b: {  	_ =	shalt  }
0x4c: {  	_ =	shalt  }
0x4d: {  	_ =	shalt  }
0x4e: {  	_ =	shalt  }
0x4f: {  	_ =	shalt  }
0x50: {  	_ =	shalt  }
0x51: {  	_ =	shalt  }
0x52: {  	_ =	shalt  }
0x53: {  	_ =	shalt  }
0x54: {  	_ =	shalt  }
0x55: {  	_ =	shalt  }
0x56: {  	_ =	shalt  }
0x57: {  	_ =	shalt  }
0x58: {  	_ =	shalt  }
0x59: {  	_ =	shalt  }
0x5a: {  	_ =	shalt  }
0x5b: {  	_ =	shalt  }
0x5c: {  	_ =	shalt  }
0x5d: {  	_ =	shalt  }
0x5e: {  	_ =	shalt  }
0x5f: {  	_ =	shalt  }
0x60: {  	_ =	shalt  }
0x61: {  	_ =	shalt  }
0x62: {  	_ =	shalt  }
0x63: {  	_ =	shalt  }
0x64: {  	_ =	shalt  }
0x65: {  	_ =	shalt  }
0x66: {  	_ =	shalt  }
0x67: {  	_ =	shalt  }
0x68: {  	_ =	shalt  }
0x69: {  	_ =	shalt  }
0x6a: {  	_ =	shalt  }
0x6b: {  	_ =	shalt  }
0x6c: {  	_ =	shalt  }
0x6d: {  	_ =	shalt  }
0x6e: {  	_ =	shalt  }
0x6f: {  	_ =	shalt  }
0x70: {  	_ =	shalt  }
0x71: {  	_ =	shalt  }
0x72: {  	_ =	shalt  }
0x73: {  	_ =	shalt  }
0x74: {  	_ =	shalt  }
0x75: {  	_ =	shalt  }
0x76: {  	_ =	shalt  }
0x77: {  	_ =	shalt  }
0x78: {  	_ =	shalt  }
0x79: {  	_ =	shalt  }
0x7a: {  	_ =	shalt  }
0x7b: {  	_ =	shalt  }
0x7c: {  	_ =	shalt  }
0x7d: {  	_ =	shalt  }
0x7e: {  	_ =	shalt  }
0x7f: {  	_ =	shalt  }
0x80: {  	_ =	shalt  }
0x81: {  	_ =	shalt  }
0x82: {  	_ =	shalt  }
0x83: {  	_ =	shalt  }
0x84: {  	_ =	shalt  }
0x85: {  	_ =	shalt  }
0x86: {  	_ =	shalt  }
0x87: {  	_ =	shalt  }
.Lfunc_end0:
.L_simem_size_0:
called_computation_lowered:
.L_overlay_start_0:
0x88: {  	s2 =	sld [smem:$0x3FD9]  }
0x89: {  	s3 =	sld [smem:$0x3FFE];
	_ =	sdelay $0x1  }
0x8a: {  	s1 =	srdreg.scid  }
0x8b: {  	s0 =	sand.u32 $0x1, s1  }
0x8c: {  	s17 =	sshll.u32 s0, $0xA;
	s2 =	sadd.s32 s3, s2  }
0x8d: {  	s2 =	sadd.s32 s2, s17  }
0x8e: {  	[smem:$0x3FBE] =	sst s2  }
0x8f: {  	_ = 	snop  }
0x90: {  	s2 =	sld [smem:$0x3FD0];
	(tm) =	ssettm $0x1  }
0x91: {  	s18 =	sld [smem:$0x3FFB];
	_ =	sdelay $0x3  }
0x92: {  	_ =	strace s18  }
0x93: {  	s3 =	sld [smem:$0x3FFC];
	_ =	sdelay $0x3  }
0x94: {  	_ =	strace s3  }
0x95: {  	s3 =	sld [smem:$0x3FFD];
	_ =	sdelay $0x3  }
0x96: {  	_ =	strace s3  }
0x97: {  	_ =	strace $0x8FFFFFFF  }
0x98: {  	s19 =	sld [smem:$0x3FDB];
	_ =	sdelay $0x1  }
0x99: {  	s4 =	simm.s32 $_scs_section_size  }
0x9a: {  	s5 =	simm.s32 $_size__tile_overlayer_lowered;
	s6 =	simm.s32 $_tile_overlayer_lowered  }
0x9b: {  	s22 =	simm.s32 $0x1BFF;
	s21 =	sshll.u32 s6, $0x1;
	s3 =	sadd.s32 s4, s19  }
0x9c: {  	s7 =	simm.s32 $0x0;
	s20 =	sshll.u32 s5, $0x1;
	s5 =	sadd.s32 s21, s3  }
0x9d: {  	[timem:s7], [sflag:s22] =	dma.local [hbm:s5], s20  }
0x9e: {  	_ =	swait.ge [sflag:s22], s20  }
0x9f: {  	s4 =	ssub.s32 $0x0, s20;
	[sflag:s22] =	ssyncset.done $0x0  }
0xa0: {  	[sflag:s22] =	ssyncadd.s32 s4;
	_ =	sdelay $0x1  }
0xa1: {  	s23 =	simm.s32 $0x1B8B  }
0xa2: {  	_ =	swait.ge [sflag:s23], $0x1  }
0xa3: {  	[sflag:s23] =	ssyncset.done $0x0  }
0xa4: {  	s25 =	simm.s32 $0x1B8E;
	s24 =	sld [smem:$0x3FFE];
	[sflag:s23] =	ssyncadd.s32 $0xFFFFFFFF  }
0xa5: {  	s26 =	simm.s32 $execute0_lowered;
	[smem:$0x3FD2] =	sst s25  }
0xa6: {  	s5 =	sshll.u32 s26, $0x1;
	_ =	strace $0x80000046;
	[dreg:$0x1] =	wrdreg $0xFFFFFFFF  }
0xa7: {  	s28 =	simm.s32 $_size_execute0_lowered;
	s3 =	sadd.s32 s3, s5;
	[dreg:$0x0] =	wrdreg $0x0  }
0xa8: {  	s5 =	sshll.u32 s28, $0x1;
	[dreg:$0x2] =	wrdreg s3  }
0xa9: {  	[dreg:$0x3] =	wrdreg s5  }
0xaa: {  	[dreg:$0x4] =	wrdreg $0xC0  }
0xab: {  	_ =	task [dreg:s7], $0x5FFFF  }
0xac: {  	[dreg:$0x1] =	wrdreg $0xFFFFFFFF  }
0xad: {  	[dreg:$0x0] =	wrdreg $0x60  }
0xae: {  	[dreg:$0x2] =	wrdreg s24  }
0xaf: {  	[dreg:$0x3] =	wrdreg s2  }
0xb0: {  	[dreg:$0x4] =	wrdreg $0x128000  }
0xb1: {  	[dreg:$0x5] =	wrdreg $0x1D0000  }
0xb2: {  	[dreg:$0x6] =	wrdreg $0x9  }
0xb3: {  	_ =	task.clear_ibuf [dreg:s7], $0x7FFFF;
	_ =	strace $0x90000046  }
0xb4: {  	s29 =	simm.s32 $0x9;
	_ =	strace $0x80000048  }
0xb5: {  	_ =	swait.ge [sflag:s29], $0x1  }
0xb6: {  	[sflag:s29] =	ssyncadd.s32 $0xFFFFFFFF  }
0xb7: {  	_ =	strace $0x90000048  }
0xb8: {  	_ =	sfence  }
0xb9: {  	s30 =	sld [smem:$0x0];
	_ =	sdelay $0x2  }
0xba: {  	s31 =	sshll.u32 s1, $0xD;
	s1 =	sshrl.u32 s1, $0x2  }
0xbb: {  	s3 =	sand.u32 $0x4000, s31;
	s1 =	sadd.s32 s1, s30  }
0xbc: {  	s0 =	sor.u32 s3, s0;
	s1 =	sshll.u32 s1, $0x11  }
0xbd: {  	s0 =	sor.u32 s1, s0  }
0xbe: {  	s0 =	sadd.s32 $0x8F2B, s0  }
0xbf: {  	[sflag:s0] =	ssyncadd.remote.s32 $0x1  }
0xc0: {  	_ =	sfence.sel $0xFFFF  }
0xc1: {  	[dreg:$0x0] =	wrdreg $0xFFFFFFFF;
	(pc) =	sbr.abs _section_cstart, $3  }
0xc2: {  	[dreg:$0x1] =	wrdreg $0xFFFFFFFF  }
0xc3: {  	_ =	task.clear_ibuf [dreg:s7], $0x2FFFF;
	_ =	strace $0x9FFFFFFF  }
0xc4: {  	(tm) =	ssettm $0x7FFFFFFF  }
0xc5: {  	_ =	shalt  }
tec
execute0_lowered:
.L_overlay_start_1:
0x0: {  	(tag) =	ssettag $0x1  }
0x1: {  	s0 =	rddreg [dreg:$0x0]  }
0x2: {  	s2 =	rddreg [dreg:$0x1]  }
0x3: {  	s1 =	rddreg [dreg:$0x2];
	s12 =	stileid.u32  }
0x4: {  	s4 =	srdreg.scid;
	s6 =	smul.u32 $0xA000, s12  }
0x5: {  	s3 =	rddreg [dreg:$0x3];
	s7 =	simm.s32 $0x0;
	s9 =	smul.u32 $0x2800, s12  }
0x6: {  	s28 =	simm.s32 $0x2;
	s29 =	simm.s32 $0x80;
	s8 =	smul.u32 $0x5000, s12  }
0x7: {  	s30 =	simm.s32 $0xC000;
	s4 =	sand.u32 $0x1, s4;
	s12 =	smul.u32 $0x280, s12  }
0x8: {  	s31 =	simm.s32 $0xE000;
	[smem:$0x7FF] =	sst s7;
	s5 =	smul.u32 $0xA0000, s4  }
0x9: {  	_ =	strace $0x80000047;
	s11 =	ssub.s32 $0x2, s4;
	p0 =	sne.s32 s4, $0x0  }
0xa: {  	s10 =	sshrl.u32 s9, $0x3;
	s22 =	sshrl.u32 s11, $0x1;
	s8 =	sshrl.u32 s8, $0x3  }
0xb: {  	s23 =	sadd.s32 $0x80, s12;
	s20 =	sadd.s32 s6, s1;
	s26 =	sadd.s32 $0x100, s12  }
0xc: {  	s13 =	sadd.s32 $0x180, s12;
	s12 =	sadd.s32 $0x200, s12;
	s21 =	sadd.s32 s6, s5  }
0xd: {  	s5 =	sshrl.u32 s5, $0x3;
	s8 =	sadd.s32 s2, s8;
	s24 =	sshll.u32 s23, $0x6  }
0xe: {  	s14 =	sshll.u32 s26, $0x6;
	s15 =	sshll.u32 s13, $0x6;
	s18 =	sshll.u32 s12, $0x6  }
0xf: {  	s6 =	sshrl.u32 s6, $0x2;
	s2 =	sshll.u32 s23, $0x4;
	s23 =	sshll.u32 s12, $0x4  }
0x10: {  	s12 =	simm.s32 $0x7;
	[dreg:$0x7] =	wrdreg s20;
	s7 =	sshrl.u32 s21, $0x3  }
0x11: {  	s5 =	sadd.s32 s5, s0;
	[dreg:$0x5] =	wrdreg s8;
	s8 =	sadd.s32 $0xA000, s8  }
0x12: {  	s25 =	sadd.s32 s24, s1;
	s16 =	sadd.s32 s14, s1;
	[dreg:$0x6] =	wrdreg s8  }
0x13: {  	s17 =	sadd.s32 s15, s1;
	s19 =	sadd.s32 s18, s1;
	[dreg:$0x8] =	wrdreg s25  }
0x14: {  	s6 =	sadd.s32 s6, s3;
	s2 =	sadd.s32 s2, s3;
	[dreg:$0x9] =	wrdreg s16  }
0x15: {  	s21 =	sshll.u32 s26, $0x4;
	s24 =	sadd.s32 s23, s3;
	[dreg:$0xa] =	wrdreg s17  }
0x16: {  	s23 =	simm.s32 $0xA000;
	s14 =	simm.s32 $0x0;
	[dreg:$0xb] =	wrdreg s19  }
0x17: {  	s7 =	sadd.s32 s7, s0;
	s0 =	sadd.s32 s10, s0;
	[dreg:$0xc] =	wrdreg s6  }
0x18: {  	s10 =	ssub.s32 s11, s22;
	[dreg:$0xd] =	wrdreg s2;
	s2 =	sadd.s32 s21, s3  }
0x19: {  	s22 =	sshll.u32 s13, $0x4;
	[dreg:$0x10] =	wrdreg s24;
	s18 =	sadd.s32 $0x52400, s5  }
0x1a: {  	s24 =	simm.s32 $0xD;
	s5 =	simm.s32 $0xC;
	s11 =	simm.s32 $0xA  }
0x1b: {  	s13 =	simm.s32 $0xB;
	[dreg:$0xe] =	wrdreg s2;
	s2 =	sadd.s32 s22, s3  }
0x1c: {  	s25 =	sadd.s32 $0x7F400, s7;
	s0 =	sadd.s32 $0x7A400, s0;
	[dreg:$0xf] =	wrdreg s2  }
.Ltmp0:
0x1d: {  	s26 =	smax.u32 s10, $0x1;
	[dreg:$0x11] =	wrdreg s25;
	(pc) =	sbr.rel .LBB2_1-.Ltmp0, $4  }
0x1e: {  	s22 =	simm.s32 $0x8;
	s7 =	simm.s32 $0x4;
	[dreg:$0x12] =	wrdreg s0  }
0x1f: {  	s10 =	simm.s32 $0x6;
	s0 =	sadd.s32 s9, s3;
	[dreg:$0x13] =	wrdreg s26  }
0x20: {  	s26 =	simm.s32 $0x1;
	s2 =	simm.s32 $0x3;
	s0 =	sshrl.u32 @!p0 s0, $0x3  }
0x21: {  	v0 =	vimm.f32 $0.0e+00;
	v1 =	vimm.f32 $1.000000000e+00;
	s9 =	simm.s32 $0x1C800;
	[dreg:$0x14] =	wrdreg s0;
	s0 =	simm.s32 $0x10000  }
.LBB2_20:
0x22: {  	s6 =	simm.s32 $0x5  }
0x23: {  	_ =	swait.ge [sflag:s6], $0x2000  }
0x24: {  	[sflag:s6] =	ssyncset.done $0x0  }
0x25: {  	[sflag:s6] =	ssyncadd.s32 $0xFFFFE000  }
0x26: {  	_ =	swait.ge [sflag:s10], $0x2000  }
0x27: {  	[sflag:s10] =	ssyncset.done $0x0  }
0x28: {  	[sflag:s10] =	ssyncadd.s32 $0xFFFFE000  }
0x29: {  	_ =	swait.ge [sflag:s12], $0x2000  }
0x2a: {  	[sflag:s12] =	ssyncset.done $0x0  }
0x2b: {  	[sflag:s12] =	ssyncadd.s32 $0xFFFFE000  }
0x2c: {  	_ =	swait.ge [sflag:s22], $0x2000  }
0x2d: {  	[sflag:s22] =	ssyncset.done $0x0  }
0x2e: {  	[sflag:s22] =	ssyncadd.s32 $0xFFFFE000  }
.LBB2_21:
0x2f: {  	s6 =	stileid.u32;
	[bflag:$0x0] =	sbarrier.arrive $0xFFFF  }
0x30: {  	s6 =	sshll.u32 s6, $0x6;
	s20 =	rddreg [dreg:$0x7]  }
0x31: {  	s15 =	rddreg [dreg:$0x11];
	s6 =	sor.u32 $0x1C0D, s6;
	s8 =	sshrl.u32 s20, $0x3  }
0x32: {  	[hbm:s15], [sflag:s6] =	dma.local [spmem:s8], $0x1400  }
0x33: {  	_ =	swait.ge [sflag:s24], $0x1400  }
0x34: {  	[sflag:s24] =	ssyncset.done $0x0;
	s8 =	rddreg [dreg:$0x12]  }
0x35: {  	s15 =	rddreg [dreg:$0x14];
	[sflag:s24] =	ssyncadd.s32 $0xFFFFEC00  }
0x36: {  	[hbm:s8], [sflag:s6] =	dma.local @!p0 [spmem:s15], $0x500  }
0x37: {  	s6 =	simm.s32 @!p0 $0xD  }
0x38: {  	_ =	swait.ge @!p0 [sflag:s6], $0x500  }
0x39: {  	s14 =	sadd.s32 $0x1, s14;
	s25 =	rddreg [dreg:$0x13]  }
0x3a: {  	p1 =	sne.s32 s14, s25  }
.Ltmp1:
0x3b: {  	_ = 	snop;
	(pc) =	sbr.rel @!p1 .LBB2_22-.Ltmp1, $3  }
0x3c: {  	_ =	sdelay $0x1  }
0x3d: {  	[sflag:s6] =	ssyncset.done @!p0 $0x0  }
0x3e: {  	[sflag:s6] =	ssyncadd.s32 @!p0 $0xFFFFFB00  }
.LBB2_1:
0x3f: {  	s6 =	simm.s32 $0x0;
	s8 =	rddreg [dreg:$0x5]  }
0x40: {  	[tilespmem:s6], [sflag:$0x1] =	stream.linear.gather [hbm4b:s8+s6], $0x5000, $0x38;
	[tilespmem:$0x1F800] =	vst v63  }
0x41: {  	s25 =	rddreg [dreg:$0x6];
	s15 =	simm.s32 $0x5000  }
0x42: {  	[tilespmem:s15], [sflag:$0x2] =	stream.linear.gather [hbm4b:s25+s6], $0x5000, $0x38;
	[tilespmem:$0x1F800] =	vst v63  }
0x43: {  	s15 =	simm.s32 $0xA020  }
0x44: {  	[tilespmem:s15+$0xFFFFFFE0] =	vst v0  }
0x45: {  	[tilespmem:s15+$0x10] =	vst v0  }
0x46: {  	[tilespmem:s15+$0x0] =	vst v0  }
0x47: {  	s16 =	simm.s32 $0x40;
	s17 =	simm.s32 $0x0;
	[tilespmem:s15+$0xFFFFFFF0] =	vst v0  }
.LBB2_2:
0x48: {  	p1 =	sne.s32 s16, $0x1FC0  }
0x49: {  	[tilespmem:s17+$0x12000] =	vst v0;
	s15 =	sadd.s32 $0x40, s15;
	s19 =	smov.u32 s16;
	s16 =	sadd.s32 $0x40, s16  }
.Ltmp2:
0x4a: {  	[tilespmem:s17+$0x1C800] =	vst v1;
	(pc) =	sbr.rel @p1 .LBB2_2-.Ltmp2, $4  }
0x4b: {  	[tilespmem:s15+$0xFFFFFFE0] =	vst v0  }
0x4c: {  	[tilespmem:s15+$0x10] =	vst v0  }
0x4d: {  	[tilespmem:s15+$0x0] =	vst v0  }
0x4e: {  	s17 =	sshra.s32 s19, $0x2;
	[tilespmem:s15+$0xFFFFFFF0] =	vst v0  }
0x4f: {  	[tilespmem:s17+$0x12000] =	vst v0  }
0x50: {  	[tilespmem:s17+$0x1C800] =	vst v1  }
0x51: {  	[spmem:s20] =	stream.linear.scatter [tilespmem:s23], [sflag:$0xD], $0x2000, $0x38;
	[tilespmem:$0x1F800] =	vst v63  }
0x52: {  	_ =	swait.ge [sflag:s24], $0x2000  }
0x53: {  	[sflag:s24] =	ssyncset.done $0x0  }
0x54: {  	s6 =	rddreg [dreg:$0x8];
	[sflag:s24] =	ssyncadd.s32 $0xFFFFE000  }
0x55: {  	[spmem:s6] =	stream.linear.scatter [tilespmem:s23], [sflag:$0xD], $0x2000, $0x38;
	[tilespmem:$0x1F800] =	vst v63  }
0x56: {  	_ =	swait.ge [sflag:s24], $0x2000  }
0x57: {  	[sflag:s24] =	ssyncset.done $0x0  }
0x58: {  	s20 =	rddreg [dreg:$0x9];
	[sflag:s24] =	ssyncadd.s32 $0xFFFFE000  }
0x59: {  	[spmem:s20] =	stream.linear.scatter [tilespmem:s23], [sflag:$0xD], $0x2000, $0x38;
	[tilespmem:$0x1F800] =	vst v63  }
0x5a: {  	_ =	swait.ge [sflag:s24], $0x2000  }
0x5b: {  	[sflag:s24] =	ssyncset.done $0x0  }
0x5c: {  	s21 =	rddreg [dreg:$0xa];
	[sflag:s24] =	ssyncadd.s32 $0xFFFFE000  }
0x5d: {  	[spmem:s21] =	stream.linear.scatter [tilespmem:s23], [sflag:$0xD], $0x2000, $0x38;
	[tilespmem:$0x1F800] =	vst v63  }
0x5e: {  	_ =	swait.ge [sflag:s24], $0x2000  }
0x5f: {  	[sflag:s24] =	ssyncset.done $0x0  }
0x60: {  	s25 =	rddreg [dreg:$0xb];
	[sflag:s24] =	ssyncadd.s32 $0xFFFFE000  }
0x61: {  	[spmem:s25] =	stream.linear.scatter [tilespmem:s23], [sflag:$0xD], $0x2000, $0x38;
	[tilespmem:$0x1F800] =	vst v63  }
0x62: {  	_ =	swait.ge [sflag:s24], $0x2000  }
0x63: {  	s15 =	simm.s32 @!p0 $0x12000;
	[sflag:s24] =	ssyncset.done $0x0  }
0x64: {  	s16 =	simm.s32 @!p0 $0xD;
	s6 =	rddreg [dreg:$0xc];
	[sflag:s24] =	ssyncadd.s32 $0xFFFFE000  }
0x65: {  	[spmem:s6] =	stream.linear.scatter @!p0 [tilespmem:s15], [sflag:$0xD], $0x800, $0x38;
	[tilespmem:$0x1F800] =	vst v63  }
0x66: {  	_ =	swait.ge @!p0 [sflag:s16], $0x800  }
0x67: {  	[sflag:s16] =	ssyncset.done @!p0 $0x0  }
0x68: {  	s6 =	rddreg [dreg:$0xd];
	[sflag:s16] =	ssyncadd.s32 @!p0 $0xFFFFF800  }
0x69: {  	[spmem:s6] =	stream.linear.scatter @!p0 [tilespmem:s15], [sflag:$0xD], $0x800, $0x38;
	[tilespmem:$0x1F800] =	vst v63  }
0x6a: {  	_ =	swait.ge @!p0 [sflag:s16], $0x800  }
0x6b: {  	[sflag:s16] =	ssyncset.done @!p0 $0x0  }
0x6c: {  	s6 =	rddreg [dreg:$0xe];
	[sflag:s16] =	ssyncadd.s32 @!p0 $0xFFFFF800  }
0x6d: {  	[spmem:s6] =	stream.linear.scatter @!p0 [tilespmem:s15], [sflag:$0xD], $0x800, $0x38;
	[tilespmem:$0x1F800] =	vst v63  }
0x6e: {  	_ =	swait.ge @!p0 [sflag:s16], $0x800  }
0x6f: {  	[sflag:s16] =	ssyncset.done @!p0 $0x0  }
0x70: {  	s6 =	rddreg [dreg:$0xf];
	[sflag:s16] =	ssyncadd.s32 @!p0 $0xFFFFF800  }
0x71: {  	[spmem:s6] =	stream.linear.scatter @!p0 [tilespmem:s15], [sflag:$0xD], $0x800, $0x38;
	[tilespmem:$0x1F800] =	vst v63  }
0x72: {  	_ =	swait.ge @!p0 [sflag:s16], $0x800  }
0x73: {  	[sflag:s16] =	ssyncset.done @!p0 $0x0  }
0x74: {  	s6 =	rddreg [dreg:$0x10];
	[sflag:s16] =	ssyncadd.s32 @!p0 $0xFFFFF800  }
0x75: {  	[spmem:s6] =	stream.linear.scatter @!p0 [tilespmem:s15], [sflag:$0xD], $0x800, $0x38;
	[tilespmem:$0x1F800] =	vst v63  }
0x76: {  	_ =	swait.ge @!p0 [sflag:s16], $0x800  }
0x77: {  	[sflag:s16] =	ssyncset.done @!p0 $0x0  }
0x78: {  	[sflag:s16] =	ssyncadd.s32 @!p0 $0xFFFFF800  }
0x79: {  	_ =	swait.ge [sflag:s26], $0x5000  }
0x7a: {  	[sflag:s26] =	ssyncset.done $0x0  }
0x7b: {  	[sflag:s26] =	ssyncadd.s32 $0xFFFFB000  }
0x7c: {  	_ =	swait.ge [sflag:s28], $0x5000  }
0x7d: {  	[sflag:s28] =	ssyncset.done $0x0  }
.Ltmp3:
0x7e: {  	[sflag:s28] =	ssyncadd.s32 $0xFFFFB000;
	(pc) =	sbr.rel .LBB2_4-.Ltmp3, $4  }
0x7f: {  	s15 =	simm.s32 $0x0;
	[bflag:$0x0] =	sbarrier.arrive $0xFFFF  }
0x80: {  	[tilespmem:s23], [sflag:$0x1] =	stream.indirect.gather [hbm4b:s18+s29], $0x40, s15, s29, $0xb8;
	[tilespmem:$0x1F800] =	vst v63  }
0x81: {  	s17 =	simm.s32 $0x0;
	s19 =	simm.s32 $0x0;
	s16 =	simm.s32 $0x3  }
0x82: {  	[tilespmem:s30], [sflag:$0x2] =	stream.indirect.gather [hbm4b:s18+s29], $0x40, s29, s29, $0xb8;
	[tilespmem:$0x1F800] =	vst v63  }
.LBB2_18:
0x83: {  	s6 =	sadd.s32 $0x280, s20;
	s19 =	sadd.s32 $0x1, s19  }
0x84: {  	s17 =	sadd.s32 $0x800, s17;
	s16 =	sadd.s32 $0x4, s16;
	s15 =	sadd.s32 $0xFFFFFFFF, s15  }
0x85: {  	[tilespmem:s30], [sflag:$0x2] =	stream.indirect.gather [hbm4b:s18+s29], $0x40, s6, s29, $0xb8;
	[tilespmem:$0x1F800] =	vst v63  }
.LBB2_4:
0x86: {  	_ =	swait.ge [sflag:s26], $0x2000;
	p1 =	seq.s32 s15, $0x0  }
.Ltmp4:
0x87: {  	s20 =	sshra.s32 s17, $0x2;
	[sflag:s26] =	ssyncset.done $0x0;
	(pc) =	sbr.rel @p1 .LBB2_7-.Ltmp4, $4  }
0x88: {  	s6 =	sadd.s32 $0x5000, s20;
	[sflag:s26] =	ssyncadd.s32 $0xFFFFE000  }
0x89: {  	[spmem:s1] =	stream.indirect.scatter.add.f32 [tilespmem:s23], [sflag:$0x5], $0x40, s6, s29, $0xb8;
	[tilespmem:$0x1F800] =	vst v63  }
0x8a: {  	s21 =	simm.s32 @!p0 $0x80;
	s25 =	simm.s32 @!p0 $0x1C800  }
0x8b: {  	[spmem:s3] =	stream.indirect.scatter.add.f32 @!p0 [tilespmem:s25], [sflag:$0x9], $0x10, s6, s21, $0xb8;
	[tilespmem:$0x1F800] =	vst v63  }
.Ltmp5:
0x8c: {  	(pc) =	sbr.rel @p0 .LBB2_11-.Ltmp5, $4  }
0x8d: {  	_ = 	snop  }
0x8e: {  	_ =	swait.ge [sflag:s12], $0x2000  }
0x8f: {  	[sflag:s12] =	ssyncset.done $0x0  }
0x90: {  	[sflag:s12] =	ssyncadd.s32 $0xFFFFE000  }
0x91: {  	_ =	swait.ge [sflag:s13], $0x800  }
0x92: {  	[sflag:s13] =	ssyncset.done $0x0  }
0x93: {  	[sflag:s13] =	ssyncadd.s32 $0xFFFFF800  }
.LBB2_7:
0x94: {  	s6 =	sadd.s32 $0x100, s20  }
0x95: {  	[tilespmem:s31], [sflag:$0x3] =	stream.indirect.gather [hbm4b:s18+s29], $0x40, s6, s29, $0xb8;
	[tilespmem:$0x1F800] =	vst v63  }
0x96: {  	_ =	swait.ge [sflag:s28], $0x2000  }
0x97: {  	[sflag:s28] =	ssyncset.done $0x0  }
.Ltmp6:
0x98: {  	s6 =	sadd.s32 $0x5080, s20;
	[sflag:s28] =	ssyncadd.s32 $0xFFFFE000;
	(pc) =	sbr.rel @p1 .LBB2_10-.Ltmp6, $4  }
0x99: {  	[spmem:s1] =	stream.indirect.scatter.add.f32 [tilespmem:s30], [sflag:$0x6], $0x40, s6, s29, $0xb8;
	[tilespmem:$0x1F800] =	vst v63  }
0x9a: {  	_ = 	snop  }
0x9b: {  	[spmem:s3] =	stream.indirect.scatter.add.f32 @!p0 [tilespmem:s25], [sflag:$0xA], $0x10, s6, s21, $0xb8;
	[tilespmem:$0x1F800] =	vst v63  }
0x9c: {  	s21 =	sshll.u32 s19, $0x2  }
.Ltmp7:
0x9d: {  	(pc) =	sbr.rel @p0 .LBB2_12-.Ltmp7, $4  }
0x9e: {  	_ = 	snop  }
0x9f: {  	_ =	swait.ge [sflag:s22], $0x2000  }
0xa0: {  	[sflag:s22] =	ssyncset.done $0x0  }
0xa1: {  	[sflag:s22] =	ssyncadd.s32 $0xFFFFE000  }
0xa2: {  	_ =	swait.ge [sflag:s5], $0x800  }
0xa3: {  	[sflag:s5] =	ssyncset.done $0x0  }
0xa4: {  	[sflag:s5] =	ssyncadd.s32 $0xFFFFF800  }
.LBB2_10:
0xa5: {  	s6 =	sadd.s32 $0x180, s20  }
0xa6: {  	[tilespmem:s0], [sflag:$0x4] =	stream.indirect.gather [hbm4b:s18+s29], $0x40, s6, s29, $0xb8;
	[tilespmem:$0x1F800] =	vst v63  }
0xa7: {  	_ =	swait.ge [sflag:s2], $0x2000  }
.Ltmp8:
0xa8: {  	[sflag:s2] =	ssyncset.done $0x0;
	(pc) =	sbr.rel .LBB2_13-.Ltmp8, $4  }
0xa9: {  	s6 =	sadd.s32 $0x5100, s20;
	[sflag:s2] =	ssyncadd.s32 $0xFFFFE000  }
0xaa: {  	[spmem:s1] =	stream.indirect.scatter.add.f32 [tilespmem:s31], [sflag:$0x7], $0x40, s6, s29, $0xb8;
	[tilespmem:$0x1F800] =	vst v63  }
0xab: {  	s25 =	simm.s32 @!p0 $0x80;
	s8 =	simm.s32 @!p0 $0x1C800;
	s21 =	sor.u32 $0x3, s21  }
0xac: {  	[spmem:s3] =	stream.indirect.scatter.add.f32 @!p0 [tilespmem:s8], [sflag:$0xB], $0x10, s6, s25, $0xb8;
	[tilespmem:$0x1F800] =	vst v63  }
.LBB2_11:
0xad: {  	s6 =	sadd.s32 $0x100, s20  }
0xae: {  	[tilespmem:s31], [sflag:$0x3] =	stream.indirect.gather [hbm4b:s18+s29], $0x40, s6, s29, $0xb8;
	[tilespmem:$0x1F800] =	vst v63  }
0xaf: {  	_ =	swait.ge [sflag:s28], $0x2000  }
0xb0: {  	[sflag:s28] =	ssyncset.done $0x0  }
0xb1: {  	s25 =	sadd.s32 $0x5080, s20;
	[sflag:s28] =	ssyncadd.s32 $0xFFFFE000  }
0xb2: {  	[spmem:s1] =	stream.indirect.scatter.add.f32 [tilespmem:s30], [sflag:$0x6], $0x40, s25, s29, $0xb8;
	[tilespmem:$0x1F800] =	vst v63  }
0xb3: {  	_ =	swait.ge [sflag:s22], $0x2000  }
0xb4: {  	[sflag:s22] =	ssyncset.done $0x0  }
0xb5: {  	[sflag:s22] =	ssyncadd.s32 $0xFFFFE000  }
.LBB2_12:
0xb6: {  	s6 =	sadd.s32 $0x180, s20  }
0xb7: {  	[tilespmem:s0], [sflag:$0x4] =	stream.indirect.gather [hbm4b:s18+s29], $0x40, s6, s29, $0xb8;
	[tilespmem:$0x1F800] =	vst v63  }
0xb8: {  	_ =	swait.ge [sflag:s2], $0x2000  }
0xb9: {  	[sflag:s2] =	ssyncset.done $0x0  }
0xba: {  	s25 =	sadd.s32 $0x5100, s20;
	s21 =	smov.u32 s16;
	[sflag:s2] =	ssyncadd.s32 $0xFFFFE000  }
0xbb: {  	[spmem:s1] =	stream.indirect.scatter.add.f32 [tilespmem:s31], [sflag:$0x7], $0x40, s25, s29, $0xb8;
	[tilespmem:$0x1F800] =	vst v63  }
.LBB2_13:
0xbc: {  	p1 =	seq.s32 s15, $0xFFFFFFD9  }
0xbd: {  	s6 =	simm.s32 @!p1 $0x5  }
0xbe: {  	p2 =	sne.s32 @!p1 s4, $0x0;
	_ =	swait.ge @!p1 [sflag:s6], $0x2000  }
0xbf: {  	p2 =	por p2, p1;
	[sflag:s6] =	ssyncset.done @!p1 $0x0  }
0xc0: {  	[sflag:s6] =	ssyncadd.s32 @!p1 $0xFFFFE000;
	s6 =	simm.s32 @!p2 $0x9  }
0xc1: {  	_ =	swait.ge @!p2 [sflag:s6], $0x800  }
0xc2: {  	[sflag:s6] =	ssyncset.done @!p2 $0x0  }
0xc3: {  	[sflag:s6] =	ssyncadd.s32 @!p2 $0xFFFFF800;
	s6 =	sshra.s32 @!p1 s17, $0x2  }
0xc4: {  	s8 =	simm.s32 @!p1 $0x80;
	s25 =	simm.s32 @!p1 $0xA000;
	s6 =	sadd.s32 @!p1 $0x200, s6  }
0xc5: {  	[tilespmem:s25], [sflag:$0x1] =	stream.indirect.gather @!p1 [hbm4b:s18+s8], $0x40, s6, s8, $0xb8;
	[tilespmem:$0x1F800] =	vst v63  }
.Ltmp9:
0xc6: {  	_ = 	snop;
	(pc) =	sbr.rel @p0 .LBB2_16-.Ltmp9, $4  }
0xc7: {  	s25 =	sshll.u32 s21, $0x7;
	_ =	swait.ge [sflag:s7], $0x2000  }
0xc8: {  	s6 =	sand.u32 $0x3FFFFF80, s25;
	[sflag:s7] =	ssyncset.done $0x0  }
0xc9: {  	s21 =	sadd.s32 $0x5000, s6;
	[sflag:s7] =	ssyncadd.s32 $0xFFFFE000  }
0xca: {  	[spmem:s1] =	stream.indirect.scatter.add.f32 [tilespmem:s0], [sflag:$0x8], $0x40, s21, s29, $0xb8;
	[tilespmem:$0x1F800] =	vst v63  }
.Ltmp10:
0xcb: {  	(pc) =	sbr.rel @p1 .LBB2_19-.Ltmp10, $2  }
0xcc: {  	_ =	sdelay $0x2  }
0xcd: {  	[spmem:s3] =	stream.indirect.scatter.add.f32 [tilespmem:s9], [sflag:$0xC], $0x10, s21, s29, $0xb8;
	[tilespmem:$0x1F800] =	vst v63  }
0xce: {  	_ =	swait.ge [sflag:s10], $0x2000  }
.Ltmp11:
0xcf: {  	[sflag:s10] =	ssyncset.done $0x0;
	(pc) =	sbr.rel .LBB2_18-.Ltmp11, $4  }
0xd0: {  	[sflag:s10] =	ssyncadd.s32 $0xFFFFE000  }
0xd1: {  	_ =	swait.ge [sflag:s11], $0x800  }
0xd2: {  	[sflag:s11] =	ssyncset.done $0x0  }
0xd3: {  	[sflag:s11] =	ssyncadd.s32 $0xFFFFF800  }
.LBB2_16:
.Ltmp12:
0xd4: {  	(pc) =	sbr.rel @p1 .LBB2_20-.Ltmp12, $1  }
0xd5: {  	_ =	sdelay $0x3  }
.Ltmp13:
0xd6: {  	(pc) =	sbr.rel .LBB2_18-.Ltmp13, $4  }
0xd7: {  	_ = 	snop  }
0xd8: {  	_ =	swait.ge [sflag:s10], $0x2000  }
0xd9: {  	[sflag:s10] =	ssyncset.done $0x0  }
0xda: {  	[sflag:s10] =	ssyncadd.s32 $0xFFFFE000  }
.LBB2_19:
0xdb: {  	s6 =	simm.s32 $0x5  }
0xdc: {  	_ =	swait.ge [sflag:s6], $0x2000  }
0xdd: {  	[sflag:s6] =	ssyncset.done $0x0  }
0xde: {  	s25 =	simm.s32 $0x9;
	[sflag:s6] =	ssyncadd.s32 $0xFFFFE000  }
0xdf: {  	_ =	swait.ge [sflag:s25], $0x800  }
0xe0: {  	[sflag:s25] =	ssyncset.done $0x0  }
0xe1: {  	[sflag:s25] =	ssyncadd.s32 $0xFFFFF800  }
0xe2: {  	_ =	swait.ge [sflag:s10], $0x2000  }
0xe3: {  	[sflag:s10] =	ssyncset.done $0x0  }
0xe4: {  	[sflag:s10] =	ssyncadd.s32 $0xFFFFE000  }
0xe5: {  	_ =	swait.ge [sflag:s11], $0x800  }
0xe6: {  	[sflag:s11] =	ssyncset.done $0x0  }
0xe7: {  	[sflag:s11] =	ssyncadd.s32 $0xFFFFF800  }
0xe8: {  	_ =	swait.ge [sflag:s12], $0x2000  }
0xe9: {  	[sflag:s12] =	ssyncset.done $0x0  }
0xea: {  	[sflag:s12] =	ssyncadd.s32 $0xFFFFE000  }
0xeb: {  	_ =	swait.ge [sflag:s13], $0x800  }
0xec: {  	[sflag:s13] =	ssyncset.done $0x0  }
0xed: {  	[sflag:s13] =	ssyncadd.s32 $0xFFFFF800  }
0xee: {  	_ =	swait.ge [sflag:s22], $0x2000  }
.Ltmp14:
0xef: {  	[sflag:s22] =	ssyncset.done $0x0;
	(pc) =	sbr.rel .LBB2_21-.Ltmp14, $4  }
0xf0: {  	[sflag:s22] =	ssyncadd.s32 $0xFFFFE000  }
0xf1: {  	_ =	swait.ge [sflag:s5], $0x800  }
0xf2: {  	[sflag:s5] =	ssyncset.done $0x0  }
0xf3: {  	[sflag:s5] =	ssyncadd.s32 $0xFFFFF800  }
.LBB2_22:
0xf4: {  	_ =	sfence.sel $0x180000  }
0xf5: {  	[bflag:$0x0] =	sbarrier.arrive $0xFFFF  }
0xf6: {  	_ =	strace $0x90000047  }
0xf7: {  	s0 =	stileid.u32;
	[bflag:$0x2] =	sbarrier.arrive $0xFFFF  }
0xf8: {  	p0 =	sne.s32 s0, $0x0;
	s0 =	rddreg [dreg:$0x4]  }
0xf9: {  	s0 =	sadd.s32 @!p0 $0x100000, s0  }
0xfa: {  	[sflag:s0] =	ssyncadd.tile.s32 @!p0 $0x1;
	_ =	shalt  }
.Lfunc_end2:
_tile_overlayer_lowered:
.L_overlay_start_2:
0xfb: {  	(tag) =	ssettag $0x2  }
0xfc: {  	s0 =	rddreg [dreg:$0x0];
	s2 =	stileid.u32  }
0xfd: {  	s1 =	rddreg [dreg:$0x1];
	p0 =	sne.s32 s2, $0x0  }
0xfe: {  	s3 =	rddreg [dreg:$0x2];
	[bflag:$0x3] =	sbarrier.arrive $0xFFFF;
	s2 =	simm.s32 @!p0 $0x1C0D  }
0xff: {  	[timem:s3], [sflag:s2] =	dma.local @!p0 [hbm:s0], s1  }
0x100: {  	s0 =	simm.s32 @!p0 $0xD  }
0x101: {  	_ =	swait.ge @!p0 [sflag:s0], s1  }
0x102: {  	s1 =	ssub.s32 @!p0 $0x0, s1;
	[sflag:s0] =	ssyncset.done @!p0 $0x0  }
0x103: {  	[sflag:s0] =	ssyncadd.s32 @!p0 s1  }
0x104: {  	[bflag:$0x3] =	sbarrier.arrive $0xFFFF  }
0x105: {  	_ =	shalt  }

// kernel: kernel.9.cloned.1.call-start
scs
__scs_entry_jumppad:
0x0: {  	(pc) =	sbr.rel $0x88, $3  }
0x1: {  	(tag) =	ssettag $0x0;
	lr =	simm.s32 $0x1  }
0x2: {  	[smem:$0x3F97] =	sst lr;
	_ =	strace $0xD0000000  }
0x3: {  	_ = 	snop  }
0x4: {  	_ = 	snop  }
0x5: {  	_ = 	snop  }
0x6: {  	_ = 	snop  }
0x7: {  	_ = 	snop  }
__scs_overlays_trampoline_lowered:
0x8: {  	[smem:$0x3FA6] =	sst s0  }
0x9: {  	[smem:$0x3FA7] =	sst s1  }
0xa: {  	[smem:$0x3FA8] =	sst s2  }
0xb: {  	[smem:$0x3FA9] =	sst s3  }
0xc: {  	[smem:$0x3FAA] =	sst s4  }
0xd: {  	[smem:$0x3FAB] =	sst s5  }
0xe: {  	[smem:$0x3FAC] =	sst s6  }
0xf: {  	[smem:$0x3FAD] =	sst s7  }
0x10: {  	[smem:$0x3FAE] =	sst s8  }
0x11: {  	[smem:$0x3FAF] =	sst s9;
	s0 =	simm.s32 @!p0 $0x0  }
0x12: {  	s1 =	sld [smem:$0x3F95];
	s0 =	simm.s32 @p0 $0x1  }
0x13: {  	[smem:$0x3FB0] =	sst s0;
	s0 =	simm.s32 @!p1 $0x0  }
0x14: {  	s2 =	sld [smem:$0x3F94];
	s0 =	simm.s32 @p1 $0x1  }
0x15: {  	[smem:$0x3FB1] =	sst s0;
	s0 =	simm.s32 @!p2 $0x0  }
0x16: {  	s3 =	sld [smem:$0x3FDB];
	s0 =	simm.s32 @p2 $0x1  }
0x17: {  	s4 =	simm.s32 $0x1BF5;
	[smem:$0x3FB3] =	sst s0  }
0x18: {  	s0 =	sld [smem:$0x3F96];
	_ =	swait.ge [sflag:s4], $0x0  }
0x19: {  	s7 =	sld [smem:$0x3F97]  }
0x1a: {  	s8 =	sadd.s32 $0xFFFFE003, lr  }
0x1b: {  	s9 =	sadd.s32 $0xFFFFFEF7, lr;
	s5 =	simm.s32 $0xFFFFFFFF;
	p2 =	slt.u32 s8, $0xFFFFF086  }
0x1c: {  	p1 =	slt.u32 s9, $0xF7A;
	s5 =	simm.s32 @!p2 $0x0  }
0x1d: {  	s5 =	simm.s32 @p1 $0x1;
	p0 =	seq.s32 s7, s2  }
0x1e: {  	s7 =	smul.u32 @!p0 $0xF7A, s2;
	p2 =	seq.s32 @!p0 s5, $0x0  }
0x1f: {  	s9 =	smul.u32 $0xF7A, s1;
	s8 =	simm.s32 @!p0 $0x1BF5;
	p2 =	por !p2, p0  }
0x20: {  	[sflag:s8] =	ssyncset.s32 @!p0 $0xFFFFF086;
	s6 =	sadd.s32 @!p0 s3, s7;
	s7 =	simm.s32 @!p0 $0x108  }
0x21: {  	s3 =	sadd.s32 s3, s9;
	s6 =	sadd.s32 @!p0 $0x88, s6;
	s7 =	simm.s32 @p2 $0x1082  }
0x22: {  	[simem:s7], [sflag:s8] =	dma.local @!p0 [hbm:s6], $0xF7A  }
0x23: {  	s9 =	sor.u32 $0xD0000000, s2;
	s6 =	simm.s32 $0x108;
	_ =	swait.ge @!p0 [sflag:s8], $0x0  }
0x24: {  	s3 =	sadd.s32 $0x88, s3;
	s6 =	simm.s32 @!p1 $0x1082;
	[sflag:s4] =	ssyncset.s32 $0xFFFFF086  }
0x25: {  	[simem:s6], [sflag:s4] =	dma.local [hbm:s3], $0xF7A  }
0x26: {  	[smem:$0x3F97] =	sst s1;
	(tag) =	ssettag s2;
	_ =	strace s9  }
0x27: {  	s1 =	sld [smem:$0x3FA7]  }
0x28: {  	s2 =	sld [smem:$0x3FA8]  }
0x29: {  	s4 =	sld [smem:$0x3FAA]  }
0x2a: {  	p0 =	seq.s32 s5, $0x0;
	s5 =	sld [smem:$0x3FAB]  }
0x2b: {  	s6 =	sld [smem:$0x3FAC]  }
0x2c: {  	s7 =	sld [smem:$0x3FAD]  }
0x2d: {  	s3 =	simm.s32 $0x108;
	s8 =	sld [smem:$0x3FAE]  }
0x2e: {  	s3 =	simm.s32 @!p0 $0x1082;
	s9 =	sld [smem:$0x3FAF]  }
0x2f: {  	lr =	sadd.s32 s0, s3;
	s0 =	sld [smem:$0x3FA6]  }
0x30: {  	s3 =	sld [smem:$0x3FA9]  }
0x31: {  	[smem:$0x3FB2] =	sst s10  }
0x32: {  	s10 =	sld [smem:$0x3FB0];
	_ =	sdelay $0x3  }
0x33: {  	p0 =	seq.s32 s10, $0x1;
	s10 =	sld [smem:$0x3FB2];
	_ =	sdelay $0x3  }
0x34: {  	[smem:$0x3FB2] =	sst s10  }
0x35: {  	s10 =	sld [smem:$0x3FB1];
	_ =	sdelay $0x3  }
0x36: {  	p1 =	seq.s32 s10, $0x1;
	s10 =	sld [smem:$0x3FB2];
	_ =	sdelay $0x3  }
0x37: {  	[smem:$0x3FB2] =	sst s10  }
0x38: {  	s10 =	sld [smem:$0x3FB3]  }
0x39: {  	_ = 	snop;
	(pc) =	sbr.ind lr, $3  }
0x3a: {  	_ = 	snop  }
0x3b: {  	_ = 	snop  }
0x3c: {  	p2 =	seq.s32 s10, $0x1;
	s10 =	sld [smem:$0x3FB2]  }
0x3d: {  	_ =	shalt  }
0x3e: {  	_ =	shalt  }
0x3f: {  	_ =	shalt  }
0x40: {  	_ =	shalt  }
0x41: {  	_ =	shalt  }
0x42: {  	_ =	shalt  }
0x43: {  	_ =	shalt  }
0x44: {  	_ =	shalt  }
0x45: {  	_ =	shalt  }
0x46: {  	_ =	shalt  }
0x47: {  	_ =	shalt  }
0x48: {  	_ =	shalt  }
0x49: {  	_ =	shalt  }
0x4a: {  	_ =	shalt  }
0x4b: {  	_ =	shalt  }
0x4c: {  	_ =	shalt  }
0x4d: {  	_ =	shalt  }
0x4e: {  	_ =	shalt  }
0x4f: {  	_ =	shalt  }
0x50: {  	_ =	shalt  }
0x51: {  	_ =	shalt  }
0x52: {  	_ =	shalt  }
0x53: {  	_ =	shalt  }
0x54: {  	_ =	shalt  }
0x55: {  	_ =	shalt  }
0x56: {  	_ =	shalt  }
0x57: {  	_ =	shalt  }
0x58: {  	_ =	shalt  }
0x59: {  	_ =	shalt  }
0x5a: {  	_ =	shalt  }
0x5b: {  	_ =	shalt  }
0x5c: {  	_ =	shalt  }
0x5d: {  	_ =	shalt  }
0x5e: {  	_ =	shalt  }
0x5f: {  	_ =	shalt  }
0x60: {  	_ =	shalt  }
0x61: {  	_ =	shalt  }
0x62: {  	_ =	shalt  }
0x63: {  	_ =	shalt  }
0x64: {  	_ =	shalt  }
0x65: {  	_ =	shalt  }
0x66: {  	_ =	shalt  }
0x67: {  	_ =	shalt  }
0x68: {  	_ =	shalt  }
0x69: {  	_ =	shalt  }
0x6a: {  	_ =	shalt  }
0x6b: {  	_ =	shalt  }
0x6c: {  	_ =	shalt  }
0x6d: {  	_ =	shalt  }
0x6e: {  	_ =	shalt  }
0x6f: {  	_ =	shalt  }
0x70: {  	_ =	shalt  }
0x71: {  	_ =	shalt  }
0x72: {  	_ =	shalt  }
0x73: {  	_ =	shalt  }
0x74: {  	_ =	shalt  }
0x75: {  	_ =	shalt  }
0x76: {  	_ =	shalt  }
0x77: {  	_ =	shalt  }
0x78: {  	_ =	shalt  }
0x79: {  	_ =	shalt  }
0x7a: {  	_ =	shalt  }
0x7b: {  	_ =	shalt  }
0x7c: {  	_ =	shalt  }
0x7d: {  	_ =	shalt  }
0x7e: {  	_ =	shalt  }
0x7f: {  	_ =	shalt  }
0x80: {  	_ =	shalt  }
0x81: {  	_ =	shalt  }
0x82: {  	_ =	shalt  }
0x83: {  	_ =	shalt  }
0x84: {  	_ =	shalt  }
0x85: {  	_ =	shalt  }
0x86: {  	_ =	shalt  }
0x87: {  	_ =	shalt  }
.Lfunc_end0:
.L_simem_size_0:
called_computation.1_lowered:
.L_overlay_start_0:
0x88: {  	s2 =	sld [smem:$0x3FD9]  }
0x89: {  	s3 =	sld [smem:$0x3FFE];
	_ =	sdelay $0x1  }
0x8a: {  	s1 =	srdreg.scid  }
0x8b: {  	s0 =	sand.u32 $0x1, s1  }
0x8c: {  	s17 =	sshll.u32 s0, $0xA;
	s2 =	sadd.s32 s3, s2  }
0x8d: {  	s2 =	sadd.s32 s2, s17  }
0x8e: {  	[smem:$0x3FBE] =	sst s2  }
0x8f: {  	_ = 	snop  }
0x90: {  	s2 =	sld [smem:$0x3FD0];
	(tm) =	ssettm $0x1  }
0x91: {  	s18 =	sld [smem:$0x3FFB];
	_ =	sdelay $0x3  }
0x92: {  	_ =	strace s18  }
0x93: {  	s3 =	sld [smem:$0x3FFC];
	_ =	sdelay $0x3  }
0x94: {  	_ =	strace s3  }
0x95: {  	s3 =	sld [smem:$0x3FFD];
	_ =	sdelay $0x3  }
0x96: {  	_ =	strace s3  }
0x97: {  	_ =	strace $0x8FFFFFFF  }
0x98: {  	s19 =	sld [smem:$0x3FDB];
	_ =	sdelay $0x1  }
0x99: {  	s4 =	simm.s32 $_scs_section_size  }
0x9a: {  	s5 =	simm.s32 $_size__tile_overlayer_lowered;
	s6 =	simm.s32 $_tile_overlayer_lowered  }
0x9b: {  	s22 =	simm.s32 $0x1BFF;
	s21 =	sshll.u32 s6, $0x1;
	s3 =	sadd.s32 s4, s19  }
0x9c: {  	s7 =	simm.s32 $0x0;
	s20 =	sshll.u32 s5, $0x1;
	s5 =	sadd.s32 s21, s3  }
0x9d: {  	[timem:s7], [sflag:s22] =	dma.local [hbm:s5], s20  }
0x9e: {  	_ =	swait.ge [sflag:s22], s20  }
0x9f: {  	s4 =	ssub.s32 $0x0, s20;
	[sflag:s22] =	ssyncset.done $0x0  }
0xa0: {  	[sflag:s22] =	ssyncadd.s32 s4;
	_ =	sdelay $0x1  }
0xa1: {  	s23 =	simm.s32 $0x1B8B  }
0xa2: {  	_ =	swait.ge [sflag:s23], $0x1  }
0xa3: {  	[sflag:s23] =	ssyncset.done $0x0  }
0xa4: {  	s25 =	simm.s32 $0x1B8E;
	s24 =	sld [smem:$0x3FFE];
	[sflag:s23] =	ssyncadd.s32 $0xFFFFFFFF  }
0xa5: {  	s26 =	simm.s32 $execute0_lowered;
	[smem:$0x3FD2] =	sst s25  }
0xa6: {  	s5 =	sshll.u32 s26, $0x1;
	_ =	strace $0x80000049;
	[dreg:$0x1] =	wrdreg $0xFFFFFFFF  }
0xa7: {  	s28 =	simm.s32 $_size_execute0_lowered;
	s3 =	sadd.s32 s3, s5;
	[dreg:$0x0] =	wrdreg $0x0  }
0xa8: {  	s5 =	sshll.u32 s28, $0x1;
	[dreg:$0x2] =	wrdreg s3  }
0xa9: {  	[dreg:$0x3] =	wrdreg s5  }
0xaa: {  	[dreg:$0x4] =	wrdreg $0xC0  }
0xab: {  	_ =	task [dreg:s7], $0x5FFFF  }
0xac: {  	[dreg:$0x1] =	wrdreg $0xFFFFFFFF  }
0xad: {  	[dreg:$0x0] =	wrdreg $0x60  }
0xae: {  	[dreg:$0x2] =	wrdreg s24  }
0xaf: {  	[dreg:$0x3] =	wrdreg s2  }
0xb0: {  	[dreg:$0x4] =	wrdreg $0x128000  }
0xb1: {  	[dreg:$0x5] =	wrdreg $0x9  }
0xb2: {  	_ =	task.clear_ibuf [dreg:s7], $0x6FFFF;
	_ =	strace $0x90000049  }
0xb3: {  	s29 =	simm.s32 $0x9;
	_ =	strace $0x8000004B  }
0xb4: {  	_ =	swait.ge [sflag:s29], $0x1  }
0xb5: {  	[sflag:s29] =	ssyncadd.s32 $0xFFFFFFFF  }
0xb6: {  	_ =	strace $0x9000004B  }
0xb7: {  	_ =	sfence  }
0xb8: {  	s30 =	sld [smem:$0x0];
	_ =	sdelay $0x2  }
0xb9: {  	s31 =	sshll.u32 s1, $0xD;
	s1 =	sshrl.u32 s1, $0x2  }
0xba: {  	s3 =	sand.u32 $0x4000, s31;
	s1 =	sadd.s32 s1, s30  }
0xbb: {  	s0 =	sor.u32 s3, s0;
	s1 =	sshll.u32 s1, $0x11  }
0xbc: {  	s0 =	sor.u32 s1, s0  }
0xbd: {  	s0 =	sadd.s32 $0x8F2B, s0  }
0xbe: {  	[sflag:s0] =	ssyncadd.remote.s32 $0x1  }
0xbf: {  	_ =	sfence.sel $0xFFFF  }
0xc0: {  	[dreg:$0x0] =	wrdreg $0xFFFFFFFF;
	(pc) =	sbr.abs _section_cstart, $3  }
0xc1: {  	[dreg:$0x1] =	wrdreg $0xFFFFFFFF  }
0xc2: {  	_ =	task.clear_ibuf [dreg:s7], $0x2FFFF;
	_ =	strace $0x9FFFFFFF  }
0xc3: {  	(tm) =	ssettm $0x7FFFFFFF  }
tec
execute0_lowered:
.L_overlay_start_1:
0x0: {  	(tag) =	ssettag $0x1  }
0x1: {  	s0 =	rddreg [dreg:$0x0]  }
0x2: {  	s2 =	rddreg [dreg:$0x1]  }
0x3: {  	s1 =	rddreg [dreg:$0x2]  }
0x4: {  	s3 =	srdreg.scid;
	s6 =	simm.s32 $0x0;
	s23 =	stileid.u32  }
0x5: {  	s14 =	simm.s32 $0x5000;
	s15 =	simm.s32 $0xA000;
	s16 =	simm.s32 $0x9  }
0x6: {  	s17 =	simm.s32 $0x1;
	s18 =	simm.s32 $0x2;
	s19 =	simm.s32 $0x80  }
0x7: {  	s20 =	simm.s32 $0xC000;
	s22 =	simm.s32 $0xE000;
	s24 =	smul.u32 $0xA000, s23  }
0x8: {  	s29 =	simm.s32 $0x5;
	s31 =	simm.s32 $0x4;
	s25 =	smul.u32 $0x5000, s23  }
0x9: {  	s28 =	simm.s32 $0x0;
	s4 =	sand.u32 $0x1, s3;
	s8 =	smul.u32 $0x28000, s23  }
0xa: {  	[smem:$0x7FF] =	sst s6;
	s5 =	smul.u32 $0xA0000, s4;
	s4 =	ssub.s32 $0x2, s4  }
0xb: {  	s23 =	simm.s32 $0x7;
	_ =	strace $0x8000004A;
	s26 =	sshrl.u32 s4, $0x1  }
0xc: {  	s30 =	sshrl.u32 s8, $0x2;
	s6 =	sadd.s32 s24, s1;
	s7 =	sshrl.u32 s5, $0x3  }
0xd: {  	s5 =	sadd.s32 s24, s5;
	s13 =	ssub.s32 s4, s26;
	s26 =	simm.s32 $0x3  }
0xe: {  	s24 =	simm.s32 $0x8;
	s11 =	sadd.s32 s7, s0;
	s5 =	sshrl.u32 s5, $0x3  }
.Ltmp0:
0xf: {  	s7 =	sshrl.u32 s25, $0x3;
	s13 =	smax.u32 s13, $0x1;
	(pc) =	sbr.rel .LBB2_1-.Ltmp0, $4  }
0x10: {  	s25 =	simm.s32 $0x10000;
	s0 =	sadd.s32 s5, s0;
	s4 =	sadd.s32 s2, s7  }
0x11: {  	s2 =	sadd.s32 s30, s1;
	s11 =	sadd.s32 $0x2400, s11;
	s5 =	sadd.s32 $0xA000, s4  }
0x12: {  	s7 =	sadd.s32 $0x2000, s2;
	s8 =	sadd.s32 $0x4000, s2;
	s9 =	sadd.s32 $0x6000, s2  }
0x13: {  	v0 =	vimm.f32 $0.0e+00;
	s10 =	sadd.s32 $0x8000, s2;
	s12 =	sadd.s32 $0x2A400, s0;
	s2 =	simm.s32 $0x6  }
.LBB2_6:
0x14: {  	_ =	swait.ge [sflag:s31], $0x2000  }
0x15: {  	[sflag:s31] =	ssyncset.done $0x0  }
0x16: {  	[sflag:s31] =	ssyncadd.s32 $0xFFFFE000  }
0x17: {  	[spmem:s1] =	stream.indirect.scatter.add.f32 [tilespmem:s25], [sflag:$0x8], $0x40, s21, s19, $0xb8;
	[tilespmem:$0x1C800] =	vst v63  }
0x18: {  	_ =	swait.ge [sflag:s29], $0x2000  }
0x19: {  	[sflag:s29] =	ssyncset.done $0x0  }
0x1a: {  	[sflag:s29] =	ssyncadd.s32 $0xFFFFE000  }
0x1b: {  	_ =	swait.ge [sflag:s2], $0x2000  }
0x1c: {  	[sflag:s2] =	ssyncset.done $0x0  }
0x1d: {  	[sflag:s2] =	ssyncadd.s32 $0xFFFFE000  }
0x1e: {  	_ =	swait.ge [sflag:s23], $0x2000  }
0x1f: {  	[sflag:s23] =	ssyncset.done $0x0  }
0x20: {  	[sflag:s23] =	ssyncadd.s32 $0xFFFFE000  }
0x21: {  	s0 =	stileid.u32;
	_ =	swait.ge [sflag:s24], $0x2000  }
0x22: {  	s3 =	sshrl.u32 s6, $0x3;
	s28 =	sadd.s32 $0x1, s28;
	[sflag:s24] =	ssyncset.done $0x0  }
0x23: {  	s0 =	sshll.u32 s0, $0x6;
	p0 =	sne.s32 s28, s13;
	[sflag:s24] =	ssyncadd.s32 $0xFFFFE000  }
.Ltmp1:
0x24: {  	s0 =	sor.u32 $0x1C09, s0;
	[bflag:$0x0] =	sbarrier.arrive $0xFFFF;
	(pc) =	sbr.rel @!p0 .LBB2_7-.Ltmp1, $4  }
0x25: {  	[hbm:s12], [sflag:s0] =	dma.local [spmem:s3], $0x1400  }
0x26: {  	_ =	swait.ge [sflag:s16], $0x1400  }
0x27: {  	[sflag:s16] =	ssyncset.done $0x0  }
0x28: {  	[sflag:s16] =	ssyncadd.s32 $0xFFFFEC00  }
.LBB2_1:
0x29: {  	s0 =	simm.s32 $0x0  }
0x2a: {  	[tilespmem:s0], [sflag:$0x1] =	stream.linear.gather [hbm4b:s4+s0], $0x5000, $0x38;
	[tilespmem:$0x1C800] =	vst v63  }
0x2b: {  	_ = 	snop  }
0x2c: {  	[tilespmem:s14], [sflag:$0x2] =	stream.linear.gather [hbm4b:s5+s0], $0x5000, $0x38;
	[tilespmem:$0x1C800] =	vst v63  }
0x2d: {  	s0 =	simm.s32 $0xA020  }
0x2e: {  	[tilespmem:s0+$0x0] =	vst v0  }
0x2f: {  	[tilespmem:s0+$0xFFFFFFE0] =	vst v0  }
0x30: {  	[tilespmem:s0+$0x10] =	vst v0  }
0x31: {  	s30 =	simm.s32 $0x40;
	s21 =	simm.s32 $0x0;
	[tilespmem:s0+$0xFFFFFFF0] =	vst v0  }
.LBB2_2:
0x32: {  	p0 =	sne.s32 s30, $0x1FC0  }
0x33: {  	[tilespmem:s21+$0x12000] =	vst v0;
	s0 =	sadd.s32 $0x40, s0;
	s21 =	smov.u32 s30;
	s30 =	sadd.s32 $0x40, s30  }
.Ltmp2:
0x34: {  	[tilespmem:s0+$0x0] =	vst v0;
	(pc) =	sbr.rel @p0 .LBB2_2-.Ltmp2, $4  }
0x35: {  	_ = 	snop  }
0x36: {  	[tilespmem:s0+$0xFFFFFFE0] =	vst v0  }
0x37: {  	[tilespmem:s0+$0x10] =	vst v0  }
0x38: {  	s21 =	sshra.s32 s21, $0x2;
	[tilespmem:s0+$0xFFFFFFF0] =	vst v0  }
0x39: {  	[tilespmem:s21+$0x12000] =	vst v0  }
0x3a: {  	[spmem:s6] =	stream.linear.scatter [tilespmem:s15], [sflag:$0x9], $0x2000, $0x38;
	[tilespmem:$0x1C800] =	vst v63  }
0x3b: {  	_ =	swait.ge [sflag:s16], $0x2000  }
0x3c: {  	[sflag:s16] =	ssyncset.done $0x0  }
0x3d: {  	[sflag:s16] =	ssyncadd.s32 $0xFFFFE000  }
0x3e: {  	[spmem:s7] =	stream.linear.scatter [tilespmem:s15], [sflag:$0x9], $0x2000, $0x38;
	[tilespmem:$0x1C800] =	vst v63  }
0x3f: {  	_ =	swait.ge [sflag:s16], $0x2000  }
0x40: {  	[sflag:s16] =	ssyncset.done $0x0  }
0x41: {  	[sflag:s16] =	ssyncadd.s32 $0xFFFFE000  }
0x42: {  	[spmem:s8] =	stream.linear.scatter [tilespmem:s15], [sflag:$0x9], $0x2000, $0x38;
	[tilespmem:$0x1C800] =	vst v63  }
0x43: {  	_ =	swait.ge [sflag:s16], $0x2000  }
0x44: {  	[sflag:s16] =	ssyncset.done $0x0  }
0x45: {  	[sflag:s16] =	ssyncadd.s32 $0xFFFFE000  }
0x46: {  	[spmem:s9] =	stream.linear.scatter [tilespmem:s15], [sflag:$0x9], $0x2000, $0x38;
	[tilespmem:$0x1C800] =	vst v63  }
0x47: {  	_ =	swait.ge [sflag:s16], $0x2000  }
0x48: {  	[sflag:s16] =	ssyncset.done $0x0  }
0x49: {  	[sflag:s16] =	ssyncadd.s32 $0xFFFFE000  }
0x4a: {  	[spmem:s10] =	stream.linear.scatter [tilespmem:s15], [sflag:$0x9], $0x2000, $0x38;
	[tilespmem:$0x1C800] =	vst v63  }
0x4b: {  	_ =	swait.ge [sflag:s16], $0x2000  }
0x4c: {  	[sflag:s16] =	ssyncset.done $0x0  }
0x4d: {  	[sflag:s16] =	ssyncadd.s32 $0xFFFFE000  }
0x4e: {  	_ =	swait.ge [sflag:s17], $0x5000  }
0x4f: {  	[sflag:s17] =	ssyncset.done $0x0  }
0x50: {  	[sflag:s17] =	ssyncadd.s32 $0xFFFFB000  }
0x51: {  	_ =	swait.ge [sflag:s18], $0x5000  }
0x52: {  	[sflag:s18] =	ssyncset.done $0x0  }
0x53: {  	[sflag:s18] =	ssyncadd.s32 $0xFFFFB000  }
0x54: {  	s30 =	simm.s32 $0x0;
	[bflag:$0x0] =	sbarrier.arrive $0xFFFF  }
0x55: {  	[tilespmem:s15], [sflag:$0x1] =	stream.indirect.gather [hbm4b:s11+s19], $0x40, s30, s19, $0xb8;
	[tilespmem:$0x1C800] =	vst v63  }
0x56: {  	_ = 	snop  }
0x57: {  	[tilespmem:s20], [sflag:$0x2] =	stream.indirect.gather [hbm4b:s11+s19], $0x40, s19, s19, $0xb8;
	[tilespmem:$0x1C800] =	vst v63  }
0x58: {  	_ =	swait.ge [sflag:s17], $0x2000  }
0x59: {  	[sflag:s17] =	ssyncset.done $0x0  }
0x5a: {  	[sflag:s17] =	ssyncadd.s32 $0xFFFFE000  }
0x5b: {  	[spmem:s1] =	stream.indirect.scatter.add.f32 [tilespmem:s15], [sflag:$0x5], $0x40, s14, s19, $0xb8;
	[tilespmem:$0x1C800] =	vst v63  }
0x5c: {  	s0 =	simm.s32 $0x100  }
0x5d: {  	[tilespmem:s22], [sflag:$0x3] =	stream.indirect.gather [hbm4b:s11+s19], $0x40, s0, s19, $0xb8;
	[tilespmem:$0x1C800] =	vst v63  }
0x5e: {  	_ =	swait.ge [sflag:s18], $0x2000  }
0x5f: {  	[sflag:s18] =	ssyncset.done $0x0  }
0x60: {  	s3 =	simm.s32 $0x5080;
	[sflag:s18] =	ssyncadd.s32 $0xFFFFE000  }
0x61: {  	[spmem:s1] =	stream.indirect.scatter.add.f32 [tilespmem:s20], [sflag:$0x6], $0x40, s3, s19, $0xb8;
	[tilespmem:$0x1C800] =	vst v63  }
0x62: {  	s21 =	simm.s32 $0x180  }
0x63: {  	[tilespmem:s25], [sflag:$0x4] =	stream.indirect.gather [hbm4b:s11+s19], $0x40, s21, s19, $0xb8;
	[tilespmem:$0x1C800] =	vst v63  }
0x64: {  	_ =	swait.ge [sflag:s26], $0x2000  }
0x65: {  	[sflag:s26] =	ssyncset.done $0x0  }
0x66: {  	s3 =	simm.s32 $0x5100;
	[sflag:s26] =	ssyncadd.s32 $0xFFFFE000  }
0x67: {  	[spmem:s1] =	stream.indirect.scatter.add.f32 [tilespmem:s22], [sflag:$0x7], $0x40, s3, s19, $0xb8;
	[tilespmem:$0x1C800] =	vst v63  }
0x68: {  	_ =	swait.ge [sflag:s29], $0x2000  }
0x69: {  	[sflag:s29] =	ssyncset.done $0x0  }
0x6a: {  	s21 =	simm.s32 $0x200;
	[sflag:s29] =	ssyncadd.s32 $0xFFFFE000  }
0x6b: {  	[tilespmem:s15], [sflag:$0x1] =	stream.indirect.gather [hbm4b:s11+s19], $0x40, s21, s19, $0xb8;
	[tilespmem:$0x1C800] =	vst v63  }
0x6c: {  	_ =	swait.ge [sflag:s31], $0x2000  }
0x6d: {  	[sflag:s31] =	ssyncset.done $0x0  }
0x6e: {  	s3 =	simm.s32 $0x5180;
	[sflag:s31] =	ssyncadd.s32 $0xFFFFE000  }
0x6f: {  	[spmem:s1] =	stream.indirect.scatter.add.f32 [tilespmem:s25], [sflag:$0x8], $0x40, s3, s19, $0xb8;
	[tilespmem:$0x1C800] =	vst v63  }
0x70: {  	_ =	swait.ge [sflag:s2], $0x2000  }
0x71: {  	[sflag:s2] =	ssyncset.done $0x0  }
0x72: {  	s21 =	simm.s32 $0x280;
	[sflag:s2] =	ssyncadd.s32 $0xFFFFE000  }
0x73: {  	[tilespmem:s20], [sflag:$0x2] =	stream.indirect.gather [hbm4b:s11+s19], $0x40, s21, s19, $0xb8;
	[tilespmem:$0x1C800] =	vst v63  }
.LBB2_4:
0x74: {  	_ =	swait.ge [sflag:s17], $0x2000  }
0x75: {  	s0 =	sshra.s32 s30, $0x2;
	[sflag:s17] =	ssyncset.done $0x0  }
0x76: {  	s21 =	sadd.s32 $0x5200, s0;
	[sflag:s17] =	ssyncadd.s32 $0xFFFFE000  }
0x77: {  	[spmem:s1] =	stream.indirect.scatter.add.f32 [tilespmem:s15], [sflag:$0x5], $0x40, s21, s19, $0xb8;
	[tilespmem:$0x1C800] =	vst v63  }
0x78: {  	_ =	swait.ge [sflag:s23], $0x2000  }
0x79: {  	[sflag:s23] =	ssyncset.done $0x0  }
0x7a: {  	s3 =	sadd.s32 $0x300, s0;
	[sflag:s23] =	ssyncadd.s32 $0xFFFFE000  }
0x7b: {  	[tilespmem:s22], [sflag:$0x3] =	stream.indirect.gather [hbm4b:s11+s19], $0x40, s3, s19, $0xb8;
	[tilespmem:$0x1C800] =	vst v63  }
0x7c: {  	_ =	swait.ge [sflag:s18], $0x2000  }
0x7d: {  	[sflag:s18] =	ssyncset.done $0x0  }
0x7e: {  	s3 =	sadd.s32 $0x5280, s0;
	[sflag:s18] =	ssyncadd.s32 $0xFFFFE000  }
0x7f: {  	[spmem:s1] =	stream.indirect.scatter.add.f32 [tilespmem:s20], [sflag:$0x6], $0x40, s3, s19, $0xb8;
	[tilespmem:$0x1C800] =	vst v63  }
0x80: {  	_ =	swait.ge [sflag:s24], $0x2000  }
0x81: {  	[sflag:s24] =	ssyncset.done $0x0  }
0x82: {  	p0 =	seq.s32 s30, $0x13000;
	s3 =	sadd.s32 $0x380, s0;
	[sflag:s24] =	ssyncadd.s32 $0xFFFFE000  }
0x83: {  	[tilespmem:s25], [sflag:$0x4] =	stream.indirect.gather [hbm4b:s11+s19], $0x40, s3, s19, $0xb8;
	[tilespmem:$0x1C800] =	vst v63  }
.Ltmp3:
0x84: {  	_ = 	snop;
	(pc) =	sbr.rel @p0 .LBB2_6-.Ltmp3, $4  }
0x85: {  	_ =	swait.ge [sflag:s26], $0x2000  }
0x86: {  	[sflag:s26] =	ssyncset.done $0x0  }
0x87: {  	s21 =	sadd.s32 $0x5380, s0;
	s3 =	sadd.s32 $0x5300, s0;
	[sflag:s26] =	ssyncadd.s32 $0xFFFFE000  }
0x88: {  	[spmem:s1] =	stream.indirect.scatter.add.f32 [tilespmem:s22], [sflag:$0x7], $0x40, s3, s19, $0xb8;
	[tilespmem:$0x1C800] =	vst v63  }
0x89: {  	_ =	swait.ge [sflag:s29], $0x2000  }
0x8a: {  	[sflag:s29] =	ssyncset.done $0x0  }
0x8b: {  	s3 =	sadd.s32 $0x400, s0;
	[sflag:s29] =	ssyncadd.s32 $0xFFFFE000  }
0x8c: {  	[tilespmem:s15], [sflag:$0x1] =	stream.indirect.gather [hbm4b:s11+s19], $0x40, s3, s19, $0xb8;
	[tilespmem:$0x1C800] =	vst v63  }
0x8d: {  	_ =	swait.ge [sflag:s31], $0x2000  }
0x8e: {  	[sflag:s31] =	ssyncset.done $0x0  }
0x8f: {  	[sflag:s31] =	ssyncadd.s32 $0xFFFFE000  }
0x90: {  	[spmem:s1] =	stream.indirect.scatter.add.f32 [tilespmem:s25], [sflag:$0x8], $0x40, s21, s19, $0xb8;
	[tilespmem:$0x1C800] =	vst v63  }
.Ltmp4:
0x91: {  	_ = 	snop;
	(pc) =	sbr.rel .LBB2_4-.Ltmp4, $4  }
0x92: {  	_ =	swait.ge [sflag:s2], $0x2000  }
0x93: {  	[sflag:s2] =	ssyncset.done $0x0  }
0x94: {  	s30 =	sadd.s32 $0x800, s30;
	s21 =	sadd.s32 $0x480, s0;
	[sflag:s2] =	ssyncadd.s32 $0xFFFFE000  }
0x95: {  	[tilespmem:s20], [sflag:$0x2] =	stream.indirect.gather [hbm4b:s11+s19], $0x40, s21, s19, $0xb8;
	[tilespmem:$0x1C800] =	vst v63  }
.LBB2_7:
0x96: {  	_ =	sfence.sel $0x180000  }
0x97: {  	[bflag:$0x0] =	sbarrier.arrive $0xFFFF  }
0x98: {  	_ =	strace $0x9000004A  }
0x99: {  	s0 =	stileid.u32;
	[bflag:$0x2] =	sbarrier.arrive $0xFFFF  }
0x9a: {  	p0 =	sne.s32 s0, $0x0;
	s0 =	rddreg [dreg:$0x3]  }
0x9b: {  	s0 =	sadd.s32 @!p0 $0x100000, s0  }
0x9c: {  	[sflag:s0] =	ssyncadd.tile.s32 @!p0 $0x1;
	_ =	shalt  }
.Lfunc_end2:
_tile_overlayer_lowered:
.L_overlay_start_2:
0x9d: {  	(tag) =	ssettag $0x2  }
0x9e: {  	s0 =	rddreg [dreg:$0x0];
	s2 =	stileid.u32  }
0x9f: {  	s1 =	rddreg [dreg:$0x1];
	p0 =	sne.s32 s2, $0x0  }
0xa0: {  	s3 =	rddreg [dreg:$0x2];
	[bflag:$0x3] =	sbarrier.arrive $0xFFFF;
	s2 =	simm.s32 @!p0 $0x1C09  }
0xa1: {  	[timem:s3], [sflag:s2] =	dma.local @!p0 [hbm:s0], s1  }
0xa2: {  	s0 =	simm.s32 @!p0 $0x9  }
0xa3: {  	_ =	swait.ge @!p0 [sflag:s0], s1  }
0xa4: {  	s1 =	ssub.s32 @!p0 $0x0, s1;
	[sflag:s0] =	ssyncset.done @!p0 $0x0  }
0xa5: {  	[sflag:s0] =	ssyncadd.s32 @!p0 s1  }
0xa6: {  	[bflag:$0x3] =	sbarrier.arrive $0xFFFF  }
0xa7: {  	_ =	shalt  }

</sc_bundles>
